<compile_context>
chip_gen: v7x
topology: tpu7x:2x2x1
jax: 0.10.2.dev20260603
libtpu: 0.0.44.dev20260713+nightly
codegen_flags: <defaults>
</compile_context>

<pallas_src>
import dataclasses
import functools

import jax
import jax.numpy as jnp
from jax import lax
from jax.experimental import pallas as pl
from jax.experimental.pallas import tpu as pltpu
from jax.experimental.pallas import tpu_sc as plsc

N_NODES = 10000
D = 128
HIDDEN = 128
N_CLASSES = 40

NC = 2
NS = 16
NW = NC * NS
K = 128
CH = 40
NSPLIT = 4
QS = K // NSPLIT
N_PAD = 10240
ROWS_PT = N_PAD // NS
R_BLK = 2560

_MESH = plsc.VectorSubcoreMesh(core_axis_name="c", subcore_axis_name="s")

_CP_NO_LAYOUT = pltpu.CompilerParams()
if "needs_layout_passes" in pltpu.CompilerParams.__dataclass_fields__:
    _CP_NO_LAYOUT = dataclasses.replace(_CP_NO_LAYOUT, needs_layout_passes=False)



def _sc_degree(dst_w):
    C = dst_w.shape[1]

    @functools.partial(
        pl.kernel,
        out_type=jax.ShapeDtypeStruct((NW, N_PAD), jnp.float32),
        mesh=_MESH,
        compiler_params=_CP_NO_LAYOUT,
        scratch_types=[
            pltpu.VMEM((N_PAD,), jnp.float32),
            pltpu.VMEM((C, K), jnp.int32),
        ],
    )
    def deg_kernel(dst_hbm, out_hbm, deg_v, idx_v):
        cid = lax.axis_index("c")
        sid = lax.axis_index("s")
        wid = sid * NC + cid
        pltpu.sync_copy(dst_hbm.at[wid], idx_v)

        @pl.loop(0, N_PAD // 16)
        def _(i):
            deg_v[pl.ds(i * 16, 16)] = jnp.zeros((16,), jnp.float32)

        ones = jnp.ones((16,), jnp.float32)

        @pl.loop(0, C)
        def _(c):
            for j in range(K // 16):
                idx = idx_v[c, pl.ds(j * 16, 16)]
                plsc.addupdate_scatter(deg_v, [idx], ones)

        pltpu.sync_copy(deg_v, out_hbm.at[wid])

    return deg_kernel(dst_w)


def _sc_aggregate(h_pad, src_w, dst_w):
    C = src_w.shape[1]
    assert C == 2 * CH

    @functools.partial(
        pl.kernel,
        out_type=jax.ShapeDtypeStruct((NC, N_PAD, D), jnp.float32),
        mesh=_MESH,
        scratch_types=[
            pltpu.VMEM_SHARED((N_PAD, D), jnp.float32),
            pltpu.VMEM((CH, K), jnp.int32),
            pltpu.VMEM((CH, K), jnp.int32),
            pltpu.VMEM((K, D), jnp.float32),
            pltpu.VMEM((K, D), jnp.float32),
            pltpu.SemaphoreType.DMA,
            pltpu.SemaphoreType.DMA,
        ],
    )
    def agg_kernel(h_hbm, src_hbm, dst_hbm, out_hbm,
                   acc, sidx, didx, buf0, buf1, sem0, sem1):
        cid = lax.axis_index("c")
        sid = lax.axis_index("s")
        wid = sid * NC + cid
        r0 = sid * ROWS_PT

        @pl.loop(0, K)
        def _(r):
            for j in range(D // 16):
                buf0[r, pl.ds(j * 16, 16)] = jnp.zeros((16,), jnp.float32)

        for b in range(ROWS_PT // K):
            pltpu.sync_copy(buf0, acc.at[pl.ds(r0 + b * K, K)])
        plsc.subcore_barrier()

        def _wait(buf, sem):
            pltpu.make_async_copy(h_hbm.at[pl.ds(0, K)], buf, sem).wait()

        def _issue(sidx_ref, c, buf, sem):
            for q in range(NSPLIT):
                pltpu.async_copy(
                    h_hbm.at[sidx_ref.at[c, pl.ds(q * QS, QS)]],
                    buf.at[pl.ds(q * QS, QS)], sem)

        for h in (0, 1):
            pltpu.sync_copy(src_hbm.at[wid, pl.ds(h * CH, CH)], sidx)
            pltpu.sync_copy(dst_hbm.at[wid, pl.ds(h * CH, CH)], didx)
            _issue(sidx, 0, buf0, sem0)

            @pl.loop(0, CH, step=2)
            def _(c):
                _wait(buf0, sem0)
                _issue(sidx, c + 1, buf1, sem1)
                pltpu.sync_copy(buf0, acc.at[didx.at[c]], add=True)
                _wait(buf1, sem1)

                @pl.when(c + 2 < CH)
                def _():
                    _issue(sidx, c + 2, buf0, sem0)

                pltpu.sync_copy(buf1, acc.at[didx.at[c + 1]], add=True)

        plsc.subcore_barrier()
        pltpu.sync_copy(acc.at[pl.ds(r0, ROWS_PT)],
                        out_hbm.at[cid, pl.ds(r0, ROWS_PT)])

    return agg_kernel(h_pad, src_w, dst_w)



def _dis_block(degp_ref):
    deg = jnp.sum(degp_ref[...], axis=0)[:, None] + 1.0
    return lax.rsqrt(deg)


def _mm_body(x_ref, w_ref, o_ref):
    o_ref[...] = jnp.dot(x_ref[...], w_ref[...],
                         preferred_element_type=jnp.float32)


def _scale_body(h_ref, degp_ref, o_ref):
    o_ref[...] = h_ref[...] * _dis_block(degp_ref)


def _mid_body(aggp_ref, hp_ref, degp_ref, b_ref, w_ref, o_ref):
    dis = _dis_block(degp_ref)
    z = (aggp_ref[0] + aggp_ref[1] + hp_ref[...]) * dis + b_ref[...]
    z = jnp.maximum(z, 0.0)
    o_ref[...] = jnp.dot(z, w_ref[...],
                         preferred_element_type=jnp.float32) * dis


def _out_body(aggp_ref, hp_ref, degp_ref, b_ref, w_ref, bo_ref, o_ref):
    dis = _dis_block(degp_ref)
    z = (aggp_ref[0] + aggp_ref[1] + hp_ref[...]) * dis + b_ref[...]
    logits = jnp.dot(z, w_ref[...],
                     preferred_element_type=jnp.float32) + bo_ref[...]
    m = jnp.max(logits, axis=1, keepdims=True)
    e = jnp.exp(logits - m)
    o_ref[...] = e / jnp.sum(e, axis=1, keepdims=True)


_GRID = (N_PAD // R_BLK,)
_ROW = pl.BlockSpec((R_BLK, D), lambda i: (i, 0))
_DEGP = pl.BlockSpec((NW, R_BLK), lambda i: (0, i))
_AGGP = pl.BlockSpec((NC, R_BLK, D), lambda i: (0, i, 0))
_WFULL = pl.BlockSpec((D, HIDDEN), lambda i: (0, 0))
_BROW = pl.BlockSpec((1, HIDDEN), lambda i: (0, 0))


def _tc_matmul(x_pad, W):
    return pl.pallas_call(
        _mm_body, grid=_GRID,
        in_specs=[_ROW, _WFULL], out_specs=_ROW,
        out_shape=jax.ShapeDtypeStruct((N_PAD, HIDDEN), jnp.float32),
    )(x_pad, W)


def _tc_scale(h, degp):
    return pl.pallas_call(
        _scale_body, grid=_GRID,
        in_specs=[_ROW, _DEGP], out_specs=_ROW,
        out_shape=jax.ShapeDtypeStruct((N_PAD, HIDDEN), jnp.float32),
    )(h, degp)


def _tc_mid(aggp, hp, degp, b, W):
    return pl.pallas_call(
        _mid_body, grid=_GRID,
        in_specs=[_AGGP, _ROW, _DEGP, _BROW, _WFULL], out_specs=_ROW,
        out_shape=jax.ShapeDtypeStruct((N_PAD, HIDDEN), jnp.float32),
    )(aggp, hp, degp, b, W)


def _tc_out(aggp, hp, degp, b, W_out, b_out):
    return pl.pallas_call(
        _out_body, grid=_GRID,
        in_specs=[_AGGP, _ROW, _DEGP, _BROW,
                  pl.BlockSpec((HIDDEN, N_CLASSES), lambda i: (0, 0)),
                  pl.BlockSpec((1, N_CLASSES), lambda i: (0, 0))],
        out_specs=pl.BlockSpec((R_BLK, N_CLASSES), lambda i: (i, 0)),
        out_shape=jax.ShapeDtypeStruct((N_PAD, N_CLASSES), jnp.float32),
    )(aggp, hp, degp, b, W_out, b_out)



def kernel(x, edge_index, W1, b1, W2, b2, W_out, b_out):
    src = edge_index[0].astype(jnp.int32)
    dst = edge_index[1].astype(jnp.int32)
    E = src.shape[0]
    C = 2 * CH
    assert NW * C * K >= E
    pad = NW * C * K - E
    n_dummy = N_PAD - N_NODES
    assert pad % n_dummy == 0
    fill = (N_NODES + jnp.broadcast_to(
        jnp.arange(n_dummy, dtype=jnp.int32), (pad // n_dummy, n_dummy))
            ).reshape(pad // K, K)
    src_w = jnp.concatenate([src.reshape(E // K, K), fill]).reshape(NW, C, K)
    dst_w = jnp.concatenate([dst.reshape(E // K, K), fill]).reshape(NW, C, K)
    x_pad = jnp.concatenate(
        [x, jnp.zeros((N_PAD - N_NODES, D), jnp.float32)])
    b1r = b1.reshape(1, HIDDEN)
    b2r = b2.reshape(1, HIDDEN)
    boutr = b_out.reshape(1, N_CLASSES)

    degp = _sc_degree(dst_w)
    h1 = _tc_matmul(x_pad, W1)
    h1p = _tc_scale(h1, degp)
    agg1 = _sc_aggregate(h1p, src_w, dst_w)
    h2p = _tc_mid(agg1, h1p, degp, b1r, W2)
    agg2 = _sc_aggregate(h2p, src_w, dst_w)
    outp = _tc_out(agg2, h2p, degp, b2r, W_out, boutr)
    return outp[:N_NODES]

# --- scband reference (transcript-rebuilt; emitter-appended) ---
"""Pipeline reference for scband-gcn-14405320311543 (READ-ONLY COPY).

The authoritative reference and input builder live on the scoring server;
editing this copy changes nothing except your own understanding.
"""

import jax, jax.numpy as jnp
import numpy as np

N_NODES = 10000
N_EDGES = 320000
D_FEAT = 128
HIDDEN = 128
N_CLASSES = 40


def setup_inputs(seed: int = 0) -> dict:
    key = jax.random.key(seed)
    ks = jax.random.split(key, 8)
    x = jax.random.normal(ks[0], (N_NODES, D_FEAT), dtype=jnp.float32)
    edge_index = jax.random.randint(ks[1], (2, N_EDGES), 0, N_NODES, dtype=jnp.int64)
    # GCNConv weights (glorot-ish scale) and biases
    W1 = jax.random.normal(ks[2], (D_FEAT, HIDDEN), dtype=jnp.float32) * (1.0 / np.sqrt(D_FEAT))
    b1 = jnp.zeros((HIDDEN,), dtype=jnp.float32)
    W2 = jax.random.normal(ks[3], (HIDDEN, HIDDEN), dtype=jnp.float32) * (1.0 / np.sqrt(HIDDEN))
    b2 = jnp.zeros((HIDDEN,), dtype=jnp.float32)
    W_out = jax.random.normal(ks[4], (HIDDEN, N_CLASSES), dtype=jnp.float32) * (1.0 / np.sqrt(HIDDEN))
    b_out = jnp.zeros((N_CLASSES,), dtype=jnp.float32)
    return {"x": x, "edge_index": edge_index, "W1": W1, "b1": b1, "W2": W2, "b2": b2, "W_out": W_out, "b_out": b_out}


def _gcn_conv(x, src, dst, norm, W, b):
    # PyG GCNConv (normalize=True): out = D^-1/2 (A+I) D^-1/2 (x W) + b
    h = x @ W
    msg = h[src] * norm[:, None]
    out = jax.ops.segment_sum(msg, dst, num_segments=N_NODES)
    return out + b


def reference(x, edge_index, W1, b1, W2, b2, W_out, b_out):
    src, dst = edge_index[0], edge_index[1]
    loop = jnp.arange(N_NODES, dtype=src.dtype)
    src_f = jnp.concatenate([src, loop])
    dst_f = jnp.concatenate([dst, loop])
    deg = jax.ops.segment_sum(jnp.ones_like(dst_f, dtype=jnp.float32), dst_f, num_segments=N_NODES)
    deg_inv_sqrt = jnp.where(deg > 0, 1.0 / jnp.sqrt(deg), 0.0)
    norm = deg_inv_sqrt[src_f] * deg_inv_sqrt[dst_f]
    h = _gcn_conv(x, src_f, dst_f, norm, W1, b1)
    h = jax.nn.relu(h)
    # dropout p=0.5 is identity in eval mode (training=False)
    h = _gcn_conv(h, src_f, dst_f, norm, W2, b2)
    logits = h @ W_out + b_out
    return jax.nn.softmax(logits, axis=1)

if __name__ == "__main__":
    import jax
    _d = setup_inputs()
    print(jax.jit(kernel)(*tuple(_d.values())))

</pallas_src>

<mosaic_0001>
#map = affine_map<(d0, d1) -> (0, 0)>
#map1 = affine_map<(d0, d1) -> (0, 0, 0)>
module attributes {stable_mosaic.version = 14 : i64} {
  func.func @agg_kernel(%arg0: i32, %arg1: i32, %arg2: memref<10240x128xf32, #tpu.memory_space<hbm>>, %arg3: memref<32x80x128xi32, #tpu.memory_space<hbm>>, %arg4: memref<32x80x128xi32, #tpu.memory_space<hbm>>, %arg5: memref<2x10240x128xf32, #tpu.memory_space<hbm>>, %arg6: memref<10240x128xf32, #tpu.memory_space<vmem_shared>>, %arg7: memref<40x128xi32, #tpu.memory_space<vmem>>, %arg8: memref<40x128xi32, #tpu.memory_space<vmem>>, %arg9: memref<128x128xf32, #tpu.memory_space<vmem>>, %arg10: memref<128x128xf32, #tpu.memory_space<vmem>>, %arg11: memref<!tpu.dma_semaphore, #tpu.memory_space<semaphore_mem>>, %arg12: memref<!tpu.dma_semaphore, #tpu.memory_space<semaphore_mem>>) attributes {dimension_semantics = [#tpu.dimension_semantics<core_parallel>, #tpu.dimension_semantics<subcore_parallel>], iteration_bounds = array<i64: 2, 16>, scalar_prefetch = 0 : i64, scratch_operands = 7 : i64, tpu.core_type = #tpu.core_type<sc_vector_subcore>, window_params = [{transform_indices = #map}, {transform_indices = #map1}, {transform_indices = #map1}, {transform_indices = #map1}]} {
    %mul3A = arith.constant 2 : i32
    %mul3A_0 = arith.muli %arg1, %mul3A : i32
    %add3A = arith.addi %mul3A_0, %arg0 : i32
    %mul3A_1 = arith.constant 640 : i32
    %mul3A_2 = arith.muli %arg1, %mul3A_1 : i32
    %scan3A = arith.constant 0 : i32
    %scan3A_3 = arith.constant 128 : i32
    %scan3A_4 = arith.addi %scan3A, %scan3A_3 : i32
    %scan3A_5 = arith.constant 1 : i32
    scf.for %scan3A_107 = %scan3A to %scan3A_4 step %scan3A_5  : i32 {
      %mul3A_108 = arith.constant 1 : i32
      %mul3A_109 = arith.muli %scan3A_107, %mul3A_108 : i32
      %add3A_110 = arith.constant 0 : i32
      %add3A_111 = arith.addi %add3A_110, %mul3A_109 : i32
      %broadcast_in_dim3A = arith.constant 0.000000e+00 : f32
      %broadcast_in_dim3A_112 = vector.broadcast %broadcast_in_dim3A : f32 to vector<16xf32>
      %swap3A = arith.index_cast %add3A_111 : i32 to index
      %swap3A_113 = arith.constant 0 : index
      %swap3A_114 = tpu.vector_load %arg9[%swap3A, %swap3A_113] {strides = array<i32>} : memref<128x128xf32, #tpu.memory_space<vmem>>, vector<1x16xf32>,
      %swap3A_115 = vector.shape_cast %swap3A_114 : vector<1x16xf32> to vector<16xf32>
      %swap3A_116 = vector.shape_cast %broadcast_in_dim3A_112 : vector<16xf32> to vector<1x16xf32>
      tpu.vector_store %arg9[%swap3A, %swap3A_113], %swap3A_116 {strides = array<i32>} : memref<128x128xf32, #tpu.memory_space<vmem>>, vector<1x16xf32>,
      %broadcast_in_dim3A_117 = arith.constant 0.000000e+00 : f32
      %broadcast_in_dim3A_118 = vector.broadcast %broadcast_in_dim3A_117 : f32 to vector<16xf32>
      %swap3A_119 = arith.index_cast %add3A_111 : i32 to index
      %swap3A_120 = arith.constant 16 : index
      %swap3A_121 = tpu.vector_load %arg9[%swap3A_119, %swap3A_120] {strides = array<i32>} : memref<128x128xf32, #tpu.memory_space<vmem>>, vector<1x16xf32>,
      %swap3A_122 = vector.shape_cast %swap3A_121 : vector<1x16xf32> to vector<16xf32>
      %swap3A_123 = vector.shape_cast %broadcast_in_dim3A_118 : vector<16xf32> to vector<1x16xf32>
      tpu.vector_store %arg9[%swap3A_119, %swap3A_120], %swap3A_123 {strides = array<i32>} : memref<128x128xf32, #tpu.memory_space<vmem>>, vector<1x16xf32>,
      %broadcast_in_dim3A_124 = arith.constant 0.000000e+00 : f32
      %broadcast_in_dim3A_125 = vector.broadcast %broadcast_in_dim3A_124 : f32 to vector<16xf32>
      %swap3A_126 = arith.index_cast %add3A_111 : i32 to index
      %swap3A_127 = arith.constant 32 : index
      %swap3A_128 = tpu.vector_load %arg9[%swap3A_126, %swap3A_127] {strides = array<i32>} : memref<128x128xf32, #tpu.memory_space<vmem>>, vector<1x16xf32>,
      %swap3A_129 = vector.shape_cast %swap3A_128 : vector<1x16xf32> to vector<16xf32>
      %swap3A_130 = vector.shape_cast %broadcast_in_dim3A_125 : vector<16xf32> to vector<1x16xf32>
      tpu.vector_store %arg9[%swap3A_126, %swap3A_127], %swap3A_130 {strides = array<i32>} : memref<128x128xf32, #tpu.memory_space<vmem>>, vector<1x16xf32>,
      %broadcast_in_dim3A_131 = arith.constant 0.000000e+00 : f32
      %broadcast_in_dim3A_132 = vector.broadcast %broadcast_in_dim3A_131 : f32 to vector<16xf32>
      %swap3A_133 = arith.index_cast %add3A_111 : i32 to index
      %swap3A_134 = arith.constant 48 : index
      %swap3A_135 = tpu.vector_load %arg9[%swap3A_133, %swap3A_134] {strides = array<i32>} : memref<128x128xf32, #tpu.memory_space<vmem>>, vector<1x16xf32>,
      %swap3A_136 = vector.shape_cast %swap3A_135 : vector<1x16xf32> to vector<16xf32>
      %swap3A_137 = vector.shape_cast %broadcast_in_dim3A_132 : vector<16xf32> to vector<1x16xf32>
      tpu.vector_store %arg9[%swap3A_133, %swap3A_134], %swap3A_137 {strides = array<i32>} : memref<128x128xf32, #tpu.memory_space<vmem>>, vector<1x16xf32>,
      %broadcast_in_dim3A_138 = arith.constant 0.000000e+00 : f32
      %broadcast_in_dim3A_139 = vector.broadcast %broadcast_in_dim3A_138 : f32 to vector<16xf32>
      %swap3A_140 = arith.index_cast %add3A_111 : i32 to index
      %swap3A_141 = arith.constant 64 : index
      %swap3A_142 = tpu.vector_load %arg9[%swap3A_140, %swap3A_141] {strides = array<i32>} : memref<128x128xf32, #tpu.memory_space<vmem>>, vector<1x16xf32>,
      %swap3A_143 = vector.shape_cast %swap3A_142 : vector<1x16xf32> to vector<16xf32>
      %swap3A_144 = vector.shape_cast %broadcast_in_dim3A_139 : vector<16xf32> to vector<1x16xf32>
      tpu.vector_store %arg9[%swap3A_140, %swap3A_141], %swap3A_144 {strides = array<i32>} : memref<128x128xf32, #tpu.memory_space<vmem>>, vector<1x16xf32>,
      %broadcast_in_dim3A_145 = arith.constant 0.000000e+00 : f32
      %broadcast_in_dim3A_146 = vector.broadcast %broadcast_in_dim3A_145 : f32 to vector<16xf32>
      %swap3A_147 = arith.index_cast %add3A_111 : i32 to index
      %swap3A_148 = arith.constant 80 : index
      %swap3A_149 = tpu.vector_load %arg9[%swap3A_147, %swap3A_148] {strides = array<i32>} : memref<128x128xf32, #tpu.memory_space<vmem>>, vector<1x16xf32>,
      %swap3A_150 = vector.shape_cast %swap3A_149 : vector<1x16xf32> to vector<16xf32>
      %swap3A_151 = vector.shape_cast %broadcast_in_dim3A_146 : vector<16xf32> to vector<1x16xf32>
      tpu.vector_store %arg9[%swap3A_147, %swap3A_148], %swap3A_151 {strides = array<i32>} : memref<128x128xf32, #tpu.memory_space<vmem>>, vector<1x16xf32>,
      %broadcast_in_dim3A_152 = arith.constant 0.000000e+00 : f32
      %broadcast_in_dim3A_153 = vector.broadcast %broadcast_in_dim3A_152 : f32 to vector<16xf32>
      %swap3A_154 = arith.index_cast %add3A_111 : i32 to index
      %swap3A_155 = arith.constant 96 : index
      %swap3A_156 = tpu.vector_load %arg9[%swap3A_154, %swap3A_155] {strides = array<i32>} : memref<128x128xf32, #tpu.memory_space<vmem>>, vector<1x16xf32>,
      %swap3A_157 = vector.shape_cast %swap3A_156 : vector<1x16xf32> to vector<16xf32>
      %swap3A_158 = vector.shape_cast %broadcast_in_dim3A_153 : vector<16xf32> to vector<1x16xf32>
      tpu.vector_store %arg9[%swap3A_154, %swap3A_155], %swap3A_158 {strides = array<i32>} : memref<128x128xf32, #tpu.memory_space<vmem>>, vector<1x16xf32>,
      %broadcast_in_dim3A_159 = arith.constant 0.000000e+00 : f32
      %broadcast_in_dim3A_160 = vector.broadcast %broadcast_in_dim3A_159 : f32 to vector<16xf32>
      %swap3A_161 = arith.index_cast %add3A_111 : i32 to index
      %swap3A_162 = arith.constant 112 : index
      %swap3A_163 = tpu.vector_load %arg9[%swap3A_161, %swap3A_162] {strides = array<i32>} : memref<128x128xf32, #tpu.memory_space<vmem>>, vector<1x16xf32>,
      %swap3A_164 = vector.shape_cast %swap3A_163 : vector<1x16xf32> to vector<16xf32>
      %swap3A_165 = vector.shape_cast %broadcast_in_dim3A_160 : vector<16xf32> to vector<1x16xf32>
      tpu.vector_store %arg9[%swap3A_161, %swap3A_162], %swap3A_165 {strides = array<i32>} : memref<128x128xf32, #tpu.memory_space<vmem>>, vector<1x16xf32>,
    }
    %scan3A_6 = arith.constant 128 : i32
    %add3A_7 = arith.constant 0 : i32
    %add3A_8 = arith.addi %mul3A_2, %add3A_7 : i32
    "tpu.region"() ({
      %run_scoped3A = tpu.sem_alloc : memref<!tpu.dma_semaphore, #tpu.memory_space<semaphore_mem>>
      %dma_start3A_107 = arith.constant 0 : i32
      %dma_start3A_108 = tpu.memref_slice %arg6[%add3A_8, %dma_start3A_107] : memref<10240x128xf32, #tpu.memory_space<vmem_shared>> -> memref<128x128xf32, #tpu.memory_space<vmem_shared>>
      %dma_start3A_109 = arith.constant 0 : i32
      %dma_start3A_110 = tpu.memref_slice %arg6[%add3A_8, %dma_start3A_109] : memref<10240x128xf32, #tpu.memory_space<vmem_shared>> -> memref<128x128xf32, #tpu.memory_space<vmem_shared>>
      tpu.enqueue_dma source(%arg9 : memref<128x128xf32, #tpu.memory_space<vmem>>) target(%dma_start3A_110 : memref<128x128xf32, #tpu.memory_space<vmem_shared>>) target_semaphore(%run_scoped3A : memref<!tpu.dma_semaphore, #tpu.memory_space<semaphore_mem>>)
      %dma_wait3A = arith.constant 0 : i32
      %dma_wait3A_111 = tpu.memref_slice %arg6[%add3A_8, %dma_wait3A] : memref<10240x128xf32, #tpu.memory_space<vmem_shared>> -> memref<128x128xf32, #tpu.memory_space<vmem_shared>>
      %dma_wait3A_112 = arith.constant 0 : i32
      %dma_wait3A_113 = tpu.memref_slice %arg6[%add3A_8, %dma_wait3A_112] : memref<10240x128xf32, #tpu.memory_space<vmem_shared>> -> memref<128x128xf32, #tpu.memory_space<vmem_shared>>
      tpu.wait_dma2 semaphore(%run_scoped3A : memref<!tpu.dma_semaphore, #tpu.memory_space<semaphore_mem>>) src(%arg9 : memref<128x128xf32, #tpu.memory_space<vmem>>) dst(%dma_wait3A_113 : memref<128x128xf32, #tpu.memory_space<vmem_shared>>)
      tpu.yield
    }) : () -> ()
    %add3A_9 = arith.constant 128 : i32
    %add3A_10 = arith.addi %mul3A_2, %add3A_9 : i32
    "tpu.region"() ({
      %run_scoped3A = tpu.sem_alloc : memref<!tpu.dma_semaphore, #tpu.memory_space<semaphore_mem>>
      %dma_start3A_107 = arith.constant 0 : i32
      %dma_start3A_108 = tpu.memref_slice %arg6[%add3A_10, %dma_start3A_107] : memref<10240x128xf32, #tpu.memory_space<vmem_shared>> -> memref<128x128xf32, #tpu.memory_space<vmem_shared>>
      %dma_start3A_109 = arith.constant 0 : i32
      %dma_start3A_110 = tpu.memref_slice %arg6[%add3A_10, %dma_start3A_109] : memref<10240x128xf32, #tpu.memory_space<vmem_shared>> -> memref<128x128xf32, #tpu.memory_space<vmem_shared>>
      tpu.enqueue_dma source(%arg9 : memref<128x128xf32, #tpu.memory_space<vmem>>) target(%dma_start3A_110 : memref<128x128xf32, #tpu.memory_space<vmem_shared>>) target_semaphore(%run_scoped3A : memref<!tpu.dma_semaphore, #tpu.memory_space<semaphore_mem>>)
      %dma_wait3A = arith.constant 0 : i32
      %dma_wait3A_111 = tpu.memref_slice %arg6[%add3A_10, %dma_wait3A] : memref<10240x128xf32, #tpu.memory_space<vmem_shared>> -> memref<128x128xf32, #tpu.memory_space<vmem_shared>>
      %dma_wait3A_112 = arith.constant 0 : i32
      %dma_wait3A_113 = tpu.memref_slice %arg6[%add3A_10, %dma_wait3A_112] : memref<10240x128xf32, #tpu.memory_space<vmem_shared>> -> memref<128x128xf32, #tpu.memory_space<vmem_shared>>
      tpu.wait_dma2 semaphore(%run_scoped3A : memref<!tpu.dma_semaphore, #tpu.memory_space<semaphore_mem>>) src(%arg9 : memref<128x128xf32, #tpu.memory_space<vmem>>) dst(%dma_wait3A_113 : memref<128x128xf32, #tpu.memory_space<vmem_shared>>)
      tpu.yield
    }) : () -> ()
    %add3A_11 = arith.constant 256 : i32
    %add3A_12 = arith.addi %mul3A_2, %add3A_11 : i32
    "tpu.region"() ({
      %run_scoped3A = tpu.sem_alloc : memref<!tpu.dma_semaphore, #tpu.memory_space<semaphore_mem>>
      %dma_start3A_107 = arith.constant 0 : i32
      %dma_start3A_108 = tpu.memref_slice %arg6[%add3A_12, %dma_start3A_107] : memref<10240x128xf32, #tpu.memory_space<vmem_shared>> -> memref<128x128xf32, #tpu.memory_space<vmem_shared>>
      %dma_start3A_109 = arith.constant 0 : i32
      %dma_start3A_110 = tpu.memref_slice %arg6[%add3A_12, %dma_start3A_109] : memref<10240x128xf32, #tpu.memory_space<vmem_shared>> -> memref<128x128xf32, #tpu.memory_space<vmem_shared>>
      tpu.enqueue_dma source(%arg9 : memref<128x128xf32, #tpu.memory_space<vmem>>) target(%dma_start3A_110 : memref<128x128xf32, #tpu.memory_space<vmem_shared>>) target_semaphore(%run_scoped3A : memref<!tpu.dma_semaphore, #tpu.memory_space<semaphore_mem>>)
      %dma_wait3A = arith.constant 0 : i32
      %dma_wait3A_111 = tpu.memref_slice %arg6[%add3A_12, %dma_wait3A] : memref<10240x128xf32, #tpu.memory_space<vmem_shared>> -> memref<128x128xf32, #tpu.memory_space<vmem_shared>>
      %dma_wait3A_112 = arith.constant 0 : i32
      %dma_wait3A_113 = tpu.memref_slice %arg6[%add3A_12, %dma_wait3A_112] : memref<10240x128xf32, #tpu.memory_space<vmem_shared>> -> memref<128x128xf32, #tpu.memory_space<vmem_shared>>
      tpu.wait_dma2 semaphore(%run_scoped3A : memref<!tpu.dma_semaphore, #tpu.memory_space<semaphore_mem>>) src(%arg9 : memref<128x128xf32, #tpu.memory_space<vmem>>) dst(%dma_wait3A_113 : memref<128x128xf32, #tpu.memory_space<vmem_shared>>)
      tpu.yield
    }) : () -> ()
    %add3A_13 = arith.constant 384 : i32
    %add3A_14 = arith.addi %mul3A_2, %add3A_13 : i32
    "tpu.region"() ({
      %run_scoped3A = tpu.sem_alloc : memref<!tpu.dma_semaphore, #tpu.memory_space<semaphore_mem>>
      %dma_start3A_107 = arith.constant 0 : i32
      %dma_start3A_108 = tpu.memref_slice %arg6[%add3A_14, %dma_start3A_107] : memref<10240x128xf32, #tpu.memory_space<vmem_shared>> -> memref<128x128xf32, #tpu.memory_space<vmem_shared>>
      %dma_start3A_109 = arith.constant 0 : i32
      %dma_start3A_110 = tpu.memref_slice %arg6[%add3A_14, %dma_start3A_109] : memref<10240x128xf32, #tpu.memory_space<vmem_shared>> -> memref<128x128xf32, #tpu.memory_space<vmem_shared>>
      tpu.enqueue_dma source(%arg9 : memref<128x128xf32, #tpu.memory_space<vmem>>) target(%dma_start3A_110 : memref<128x128xf32, #tpu.memory_space<vmem_shared>>) target_semaphore(%run_scoped3A : memref<!tpu.dma_semaphore, #tpu.memory_space<semaphore_mem>>)
      %dma_wait3A = arith.constant 0 : i32
      %dma_wait3A_111 = tpu.memref_slice %arg6[%add3A_14, %dma_wait3A] : memref<10240x128xf32, #tpu.memory_space<vmem_shared>> -> memref<128x128xf32, #tpu.memory_space<vmem_shared>>
      %dma_wait3A_112 = arith.constant 0 : i32
      %dma_wait3A_113 = tpu.memref_slice %arg6[%add3A_14, %dma_wait3A_112] : memref<10240x128xf32, #tpu.memory_space<vmem_shared>> -> memref<128x128xf32, #tpu.memory_space<vmem_shared>>
      tpu.wait_dma2 semaphore(%run_scoped3A : memref<!tpu.dma_semaphore, #tpu.memory_space<semaphore_mem>>) src(%arg9 : memref<128x128xf32, #tpu.memory_space<vmem>>) dst(%dma_wait3A_113 : memref<128x128xf32, #tpu.memory_space<vmem_shared>>)
      tpu.yield
    }) : () -> ()
    %add3A_15 = arith.constant 512 : i32
    %add3A_16 = arith.addi %mul3A_2, %add3A_15 : i32
    "tpu.region"() ({
      %run_scoped3A = tpu.sem_alloc : memref<!tpu.dma_semaphore, #tpu.memory_space<semaphore_mem>>
      %dma_start3A_107 = arith.constant 0 : i32
      %dma_start3A_108 = tpu.memref_slice %arg6[%add3A_16, %dma_start3A_107] : memref<10240x128xf32, #tpu.memory_space<vmem_shared>> -> memref<128x128xf32, #tpu.memory_space<vmem_shared>>
      %dma_start3A_109 = arith.constant 0 : i32
      %dma_start3A_110 = tpu.memref_slice %arg6[%add3A_16, %dma_start3A_109] : memref<10240x128xf32, #tpu.memory_space<vmem_shared>> -> memref<128x128xf32, #tpu.memory_space<vmem_shared>>
      tpu.enqueue_dma source(%arg9 : memref<128x128xf32, #tpu.memory_space<vmem>>) target(%dma_start3A_110 : memref<128x128xf32, #tpu.memory_space<vmem_shared>>) target_semaphore(%run_scoped3A : memref<!tpu.dma_semaphore, #tpu.memory_space<semaphore_mem>>)
      %dma_wait3A = arith.constant 0 : i32
      %dma_wait3A_111 = tpu.memref_slice %arg6[%add3A_16, %dma_wait3A] : memref<10240x128xf32, #tpu.memory_space<vmem_shared>> -> memref<128x128xf32, #tpu.memory_space<vmem_shared>>
      %dma_wait3A_112 = arith.constant 0 : i32
      %dma_wait3A_113 = tpu.memref_slice %arg6[%add3A_16, %dma_wait3A_112] : memref<10240x128xf32, #tpu.memory_space<vmem_shared>> -> memref<128x128xf32, #tpu.memory_space<vmem_shared>>
      tpu.wait_dma2 semaphore(%run_scoped3A : memref<!tpu.dma_semaphore, #tpu.memory_space<semaphore_mem>>) src(%arg9 : memref<128x128xf32, #tpu.memory_space<vmem>>) dst(%dma_wait3A_113 : memref<128x128xf32, #tpu.memory_space<vmem_shared>>)
      tpu.yield
    }) : () -> ()
    %barrier3A = arith.constant 0 : index
    tpu.barrier barrier_id(%barrier3A)
    "tpu.region"() ({
      %run_scoped3A = tpu.sem_alloc : memref<!tpu.dma_semaphore, #tpu.memory_space<semaphore_mem>>
      %dma_start3A_107 = arith.constant 0 : i32
      %dma_start3A_108 = arith.constant 0 : i32
      %dma_start3A_109 = tpu.memref_slice %arg3[%add3A, %dma_start3A_107, %dma_start3A_108] : memref<32x80x128xi32, #tpu.memory_space<hbm>> -> memref<1x40x128xi32, #tpu.memory_space<hbm>>
      %dma_start3A_110 = tpu.memref_squeeze %dma_start3A_109 : memref<1x40x128xi32, #tpu.memory_space<hbm>> -> memref<40x128xi32, #tpu.memory_space<hbm>>
      %dma_start3A_111 = arith.constant 0 : i32
      %dma_start3A_112 = arith.constant 0 : i32
      %dma_start3A_113 = tpu.memref_slice %arg3[%add3A, %dma_start3A_111, %dma_start3A_112] : memref<32x80x128xi32, #tpu.memory_space<hbm>> -> memref<1x40x128xi32, #tpu.memory_space<hbm>>
      %dma_start3A_114 = tpu.memref_squeeze %dma_start3A_113 : memref<1x40x128xi32, #tpu.memory_space<hbm>> -> memref<40x128xi32, #tpu.memory_space<hbm>>
      tpu.enqueue_dma source(%dma_start3A_114 : memref<40x128xi32, #tpu.memory_space<hbm>>) target(%arg7 : memref<40x128xi32, #tpu.memory_space<vmem>>) target_semaphore(%run_scoped3A : memref<!tpu.dma_semaphore, #tpu.memory_space<semaphore_mem>>)
      %dma_wait3A = arith.constant 0 : i32
      %dma_wait3A_115 = arith.constant 0 : i32
      %dma_wait3A_116 = tpu.memref_slice %arg3[%add3A, %dma_wait3A, %dma_wait3A_115] : memref<32x80x128xi32, #tpu.memory_space<hbm>> -> memref<1x40x128xi32, #tpu.memory_space<hbm>>
      %dma_wait3A_117 = tpu.memref_squeeze %dma_wait3A_116 : memref<1x40x128xi32, #tpu.memory_space<hbm>> -> memref<40x128xi32, #tpu.memory_space<hbm>>
      %dma_wait3A_118 = arith.constant 0 : i32
      %dma_wait3A_119 = arith.constant 0 : i32
      %dma_wait3A_120 = tpu.memref_slice %arg3[%add3A, %dma_wait3A_118, %dma_wait3A_119] : memref<32x80x128xi32, #tpu.memory_space<hbm>> -> memref<1x40x128xi32, #tpu.memory_space<hbm>>
      %dma_wait3A_121 = tpu.memref_squeeze %dma_wait3A_120 : memref<1x40x128xi32, #tpu.memory_space<hbm>> -> memref<40x128xi32, #tpu.memory_space<hbm>>
      tpu.wait_dma2 semaphore(%run_scoped3A : memref<!tpu.dma_semaphore, #tpu.memory_space<semaphore_mem>>) src(%dma_wait3A_121 : memref<40x128xi32, #tpu.memory_space<hbm>>) dst(%arg7 : memref<40x128xi32, #tpu.memory_space<vmem>>)
      tpu.yield
    }) : () -> ()
    "tpu.region"() ({
      %run_scoped3A = tpu.sem_alloc : memref<!tpu.dma_semaphore, #tpu.memory_space<semaphore_mem>>
      %dma_start3A_107 = arith.constant 0 : i32
      %dma_start3A_108 = arith.constant 0 : i32
      %dma_start3A_109 = tpu.memref_slice %arg4[%add3A, %dma_start3A_107, %dma_start3A_108] : memref<32x80x128xi32, #tpu.memory_space<hbm>> -> memref<1x40x128xi32, #tpu.memory_space<hbm>>
      %dma_start3A_110 = tpu.memref_squeeze %dma_start3A_109 : memref<1x40x128xi32, #tpu.memory_space<hbm>> -> memref<40x128xi32, #tpu.memory_space<hbm>>
      %dma_start3A_111 = arith.constant 0 : i32
      %dma_start3A_112 = arith.constant 0 : i32
      %dma_start3A_113 = tpu.memref_slice %arg4[%add3A, %dma_start3A_111, %dma_start3A_112] : memref<32x80x128xi32, #tpu.memory_space<hbm>> -> memref<1x40x128xi32, #tpu.memory_space<hbm>>
      %dma_start3A_114 = tpu.memref_squeeze %dma_start3A_113 : memref<1x40x128xi32, #tpu.memory_space<hbm>> -> memref<40x128xi32, #tpu.memory_space<hbm>>
      tpu.enqueue_dma source(%dma_start3A_114 : memref<40x128xi32, #tpu.memory_space<hbm>>) target(%arg8 : memref<40x128xi32, #tpu.memory_space<vmem>>) target_semaphore(%run_scoped3A : memref<!tpu.dma_semaphore, #tpu.memory_space<semaphore_mem>>)
      %dma_wait3A = arith.constant 0 : i32
      %dma_wait3A_115 = arith.constant 0 : i32
      %dma_wait3A_116 = tpu.memref_slice %arg4[%add3A, %dma_wait3A, %dma_wait3A_115] : memref<32x80x128xi32, #tpu.memory_space<hbm>> -> memref<1x40x128xi32, #tpu.memory_space<hbm>>
      %dma_wait3A_117 = tpu.memref_squeeze %dma_wait3A_116 : memref<1x40x128xi32, #tpu.memory_space<hbm>> -> memref<40x128xi32, #tpu.memory_space<hbm>>
      %dma_wait3A_118 = arith.constant 0 : i32
      %dma_wait3A_119 = arith.constant 0 : i32
      %dma_wait3A_120 = tpu.memref_slice %arg4[%add3A, %dma_wait3A_118, %dma_wait3A_119] : memref<32x80x128xi32, #tpu.memory_space<hbm>> -> memref<1x40x128xi32, #tpu.memory_space<hbm>>
      %dma_wait3A_121 = tpu.memref_squeeze %dma_wait3A_120 : memref<1x40x128xi32, #tpu.memory_space<hbm>> -> memref<40x128xi32, #tpu.memory_space<hbm>>
      tpu.wait_dma2 semaphore(%run_scoped3A : memref<!tpu.dma_semaphore, #tpu.memory_space<semaphore_mem>>) src(%dma_wait3A_121 : memref<40x128xi32, #tpu.memory_space<hbm>>) dst(%arg8 : memref<40x128xi32, #tpu.memory_space<vmem>>)
      tpu.yield
    }) : () -> ()
    %dma_start3A = arith.constant 0 : i32
    %dma_start3A_17 = arith.constant 0 : i32
    %dma_start3A_18 = arith.constant 0 : i32
    %dma_start3A_19 = tpu.memref_slice %arg9[%dma_start3A_17, %dma_start3A_18] : memref<128x128xf32, #tpu.memory_space<vmem>> -> memref<32x128xf32, #tpu.memory_space<vmem>>
    %dma_start3A_20 = arith.constant 0 : i32
    %dma_start3A_21 = tpu.memref_slice %arg7[%dma_start3A, %dma_start3A_20] : memref<40x128xi32, #tpu.memory_space<vmem>> -> memref<1x32xi32, #tpu.memory_space<vmem>>
    %dma_start3A_22 = tpu.memref_squeeze %dma_start3A_21 : memref<1x32xi32, #tpu.memory_space<vmem>> -> memref<32xi32, #tpu.memory_space<vmem>>
    %dma_start3A_23 = arith.constant 0 : i32
    %dma_start3A_24 = arith.constant 0 : i32
    %dma_start3A_25 = tpu.memref_slice %arg2[%dma_start3A_23, %dma_start3A_24] : memref<10240x128xf32, #tpu.memory_space<hbm>> -> memref<10240x128xf32, #tpu.memory_space<hbm>>
    tpu.enqueue_indirect_dma source(%dma_start3A_25 : memref<10240x128xf32, #tpu.memory_space<hbm>>) target(%dma_start3A_19 : memref<32x128xf32, #tpu.memory_space<vmem>>) offsets(%dma_start3A_22 : memref<32xi32, #tpu.memory_space<vmem>>) semaphore(%arg11 : memref<!tpu.dma_semaphore, #tpu.memory_space<semaphore_mem>>)
    %dma_start3A_26 = arith.constant 0 : i32
    %dma_start3A_27 = arith.constant 32 : i32
    %dma_start3A_28 = arith.constant 0 : i32
    %dma_start3A_29 = tpu.memref_slice %arg9[%dma_start3A_27, %dma_start3A_28] : memref<128x128xf32, #tpu.memory_space<vmem>> -> memref<32x128xf32, #tpu.memory_space<vmem>>
    %dma_start3A_30 = arith.constant 32 : i32
    %dma_start3A_31 = tpu.memref_slice %arg7[%dma_start3A_26, %dma_start3A_30] : memref<40x128xi32, #tpu.memory_space<vmem>> -> memref<1x32xi32, #tpu.memory_space<vmem>>
    %dma_start3A_32 = tpu.memref_squeeze %dma_start3A_31 : memref<1x32xi32, #tpu.memory_space<vmem>> -> memref<32xi32, #tpu.memory_space<vmem>>
    %dma_start3A_33 = arith.constant 0 : i32
    %dma_start3A_34 = arith.constant 0 : i32
    %dma_start3A_35 = tpu.memref_slice %arg2[%dma_start3A_33, %dma_start3A_34] : memref<10240x128xf32, #tpu.memory_space<hbm>> -> memref<10240x128xf32, #tpu.memory_space<hbm>>
    tpu.enqueue_indirect_dma source(%dma_start3A_35 : memref<10240x128xf32, #tpu.memory_space<hbm>>) target(%dma_start3A_29 : memref<32x128xf32, #tpu.memory_space<vmem>>) offsets(%dma_start3A_32 : memref<32xi32, #tpu.memory_space<vmem>>) semaphore(%arg11 : memref<!tpu.dma_semaphore, #tpu.memory_space<semaphore_mem>>)
    %dma_start3A_36 = arith.constant 0 : i32
    %dma_start3A_37 = arith.constant 64 : i32
    %dma_start3A_38 = arith.constant 0 : i32
    %dma_start3A_39 = tpu.memref_slice %arg9[%dma_start3A_37, %dma_start3A_38] : memref<128x128xf32, #tpu.memory_space<vmem>> -> memref<32x128xf32, #tpu.memory_space<vmem>>
    %dma_start3A_40 = arith.constant 64 : i32
    %dma_start3A_41 = tpu.memref_slice %arg7[%dma_start3A_36, %dma_start3A_40] : memref<40x128xi32, #tpu.memory_space<vmem>> -> memref<1x32xi32, #tpu.memory_space<vmem>>
    %dma_start3A_42 = tpu.memref_squeeze %dma_start3A_41 : memref<1x32xi32, #tpu.memory_space<vmem>> -> memref<32xi32, #tpu.memory_space<vmem>>
    %dma_start3A_43 = arith.constant 0 : i32
    %dma_start3A_44 = arith.constant 0 : i32
    %dma_start3A_45 = tpu.memref_slice %arg2[%dma_start3A_43, %dma_start3A_44] : memref<10240x128xf32, #tpu.memory_space<hbm>> -> memref<10240x128xf32, #tpu.memory_space<hbm>>
    tpu.enqueue_indirect_dma source(%dma_start3A_45 : memref<10240x128xf32, #tpu.memory_space<hbm>>) target(%dma_start3A_39 : memref<32x128xf32, #tpu.memory_space<vmem>>) offsets(%dma_start3A_42 : memref<32xi32, #tpu.memory_space<vmem>>) semaphore(%arg11 : memref<!tpu.dma_semaphore, #tpu.memory_space<semaphore_mem>>)
    %dma_start3A_46 = arith.constant 0 : i32
    %dma_start3A_47 = arith.constant 96 : i32
    %dma_start3A_48 = arith.constant 0 : i32
    %dma_start3A_49 = tpu.memref_slice %arg9[%dma_start3A_47, %dma_start3A_48] : memref<128x128xf32, #tpu.memory_space<vmem>> -> memref<32x128xf32, #tpu.memory_space<vmem>>
    %dma_start3A_50 = arith.constant 96 : i32
    %dma_start3A_51 = tpu.memref_slice %arg7[%dma_start3A_46, %dma_start3A_50] : memref<40x128xi32, #tpu.memory_space<vmem>> -> memref<1x32xi32, #tpu.memory_space<vmem>>
    %dma_start3A_52 = tpu.memref_squeeze %dma_start3A_51 : memref<1x32xi32, #tpu.memory_space<vmem>> -> memref<32xi32, #tpu.memory_space<vmem>>
    %dma_start3A_53 = arith.constant 0 : i32
    %dma_start3A_54 = arith.constant 0 : i32
    %dma_start3A_55 = tpu.memref_slice %arg2[%dma_start3A_53, %dma_start3A_54] : memref<10240x128xf32, #tpu.memory_space<hbm>> -> memref<10240x128xf32, #tpu.memory_space<hbm>>
    tpu.enqueue_indirect_dma source(%dma_start3A_55 : memref<10240x128xf32, #tpu.memory_space<hbm>>) target(%dma_start3A_49 : memref<32x128xf32, #tpu.memory_space<vmem>>) offsets(%dma_start3A_52 : memref<32xi32, #tpu.memory_space<vmem>>) semaphore(%arg11 : memref<!tpu.dma_semaphore, #tpu.memory_space<semaphore_mem>>)
    %scan3A_56 = arith.constant 0 : i32
    %scan3A_57 = arith.constant 20 : i32
    %scan3A_58 = arith.addi %scan3A_56, %scan3A_57 : i32
    %scan3A_59 = arith.constant 1 : i32
    scf.for %scan3A_107 = %scan3A_56 to %scan3A_58 step %scan3A_59  : i32 {
      %mul3A_108 = arith.constant 2 : i32
      %mul3A_109 = arith.muli %scan3A_107, %mul3A_108 : i32
      %add3A_110 = arith.constant 0 : i32
      %add3A_111 = arith.addi %add3A_110, %mul3A_109 : i32
      %dma_wait3A = arith.constant 0 : i32
      %dma_wait3A_112 = arith.constant 0 : i32
      %dma_wait3A_113 = tpu.memref_slice %arg2[%dma_wait3A, %dma_wait3A_112] : memref<10240x128xf32, #tpu.memory_space<hbm>> -> memref<128x128xf32, #tpu.memory_space<hbm>>
      %dma_wait3A_114 = arith.constant 0 : i32
      %dma_wait3A_115 = arith.constant 0 : i32
      %dma_wait3A_116 = tpu.memref_slice %arg2[%dma_wait3A_114, %dma_wait3A_115] : memref<10240x128xf32, #tpu.memory_space<hbm>> -> memref<128x128xf32, #tpu.memory_space<hbm>>
      tpu.wait_dma2 semaphore(%arg11 : memref<!tpu.dma_semaphore, #tpu.memory_space<semaphore_mem>>) src(%dma_wait3A_116 : memref<128x128xf32, #tpu.memory_space<hbm>>) dst(%arg9 : memref<128x128xf32, #tpu.memory_space<vmem>>)
      %add3A_117 = arith.constant 1 : i32
      %add3A_118 = arith.addi %add3A_111, %add3A_117 : i32
      %dma_start3A_119 = arith.constant 0 : i32
      %dma_start3A_120 = arith.constant 0 : i32
      %dma_start3A_121 = tpu.memref_slice %arg10[%dma_start3A_119, %dma_start3A_120] : memref<128x128xf32, #tpu.memory_space<vmem>> -> memref<32x128xf32, #tpu.memory_space<vmem>>
      %dma_start3A_122 = arith.constant 0 : i32
      %dma_start3A_123 = tpu.memref_slice %arg7[%add3A_118, %dma_start3A_122] : memref<40x128xi32, #tpu.memory_space<vmem>> -> memref<1x32xi32, #tpu.memory_space<vmem>>
      %dma_start3A_124 = tpu.memref_squeeze %dma_start3A_123 : memref<1x32xi32, #tpu.memory_space<vmem>> -> memref<32xi32, #tpu.memory_space<vmem>>
      %dma_start3A_125 = arith.constant 0 : i32
      %dma_start3A_126 = arith.constant 0 : i32
      %dma_start3A_127 = tpu.memref_slice %arg2[%dma_start3A_125, %dma_start3A_126] : memref<10240x128xf32, #tpu.memory_space<hbm>> -> memref<10240x128xf32, #tpu.memory_space<hbm>>
      tpu.enqueue_indirect_dma source(%dma_start3A_127 : memref<10240x128xf32, #tpu.memory_space<hbm>>) target(%dma_start3A_121 : memref<32x128xf32, #tpu.memory_space<vmem>>) offsets(%dma_start3A_124 : memref<32xi32, #tpu.memory_space<vmem>>) semaphore(%arg12 : memref<!tpu.dma_semaphore, #tpu.memory_space<semaphore_mem>>)
      %dma_start3A_128 = arith.constant 32 : i32
      %dma_start3A_129 = arith.constant 0 : i32
      %dma_start3A_130 = tpu.memref_slice %arg10[%dma_start3A_128, %dma_start3A_129] : memref<128x128xf32, #tpu.memory_space<vmem>> -> memref<32x128xf32, #tpu.memory_space<vmem>>
      %dma_start3A_131 = arith.constant 32 : i32
      %dma_start3A_132 = tpu.memref_slice %arg7[%add3A_118, %dma_start3A_131] : memref<40x128xi32, #tpu.memory_space<vmem>> -> memref<1x32xi32, #tpu.memory_space<vmem>>
      %dma_start3A_133 = tpu.memref_squeeze %dma_start3A_132 : memref<1x32xi32, #tpu.memory_space<vmem>> -> memref<32xi32, #tpu.memory_space<vmem>>
      %dma_start3A_134 = arith.constant 0 : i32
      %dma_start3A_135 = arith.constant 0 : i32
      %dma_start3A_136 = tpu.memref_slice %arg2[%dma_start3A_134, %dma_start3A_135] : memref<10240x128xf32, #tpu.memory_space<hbm>> -> memref<10240x128xf32, #tpu.memory_space<hbm>>
      tpu.enqueue_indirect_dma source(%dma_start3A_136 : memref<10240x128xf32, #tpu.memory_space<hbm>>) target(%dma_start3A_130 : memref<32x128xf32, #tpu.memory_space<vmem>>) offsets(%dma_start3A_133 : memref<32xi32, #tpu.memory_space<vmem>>) semaphore(%arg12 : memref<!tpu.dma_semaphore, #tpu.memory_space<semaphore_mem>>)
      %dma_start3A_137 = arith.constant 64 : i32
      %dma_start3A_138 = arith.constant 0 : i32
      %dma_start3A_139 = tpu.memref_slice %arg10[%dma_start3A_137, %dma_start3A_138] : memref<128x128xf32, #tpu.memory_space<vmem>> -> memref<32x128xf32, #tpu.memory_space<vmem>>
      %dma_start3A_140 = arith.constant 64 : i32
      %dma_start3A_141 = tpu.memref_slice %arg7[%add3A_118, %dma_start3A_140] : memref<40x128xi32, #tpu.memory_space<vmem>> -> memref<1x32xi32, #tpu.memory_space<vmem>>
      %dma_start3A_142 = tpu.memref_squeeze %dma_start3A_141 : memref<1x32xi32, #tpu.memory_space<vmem>> -> memref<32xi32, #tpu.memory_space<vmem>>
      %dma_start3A_143 = arith.constant 0 : i32
      %dma_start3A_144 = arith.constant 0 : i32
      %dma_start3A_145 = tpu.memref_slice %arg2[%dma_start3A_143, %dma_start3A_144] : memref<10240x128xf32, #tpu.memory_space<hbm>> -> memref<10240x128xf32, #tpu.memory_space<hbm>>
      tpu.enqueue_indirect_dma source(%dma_start3A_145 : memref<10240x128xf32, #tpu.memory_space<hbm>>) target(%dma_start3A_139 : memref<32x128xf32, #tpu.memory_space<vmem>>) offsets(%dma_start3A_142 : memref<32xi32, #tpu.memory_space<vmem>>) semaphore(%arg12 : memref<!tpu.dma_semaphore, #tpu.memory_space<semaphore_mem>>)
      %dma_start3A_146 = arith.constant 96 : i32
      %dma_start3A_147 = arith.constant 0 : i32
      %dma_start3A_148 = tpu.memref_slice %arg10[%dma_start3A_146, %dma_start3A_147] : memref<128x128xf32, #tpu.memory_space<vmem>> -> memref<32x128xf32, #tpu.memory_space<vmem>>
      %dma_start3A_149 = arith.constant 96 : i32
      %dma_start3A_150 = tpu.memref_slice %arg7[%add3A_118, %dma_start3A_149] : memref<40x128xi32, #tpu.memory_space<vmem>> -> memref<1x32xi32, #tpu.memory_space<vmem>>
      %dma_start3A_151 = tpu.memref_squeeze %dma_start3A_150 : memref<1x32xi32, #tpu.memory_space<vmem>> -> memref<32xi32, #tpu.memory_space<vmem>>
      %dma_start3A_152 = arith.constant 0 : i32
      %dma_start3A_153 = arith.constant 0 : i32
      %dma_start3A_154 = tpu.memref_slice %arg2[%dma_start3A_152, %dma_start3A_153] : memref<10240x128xf32, #tpu.memory_space<hbm>> -> memref<10240x128xf32, #tpu.memory_space<hbm>>
      tpu.enqueue_indirect_dma source(%dma_start3A_154 : memref<10240x128xf32, #tpu.memory_space<hbm>>) target(%dma_start3A_148 : memref<32x128xf32, #tpu.memory_space<vmem>>) offsets(%dma_start3A_151 : memref<32xi32, #tpu.memory_space<vmem>>) semaphore(%arg12 : memref<!tpu.dma_semaphore, #tpu.memory_space<semaphore_mem>>)
      "tpu.region"() ({
        %run_scoped3A = tpu.sem_alloc : memref<!tpu.dma_semaphore, #tpu.memory_space<semaphore_mem>>
        %dma_start3A_167 = arith.constant 0 : i32
        %dma_start3A_168 = tpu.memref_slice %arg8[%add3A_111, %dma_start3A_167] : memref<40x128xi32, #tpu.memory_space<vmem>> -> memref<1x128xi32, #tpu.memory_space<vmem>>
        %dma_start3A_169 = tpu.memref_squeeze %dma_start3A_168 : memref<1x128xi32, #tpu.memory_space<vmem>> -> memref<128xi32, #tpu.memory_space<vmem>>
        %dma_start3A_170 = arith.constant 0 : i32
        %dma_start3A_171 = arith.constant 0 : i32
        %dma_start3A_172 = tpu.memref_slice %arg6[%dma_start3A_170, %dma_start3A_171] : memref<10240x128xf32, #tpu.memory_space<vmem_shared>> -> memref<10240x128xf32, #tpu.memory_space<vmem_shared>>
        tpu.enqueue_indirect_dma source(%arg9 : memref<128x128xf32, #tpu.memory_space<vmem>>) target(%dma_start3A_172 : memref<10240x128xf32, #tpu.memory_space<vmem_shared>>) offsets(%dma_start3A_169 : memref<128xi32, #tpu.memory_space<vmem>>) semaphore(%run_scoped3A : memref<!tpu.dma_semaphore, #tpu.memory_space<semaphore_mem>>) {add = true}
        %dma_wait3A_173 = arith.constant 0 : i32
        %dma_wait3A_174 = tpu.memref_slice %arg8[%add3A_111, %dma_wait3A_173] : memref<40x128xi32, #tpu.memory_space<vmem>> -> memref<1x128xi32, #tpu.memory_space<vmem>>
        %dma_wait3A_175 = tpu.memref_squeeze %dma_wait3A_174 : memref<1x128xi32, #tpu.memory_space<vmem>> -> memref<128xi32, #tpu.memory_space<vmem>>
        %dma_wait3A_176 = arith.constant 0 : i32
        %dma_wait3A_177 = arith.constant 0 : i32
        %dma_wait3A_178 = tpu.memref_slice %arg6[%dma_wait3A_176, %dma_wait3A_177] : memref<10240x128xf32, #tpu.memory_space<vmem_shared>> -> memref<10240x128xf32, #tpu.memory_space<vmem_shared>>
        tpu.wait_indirect_dma semaphore(%run_scoped3A : memref<!tpu.dma_semaphore, #tpu.memory_space<semaphore_mem>>) src(%arg9 : memref<128x128xf32, #tpu.memory_space<vmem>>) dst(%dma_wait3A_178 : memref<10240x128xf32, #tpu.memory_space<vmem_shared>>)
        tpu.yield
      }) : () -> ()
      %dma_wait3A_155 = arith.constant 0 : i32
      %dma_wait3A_156 = arith.constant 0 : i32
      %dma_wait3A_157 = tpu.memref_slice %arg2[%dma_wait3A_155, %dma_wait3A_156] : memref<10240x128xf32, #tpu.memory_space<hbm>> -> memref<128x128xf32, #tpu.memory_space<hbm>>
      %dma_wait3A_158 = arith.constant 0 : i32
      %dma_wait3A_159 = arith.constant 0 : i32
      %dma_wait3A_160 = tpu.memref_slice %arg2[%dma_wait3A_158, %dma_wait3A_159] : memref<10240x128xf32, #tpu.memory_space<hbm>> -> memref<128x128xf32, #tpu.memory_space<hbm>>
      tpu.wait_dma2 semaphore(%arg12 : memref<!tpu.dma_semaphore, #tpu.memory_space<semaphore_mem>>) src(%dma_wait3A_160 : memref<128x128xf32, #tpu.memory_space<hbm>>) dst(%arg10 : memref<128x128xf32, #tpu.memory_space<vmem>>)
      %add3A_161 = arith.constant 2 : i32
      %add3A_162 = arith.addi %add3A_111, %add3A_161 : i32
      %lt3A = arith.constant 40 : i32
      %lt3A_163 = arith.cmpi slt, %add3A_162, %lt3A : i32
      %convert_element_type3A = arith.extui %lt3A_163 : i1 to i32
      %cond3A = arith.constant 0 : i32
      %cond3A_164 = arith.cmpi ne, %convert_element_type3A, %cond3A : i32
      scf.if %cond3A_164 {
        %add3A_167 = arith.constant 2 : i32
        %add3A_168 = arith.addi %add3A_111, %add3A_167 : i32
        %dma_start3A_169 = arith.constant 0 : i32
        %dma_start3A_170 = arith.constant 0 : i32
        %dma_start3A_171 = tpu.memref_slice %arg9[%dma_start3A_169, %dma_start3A_170] : memref<128x128xf32, #tpu.memory_space<vmem>> -> memref<32x128xf32, #tpu.memory_space<vmem>>
        %dma_start3A_172 = arith.constant 0 : i32
        %dma_start3A_173 = tpu.memref_slice %arg7[%add3A_168, %dma_start3A_172] : memref<40x128xi32, #tpu.memory_space<vmem>> -> memref<1x32xi32, #tpu.memory_space<vmem>>
        %dma_start3A_174 = tpu.memref_squeeze %dma_start3A_173 : memref<1x32xi32, #tpu.memory_space<vmem>> -> memref<32xi32, #tpu.memory_space<vmem>>
        %dma_start3A_175 = arith.constant 0 : i32
        %dma_start3A_176 = arith.constant 0 : i32
        %dma_start3A_177 = tpu.memref_slice %arg2[%dma_start3A_175, %dma_start3A_176] : memref<10240x128xf32, #tpu.memory_space<hbm>> -> memref<10240x128xf32, #tpu.memory_space<hbm>>
        tpu.enqueue_indirect_dma source(%dma_start3A_177 : memref<10240x128xf32, #tpu.memory_space<hbm>>) target(%dma_start3A_171 : memref<32x128xf32, #tpu.memory_space<vmem>>) offsets(%dma_start3A_174 : memref<32xi32, #tpu.memory_space<vmem>>) semaphore(%arg11 : memref<!tpu.dma_semaphore, #tpu.memory_space<semaphore_mem>>)
        %dma_start3A_178 = arith.constant 32 : i32
        %dma_start3A_179 = arith.constant 0 : i32
        %dma_start3A_180 = tpu.memref_slice %arg9[%dma_start3A_178, %dma_start3A_179] : memref<128x128xf32, #tpu.memory_space<vmem>> -> memref<32x128xf32, #tpu.memory_space<vmem>>
        %dma_start3A_181 = arith.constant 32 : i32
        %dma_start3A_182 = tpu.memref_slice %arg7[%add3A_168, %dma_start3A_181] : memref<40x128xi32, #tpu.memory_space<vmem>> -> memref<1x32xi32, #tpu.memory_space<vmem>>
        %dma_start3A_183 = tpu.memref_squeeze %dma_start3A_182 : memref<1x32xi32, #tpu.memory_space<vmem>> -> memref<32xi32, #tpu.memory_space<vmem>>
        %dma_start3A_184 = arith.constant 0 : i32
        %dma_start3A_185 = arith.constant 0 : i32
        %dma_start3A_186 = tpu.memref_slice %arg2[%dma_start3A_184, %dma_start3A_185] : memref<10240x128xf32, #tpu.memory_space<hbm>> -> memref<10240x128xf32, #tpu.memory_space<hbm>>
        tpu.enqueue_indirect_dma source(%dma_start3A_186 : memref<10240x128xf32, #tpu.memory_space<hbm>>) target(%dma_start3A_180 : memref<32x128xf32, #tpu.memory_space<vmem>>) offsets(%dma_start3A_183 : memref<32xi32, #tpu.memory_space<vmem>>) semaphore(%arg11 : memref<!tpu.dma_semaphore, #tpu.memory_space<semaphore_mem>>)
        %dma_start3A_187 = arith.constant 64 : i32
        %dma_start3A_188 = arith.constant 0 : i32
        %dma_start3A_189 = tpu.memref_slice %arg9[%dma_start3A_187, %dma_start3A_188] : memref<128x128xf32, #tpu.memory_space<vmem>> -> memref<32x128xf32, #tpu.memory_space<vmem>>
        %dma_start3A_190 = arith.constant 64 : i32
        %dma_start3A_191 = tpu.memref_slice %arg7[%add3A_168, %dma_start3A_190] : memref<40x128xi32, #tpu.memory_space<vmem>> -> memref<1x32xi32, #tpu.memory_space<vmem>>
        %dma_start3A_192 = tpu.memref_squeeze %dma_start3A_191 : memref<1x32xi32, #tpu.memory_space<vmem>> -> memref<32xi32, #tpu.memory_space<vmem>>
        %dma_start3A_193 = arith.constant 0 : i32
        %dma_start3A_194 = arith.constant 0 : i32
        %dma_start3A_195 = tpu.memref_slice %arg2[%dma_start3A_193, %dma_start3A_194] : memref<10240x128xf32, #tpu.memory_space<hbm>> -> memref<10240x128xf32, #tpu.memory_space<hbm>>
        tpu.enqueue_indirect_dma source(%dma_start3A_195 : memref<10240x128xf32, #tpu.memory_space<hbm>>) target(%dma_start3A_189 : memref<32x128xf32, #tpu.memory_space<vmem>>) offsets(%dma_start3A_192 : memref<32xi32, #tpu.memory_space<vmem>>) semaphore(%arg11 : memref<!tpu.dma_semaphore, #tpu.memory_space<semaphore_mem>>)
        %dma_start3A_196 = arith.constant 96 : i32
        %dma_start3A_197 = arith.constant 0 : i32
        %dma_start3A_198 = tpu.memref_slice %arg9[%dma_start3A_196, %dma_start3A_197] : memref<128x128xf32, #tpu.memory_space<vmem>> -> memref<32x128xf32, #tpu.memory_space<vmem>>
        %dma_start3A_199 = arith.constant 96 : i32
        %dma_start3A_200 = tpu.memref_slice %arg7[%add3A_168, %dma_start3A_199] : memref<40x128xi32, #tpu.memory_space<vmem>> -> memref<1x32xi32, #tpu.memory_space<vmem>>
        %dma_start3A_201 = tpu.memref_squeeze %dma_start3A_200 : memref<1x32xi32, #tpu.memory_space<vmem>> -> memref<32xi32, #tpu.memory_space<vmem>>
        %dma_start3A_202 = arith.constant 0 : i32
        %dma_start3A_203 = arith.constant 0 : i32
        %dma_start3A_204 = tpu.memref_slice %arg2[%dma_start3A_202, %dma_start3A_203] : memref<10240x128xf32, #tpu.memory_space<hbm>> -> memref<10240x128xf32, #tpu.memory_space<hbm>>
        tpu.enqueue_indirect_dma source(%dma_start3A_204 : memref<10240x128xf32, #tpu.memory_space<hbm>>) target(%dma_start3A_198 : memref<32x128xf32, #tpu.memory_space<vmem>>) offsets(%dma_start3A_201 : memref<32xi32, #tpu.memory_space<vmem>>) semaphore(%arg11 : memref<!tpu.dma_semaphore, #tpu.memory_space<semaphore_mem>>)
      } else {
      }
      %add3A_165 = arith.constant 1 : i32
      %add3A_166 = arith.addi %add3A_111, %add3A_165 : i32
      "tpu.region"() ({
        %run_scoped3A = tpu.sem_alloc : memref<!tpu.dma_semaphore, #tpu.memory_space<semaphore_mem>>
        %dma_start3A_167 = arith.constant 0 : i32
        %dma_start3A_168 = tpu.memref_slice %arg8[%add3A_166, %dma_start3A_167] : memref<40x128xi32, #tpu.memory_space<vmem>> -> memref<1x128xi32, #tpu.memory_space<vmem>>
        %dma_start3A_169 = tpu.memref_squeeze %dma_start3A_168 : memref<1x128xi32, #tpu.memory_space<vmem>> -> memref<128xi32, #tpu.memory_space<vmem>>
        %dma_start3A_170 = arith.constant 0 : i32
        %dma_start3A_171 = arith.constant 0 : i32
        %dma_start3A_172 = tpu.memref_slice %arg6[%dma_start3A_170, %dma_start3A_171] : memref<10240x128xf32, #tpu.memory_space<vmem_shared>> -> memref<10240x128xf32, #tpu.memory_space<vmem_shared>>
        tpu.enqueue_indirect_dma source(%arg10 : memref<128x128xf32, #tpu.memory_space<vmem>>) target(%dma_start3A_172 : memref<10240x128xf32, #tpu.memory_space<vmem_shared>>) offsets(%dma_start3A_169 : memref<128xi32, #tpu.memory_space<vmem>>) semaphore(%run_scoped3A : memref<!tpu.dma_semaphore, #tpu.memory_space<semaphore_mem>>) {add = true}
        %dma_wait3A_173 = arith.constant 0 : i32
        %dma_wait3A_174 = tpu.memref_slice %arg8[%add3A_166, %dma_wait3A_173] : memref<40x128xi32, #tpu.memory_space<vmem>> -> memref<1x128xi32, #tpu.memory_space<vmem>>
        %dma_wait3A_175 = tpu.memref_squeeze %dma_wait3A_174 : memref<1x128xi32, #tpu.memory_space<vmem>> -> memref<128xi32, #tpu.memory_space<vmem>>
        %dma_wait3A_176 = arith.constant 0 : i32
        %dma_wait3A_177 = arith.constant 0 : i32
        %dma_wait3A_178 = tpu.memref_slice %arg6[%dma_wait3A_176, %dma_wait3A_177] : memref<10240x128xf32, #tpu.memory_space<vmem_shared>> -> memref<10240x128xf32, #tpu.memory_space<vmem_shared>>
        tpu.wait_indirect_dma semaphore(%run_scoped3A : memref<!tpu.dma_semaphore, #tpu.memory_space<semaphore_mem>>) src(%arg10 : memref<128x128xf32, #tpu.memory_space<vmem>>) dst(%dma_wait3A_178 : memref<10240x128xf32, #tpu.memory_space<vmem_shared>>)
        tpu.yield
      }) : () -> ()
    }
    %scan3A_60 = arith.constant 20 : i32
    "tpu.region"() ({
      %run_scoped3A = tpu.sem_alloc : memref<!tpu.dma_semaphore, #tpu.memory_space<semaphore_mem>>
      %dma_start3A_107 = arith.constant 40 : i32
      %dma_start3A_108 = arith.constant 0 : i32
      %dma_start3A_109 = tpu.memref_slice %arg3[%add3A, %dma_start3A_107, %dma_start3A_108] : memref<32x80x128xi32, #tpu.memory_space<hbm>> -> memref<1x40x128xi32, #tpu.memory_space<hbm>>
      %dma_start3A_110 = tpu.memref_squeeze %dma_start3A_109 : memref<1x40x128xi32, #tpu.memory_space<hbm>> -> memref<40x128xi32, #tpu.memory_space<hbm>>
      %dma_start3A_111 = arith.constant 40 : i32
      %dma_start3A_112 = arith.constant 0 : i32
      %dma_start3A_113 = tpu.memref_slice %arg3[%add3A, %dma_start3A_111, %dma_start3A_112] : memref<32x80x128xi32, #tpu.memory_space<hbm>> -> memref<1x40x128xi32, #tpu.memory_space<hbm>>
      %dma_start3A_114 = tpu.memref_squeeze %dma_start3A_113 : memref<1x40x128xi32, #tpu.memory_space<hbm>> -> memref<40x128xi32, #tpu.memory_space<hbm>>
      tpu.enqueue_dma source(%dma_start3A_114 : memref<40x128xi32, #tpu.memory_space<hbm>>) target(%arg7 : memref<40x128xi32, #tpu.memory_space<vmem>>) target_semaphore(%run_scoped3A : memref<!tpu.dma_semaphore, #tpu.memory_space<semaphore_mem>>)
      %dma_wait3A = arith.constant 40 : i32
      %dma_wait3A_115 = arith.constant 0 : i32
      %dma_wait3A_116 = tpu.memref_slice %arg3[%add3A, %dma_wait3A, %dma_wait3A_115] : memref<32x80x128xi32, #tpu.memory_space<hbm>> -> memref<1x40x128xi32, #tpu.memory_space<hbm>>
      %dma_wait3A_117 = tpu.memref_squeeze %dma_wait3A_116 : memref<1x40x128xi32, #tpu.memory_space<hbm>> -> memref<40x128xi32, #tpu.memory_space<hbm>>
      %dma_wait3A_118 = arith.constant 40 : i32
      %dma_wait3A_119 = arith.constant 0 : i32
      %dma_wait3A_120 = tpu.memref_slice %arg3[%add3A, %dma_wait3A_118, %dma_wait3A_119] : memref<32x80x128xi32, #tpu.memory_space<hbm>> -> memref<1x40x128xi32, #tpu.memory_space<hbm>>
      %dma_wait3A_121 = tpu.memref_squeeze %dma_wait3A_120 : memref<1x40x128xi32, #tpu.memory_space<hbm>> -> memref<40x128xi32, #tpu.memory_space<hbm>>
      tpu.wait_dma2 semaphore(%run_scoped3A : memref<!tpu.dma_semaphore, #tpu.memory_space<semaphore_mem>>) src(%dma_wait3A_121 : memref<40x128xi32, #tpu.memory_space<hbm>>) dst(%arg7 : memref<40x128xi32, #tpu.memory_space<vmem>>)
      tpu.yield
    }) : () -> ()
    "tpu.region"() ({
      %run_scoped3A = tpu.sem_alloc : memref<!tpu.dma_semaphore, #tpu.memory_space<semaphore_mem>>
      %dma_start3A_107 = arith.constant 40 : i32
      %dma_start3A_108 = arith.constant 0 : i32
      %dma_start3A_109 = tpu.memref_slice %arg4[%add3A, %dma_start3A_107, %dma_start3A_108] : memref<32x80x128xi32, #tpu.memory_space<hbm>> -> memref<1x40x128xi32, #tpu.memory_space<hbm>>
      %dma_start3A_110 = tpu.memref_squeeze %dma_start3A_109 : memref<1x40x128xi32, #tpu.memory_space<hbm>> -> memref<40x128xi32, #tpu.memory_space<hbm>>
      %dma_start3A_111 = arith.constant 40 : i32
      %dma_start3A_112 = arith.constant 0 : i32
      %dma_start3A_113 = tpu.memref_slice %arg4[%add3A, %dma_start3A_111, %dma_start3A_112] : memref<32x80x128xi32, #tpu.memory_space<hbm>> -> memref<1x40x128xi32, #tpu.memory_space<hbm>>
      %dma_start3A_114 = tpu.memref_squeeze %dma_start3A_113 : memref<1x40x128xi32, #tpu.memory_space<hbm>> -> memref<40x128xi32, #tpu.memory_space<hbm>>
      tpu.enqueue_dma source(%dma_start3A_114 : memref<40x128xi32, #tpu.memory_space<hbm>>) target(%arg8 : memref<40x128xi32, #tpu.memory_space<vmem>>) target_semaphore(%run_scoped3A : memref<!tpu.dma_semaphore, #tpu.memory_space<semaphore_mem>>)
      %dma_wait3A = arith.constant 40 : i32
      %dma_wait3A_115 = arith.constant 0 : i32
      %dma_wait3A_116 = tpu.memref_slice %arg4[%add3A, %dma_wait3A, %dma_wait3A_115] : memref<32x80x128xi32, #tpu.memory_space<hbm>> -> memref<1x40x128xi32, #tpu.memory_space<hbm>>
      %dma_wait3A_117 = tpu.memref_squeeze %dma_wait3A_116 : memref<1x40x128xi32, #tpu.memory_space<hbm>> -> memref<40x128xi32, #tpu.memory_space<hbm>>
      %dma_wait3A_118 = arith.constant 40 : i32
      %dma_wait3A_119 = arith.constant 0 : i32
      %dma_wait3A_120 = tpu.memref_slice %arg4[%add3A, %dma_wait3A_118, %dma_wait3A_119] : memref<32x80x128xi32, #tpu.memory_space<hbm>> -> memref<1x40x128xi32, #tpu.memory_space<hbm>>
      %dma_wait3A_121 = tpu.memref_squeeze %dma_wait3A_120 : memref<1x40x128xi32, #tpu.memory_space<hbm>> -> memref<40x128xi32, #tpu.memory_space<hbm>>
      tpu.wait_dma2 semaphore(%run_scoped3A : memref<!tpu.dma_semaphore, #tpu.memory_space<semaphore_mem>>) src(%dma_wait3A_121 : memref<40x128xi32, #tpu.memory_space<hbm>>) dst(%arg8 : memref<40x128xi32, #tpu.memory_space<vmem>>)
      tpu.yield
    }) : () -> ()
    %dma_start3A_61 = arith.constant 0 : i32
    %dma_start3A_62 = arith.constant 0 : i32
    %dma_start3A_63 = arith.constant 0 : i32
    %dma_start3A_64 = tpu.memref_slice %arg9[%dma_start3A_62, %dma_start3A_63] : memref<128x128xf32, #tpu.memory_space<vmem>> -> memref<32x128xf32, #tpu.memory_space<vmem>>
    %dma_start3A_65 = arith.constant 0 : i32
    %dma_start3A_66 = tpu.memref_slice %arg7[%dma_start3A_61, %dma_start3A_65] : memref<40x128xi32, #tpu.memory_space<vmem>> -> memref<1x32xi32, #tpu.memory_space<vmem>>
    %dma_start3A_67 = tpu.memref_squeeze %dma_start3A_66 : memref<1x32xi32, #tpu.memory_space<vmem>> -> memref<32xi32, #tpu.memory_space<vmem>>
    %dma_start3A_68 = arith.constant 0 : i32
    %dma_start3A_69 = arith.constant 0 : i32
    %dma_start3A_70 = tpu.memref_slice %arg2[%dma_start3A_68, %dma_start3A_69] : memref<10240x128xf32, #tpu.memory_space<hbm>> -> memref<10240x128xf32, #tpu.memory_space<hbm>>
    tpu.enqueue_indirect_dma source(%dma_start3A_70 : memref<10240x128xf32, #tpu.memory_space<hbm>>) target(%dma_start3A_64 : memref<32x128xf32, #tpu.memory_space<vmem>>) offsets(%dma_start3A_67 : memref<32xi32, #tpu.memory_space<vmem>>) semaphore(%arg11 : memref<!tpu.dma_semaphore, #tpu.memory_space<semaphore_mem>>)
    %dma_start3A_71 = arith.constant 0 : i32
    %dma_start3A_72 = arith.constant 32 : i32
    %dma_start3A_73 = arith.constant 0 : i32
    %dma_start3A_74 = tpu.memref_slice %arg9[%dma_start3A_72, %dma_start3A_73] : memref<128x128xf32, #tpu.memory_space<vmem>> -> memref<32x128xf32, #tpu.memory_space<vmem>>
    %dma_start3A_75 = arith.constant 32 : i32
    %dma_start3A_76 = tpu.memref_slice %arg7[%dma_start3A_71, %dma_start3A_75] : memref<40x128xi32, #tpu.memory_space<vmem>> -> memref<1x32xi32, #tpu.memory_space<vmem>>
    %dma_start3A_77 = tpu.memref_squeeze %dma_start3A_76 : memref<1x32xi32, #tpu.memory_space<vmem>> -> memref<32xi32, #tpu.memory_space<vmem>>
    %dma_start3A_78 = arith.constant 0 : i32
    %dma_start3A_79 = arith.constant 0 : i32
    %dma_start3A_80 = tpu.memref_slice %arg2[%dma_start3A_78, %dma_start3A_79] : memref<10240x128xf32, #tpu.memory_space<hbm>> -> memref<10240x128xf32, #tpu.memory_space<hbm>>
    tpu.enqueue_indirect_dma source(%dma_start3A_80 : memref<10240x128xf32, #tpu.memory_space<hbm>>) target(%dma_start3A_74 : memref<32x128xf32, #tpu.memory_space<vmem>>) offsets(%dma_start3A_77 : memref<32xi32, #tpu.memory_space<vmem>>) semaphore(%arg11 : memref<!tpu.dma_semaphore, #tpu.memory_space<semaphore_mem>>)
    %dma_start3A_81 = arith.constant 0 : i32
    %dma_start3A_82 = arith.constant 64 : i32
    %dma_start3A_83 = arith.constant 0 : i32
    %dma_start3A_84 = tpu.memref_slice %arg9[%dma_start3A_82, %dma_start3A_83] : memref<128x128xf32, #tpu.memory_space<vmem>> -> memref<32x128xf32, #tpu.memory_space<vmem>>
    %dma_start3A_85 = arith.constant 64 : i32
    %dma_start3A_86 = tpu.memref_slice %arg7[%dma_start3A_81, %dma_start3A_85] : memref<40x128xi32, #tpu.memory_space<vmem>> -> memref<1x32xi32, #tpu.memory_space<vmem>>
    %dma_start3A_87 = tpu.memref_squeeze %dma_start3A_86 : memref<1x32xi32, #tpu.memory_space<vmem>> -> memref<32xi32, #tpu.memory_space<vmem>>
    %dma_start3A_88 = arith.constant 0 : i32
    %dma_start3A_89 = arith.constant 0 : i32
    %dma_start3A_90 = tpu.memref_slice %arg2[%dma_start3A_88, %dma_start3A_89] : memref<10240x128xf32, #tpu.memory_space<hbm>> -> memref<10240x128xf32, #tpu.memory_space<hbm>>
    tpu.enqueue_indirect_dma source(%dma_start3A_90 : memref<10240x128xf32, #tpu.memory_space<hbm>>) target(%dma_start3A_84 : memref<32x128xf32, #tpu.memory_space<vmem>>) offsets(%dma_start3A_87 : memref<32xi32, #tpu.memory_space<vmem>>) semaphore(%arg11 : memref<!tpu.dma_semaphore, #tpu.memory_space<semaphore_mem>>)
    %dma_start3A_91 = arith.constant 0 : i32
    %dma_start3A_92 = arith.constant 96 : i32
    %dma_start3A_93 = arith.constant 0 : i32
    %dma_start3A_94 = tpu.memref_slice %arg9[%dma_start3A_92, %dma_start3A_93] : memref<128x128xf32, #tpu.memory_space<vmem>> -> memref<32x128xf32, #tpu.memory_space<vmem>>
    %dma_start3A_95 = arith.constant 96 : i32
    %dma_start3A_96 = tpu.memref_slice %arg7[%dma_start3A_91, %dma_start3A_95] : memref<40x128xi32, #tpu.memory_space<vmem>> -> memref<1x32xi32, #tpu.memory_space<vmem>>
    %dma_start3A_97 = tpu.memref_squeeze %dma_start3A_96 : memref<1x32xi32, #tpu.memory_space<vmem>> -> memref<32xi32, #tpu.memory_space<vmem>>
    %dma_start3A_98 = arith.constant 0 : i32
    %dma_start3A_99 = arith.constant 0 : i32
    %dma_start3A_100 = tpu.memref_slice %arg2[%dma_start3A_98, %dma_start3A_99] : memref<10240x128xf32, #tpu.memory_space<hbm>> -> memref<10240x128xf32, #tpu.memory_space<hbm>>
    tpu.enqueue_indirect_dma source(%dma_start3A_100 : memref<10240x128xf32, #tpu.memory_space<hbm>>) target(%dma_start3A_94 : memref<32x128xf32, #tpu.memory_space<vmem>>) offsets(%dma_start3A_97 : memref<32xi32, #tpu.memory_space<vmem>>) semaphore(%arg11 : memref<!tpu.dma_semaphore, #tpu.memory_space<semaphore_mem>>)
    %scan3A_101 = arith.constant 0 : i32
    %scan3A_102 = arith.constant 20 : i32
    %scan3A_103 = arith.addi %scan3A_101, %scan3A_102 : i32
    %scan3A_104 = arith.constant 1 : i32
    scf.for %scan3A_107 = %scan3A_101 to %scan3A_103 step %scan3A_104  : i32 {
      %mul3A_108 = arith.constant 2 : i32
      %mul3A_109 = arith.muli %scan3A_107, %mul3A_108 : i32
      %add3A_110 = arith.constant 0 : i32
      %add3A_111 = arith.addi %add3A_110, %mul3A_109 : i32
      %dma_wait3A = arith.constant 0 : i32
      %dma_wait3A_112 = arith.constant 0 : i32
      %dma_wait3A_113 = tpu.memref_slice %arg2[%dma_wait3A, %dma_wait3A_112] : memref<10240x128xf32, #tpu.memory_space<hbm>> -> memref<128x128xf32, #tpu.memory_space<hbm>>
      %dma_wait3A_114 = arith.constant 0 : i32
      %dma_wait3A_115 = arith.constant 0 : i32
      %dma_wait3A_116 = tpu.memref_slice %arg2[%dma_wait3A_114, %dma_wait3A_115] : memref<10240x128xf32, #tpu.memory_space<hbm>> -> memref<128x128xf32, #tpu.memory_space<hbm>>
      tpu.wait_dma2 semaphore(%arg11 : memref<!tpu.dma_semaphore, #tpu.memory_space<semaphore_mem>>) src(%dma_wait3A_116 : memref<128x128xf32, #tpu.memory_space<hbm>>) dst(%arg9 : memref<128x128xf32, #tpu.memory_space<vmem>>)
      %add3A_117 = arith.constant 1 : i32
      %add3A_118 = arith.addi %add3A_111, %add3A_117 : i32
      %dma_start3A_119 = arith.constant 0 : i32
      %dma_start3A_120 = arith.constant 0 : i32
      %dma_start3A_121 = tpu.memref_slice %arg10[%dma_start3A_119, %dma_start3A_120] : memref<128x128xf32, #tpu.memory_space<vmem>> -> memref<32x128xf32, #tpu.memory_space<vmem>>
      %dma_start3A_122 = arith.constant 0 : i32
      %dma_start3A_123 = tpu.memref_slice %arg7[%add3A_118, %dma_start3A_122] : memref<40x128xi32, #tpu.memory_space<vmem>> -> memref<1x32xi32, #tpu.memory_space<vmem>>
      %dma_start3A_124 = tpu.memref_squeeze %dma_start3A_123 : memref<1x32xi32, #tpu.memory_space<vmem>> -> memref<32xi32, #tpu.memory_space<vmem>>
      %dma_start3A_125 = arith.constant 0 : i32
      %dma_start3A_126 = arith.constant 0 : i32
      %dma_start3A_127 = tpu.memref_slice %arg2[%dma_start3A_125, %dma_start3A_126] : memref<10240x128xf32, #tpu.memory_space<hbm>> -> memref<10240x128xf32, #tpu.memory_space<hbm>>
      tpu.enqueue_indirect_dma source(%dma_start3A_127 : memref<10240x128xf32, #tpu.memory_space<hbm>>) target(%dma_start3A_121 : memref<32x128xf32, #tpu.memory_space<vmem>>) offsets(%dma_start3A_124 : memref<32xi32, #tpu.memory_space<vmem>>) semaphore(%arg12 : memref<!tpu.dma_semaphore, #tpu.memory_space<semaphore_mem>>)
      %dma_start3A_128 = arith.constant 32 : i32
      %dma_start3A_129 = arith.constant 0 : i32
      %dma_start3A_130 = tpu.memref_slice %arg10[%dma_start3A_128, %dma_start3A_129] : memref<128x128xf32, #tpu.memory_space<vmem>> -> memref<32x128xf32, #tpu.memory_space<vmem>>
      %dma_start3A_131 = arith.constant 32 : i32
      %dma_start3A_132 = tpu.memref_slice %arg7[%add3A_118, %dma_start3A_131] : memref<40x128xi32, #tpu.memory_space<vmem>> -> memref<1x32xi32, #tpu.memory_space<vmem>>
      %dma_start3A_133 = tpu.memref_squeeze %dma_start3A_132 : memref<1x32xi32, #tpu.memory_space<vmem>> -> memref<32xi32, #tpu.memory_space<vmem>>
      %dma_start3A_134 = arith.constant 0 : i32
      %dma_start3A_135 = arith.constant 0 : i32
      %dma_start3A_136 = tpu.memref_slice %arg2[%dma_start3A_134, %dma_start3A_135] : memref<10240x128xf32, #tpu.memory_space<hbm>> -> memref<10240x128xf32, #tpu.memory_space<hbm>>
      tpu.enqueue_indirect_dma source(%dma_start3A_136 : memref<10240x128xf32, #tpu.memory_space<hbm>>) target(%dma_start3A_130 : memref<32x128xf32, #tpu.memory_space<vmem>>) offsets(%dma_start3A_133 : memref<32xi32, #tpu.memory_space<vmem>>) semaphore(%arg12 : memref<!tpu.dma_semaphore, #tpu.memory_space<semaphore_mem>>)
      %dma_start3A_137 = arith.constant 64 : i32
      %dma_start3A_138 = arith.constant 0 : i32
      %dma_start3A_139 = tpu.memref_slice %arg10[%dma_start3A_137, %dma_start3A_138] : memref<128x128xf32, #tpu.memory_space<vmem>> -> memref<32x128xf32, #tpu.memory_space<vmem>>
      %dma_start3A_140 = arith.constant 64 : i32
      %dma_start3A_141 = tpu.memref_slice %arg7[%add3A_118, %dma_start3A_140] : memref<40x128xi32, #tpu.memory_space<vmem>> -> memref<1x32xi32, #tpu.memory_space<vmem>>
      %dma_start3A_142 = tpu.memref_squeeze %dma_start3A_141 : memref<1x32xi32, #tpu.memory_space<vmem>> -> memref<32xi32, #tpu.memory_space<vmem>>
      %dma_start3A_143 = arith.constant 0 : i32
      %dma_start3A_144 = arith.constant 0 : i32
      %dma_start3A_145 = tpu.memref_slice %arg2[%dma_start3A_143, %dma_start3A_144] : memref<10240x128xf32, #tpu.memory_space<hbm>> -> memref<10240x128xf32, #tpu.memory_space<hbm>>
      tpu.enqueue_indirect_dma source(%dma_start3A_145 : memref<10240x128xf32, #tpu.memory_space<hbm>>) target(%dma_start3A_139 : memref<32x128xf32, #tpu.memory_space<vmem>>) offsets(%dma_start3A_142 : memref<32xi32, #tpu.memory_space<vmem>>) semaphore(%arg12 : memref<!tpu.dma_semaphore, #tpu.memory_space<semaphore_mem>>)
      %dma_start3A_146 = arith.constant 96 : i32
      %dma_start3A_147 = arith.constant 0 : i32
      %dma_start3A_148 = tpu.memref_slice %arg10[%dma_start3A_146, %dma_start3A_147] : memref<128x128xf32, #tpu.memory_space<vmem>> -> memref<32x128xf32, #tpu.memory_space<vmem>>
      %dma_start3A_149 = arith.constant 96 : i32
      %dma_start3A_150 = tpu.memref_slice %arg7[%add3A_118, %dma_start3A_149] : memref<40x128xi32, #tpu.memory_space<vmem>> -> memref<1x32xi32, #tpu.memory_space<vmem>>
      %dma_start3A_151 = tpu.memref_squeeze %dma_start3A_150 : memref<1x32xi32, #tpu.memory_space<vmem>> -> memref<32xi32, #tpu.memory_space<vmem>>
      %dma_start3A_152 = arith.constant 0 : i32
      %dma_start3A_153 = arith.constant 0 : i32
      %dma_start3A_154 = tpu.memref_slice %arg2[%dma_start3A_152, %dma_start3A_153] : memref<10240x128xf32, #tpu.memory_space<hbm>> -> memref<10240x128xf32, #tpu.memory_space<hbm>>
      tpu.enqueue_indirect_dma source(%dma_start3A_154 : memref<10240x128xf32, #tpu.memory_space<hbm>>) target(%dma_start3A_148 : memref<32x128xf32, #tpu.memory_space<vmem>>) offsets(%dma_start3A_151 : memref<32xi32, #tpu.memory_space<vmem>>) semaphore(%arg12 : memref<!tpu.dma_semaphore, #tpu.memory_space<semaphore_mem>>)
      "tpu.region"() ({
        %run_scoped3A = tpu.sem_alloc : memref<!tpu.dma_semaphore, #tpu.memory_space<semaphore_mem>>
        %dma_start3A_167 = arith.constant 0 : i32
        %dma_start3A_168 = tpu.memref_slice %arg8[%add3A_111, %dma_start3A_167] : memref<40x128xi32, #tpu.memory_space<vmem>> -> memref<1x128xi32, #tpu.memory_space<vmem>>
        %dma_start3A_169 = tpu.memref_squeeze %dma_start3A_168 : memref<1x128xi32, #tpu.memory_space<vmem>> -> memref<128xi32, #tpu.memory_space<vmem>>
        %dma_start3A_170 = arith.constant 0 : i32
        %dma_start3A_171 = arith.constant 0 : i32
        %dma_start3A_172 = tpu.memref_slice %arg6[%dma_start3A_170, %dma_start3A_171] : memref<10240x128xf32, #tpu.memory_space<vmem_shared>> -> memref<10240x128xf32, #tpu.memory_space<vmem_shared>>
        tpu.enqueue_indirect_dma source(%arg9 : memref<128x128xf32, #tpu.memory_space<vmem>>) target(%dma_start3A_172 : memref<10240x128xf32, #tpu.memory_space<vmem_shared>>) offsets(%dma_start3A_169 : memref<128xi32, #tpu.memory_space<vmem>>) semaphore(%run_scoped3A : memref<!tpu.dma_semaphore, #tpu.memory_space<semaphore_mem>>) {add = true}
        %dma_wait3A_173 = arith.constant 0 : i32
        %dma_wait3A_174 = tpu.memref_slice %arg8[%add3A_111, %dma_wait3A_173] : memref<40x128xi32, #tpu.memory_space<vmem>> -> memref<1x128xi32, #tpu.memory_space<vmem>>
        %dma_wait3A_175 = tpu.memref_squeeze %dma_wait3A_174 : memref<1x128xi32, #tpu.memory_space<vmem>> -> memref<128xi32, #tpu.memory_space<vmem>>
        %dma_wait3A_176 = arith.constant 0 : i32
        %dma_wait3A_177 = arith.constant 0 : i32
        %dma_wait3A_178 = tpu.memref_slice %arg6[%dma_wait3A_176, %dma_wait3A_177] : memref<10240x128xf32, #tpu.memory_space<vmem_shared>> -> memref<10240x128xf32, #tpu.memory_space<vmem_shared>>
        tpu.wait_indirect_dma semaphore(%run_scoped3A : memref<!tpu.dma_semaphore, #tpu.memory_space<semaphore_mem>>) src(%arg9 : memref<128x128xf32, #tpu.memory_space<vmem>>) dst(%dma_wait3A_178 : memref<10240x128xf32, #tpu.memory_space<vmem_shared>>)
        tpu.yield
      }) : () -> ()
      %dma_wait3A_155 = arith.constant 0 : i32
      %dma_wait3A_156 = arith.constant 0 : i32
      %dma_wait3A_157 = tpu.memref_slice %arg2[%dma_wait3A_155, %dma_wait3A_156] : memref<10240x128xf32, #tpu.memory_space<hbm>> -> memref<128x128xf32, #tpu.memory_space<hbm>>
      %dma_wait3A_158 = arith.constant 0 : i32
      %dma_wait3A_159 = arith.constant 0 : i32
      %dma_wait3A_160 = tpu.memref_slice %arg2[%dma_wait3A_158, %dma_wait3A_159] : memref<10240x128xf32, #tpu.memory_space<hbm>> -> memref<128x128xf32, #tpu.memory_space<hbm>>
      tpu.wait_dma2 semaphore(%arg12 : memref<!tpu.dma_semaphore, #tpu.memory_space<semaphore_mem>>) src(%dma_wait3A_160 : memref<128x128xf32, #tpu.memory_space<hbm>>) dst(%arg10 : memref<128x128xf32, #tpu.memory_space<vmem>>)
      %add3A_161 = arith.constant 2 : i32
      %add3A_162 = arith.addi %add3A_111, %add3A_161 : i32
      %lt3A = arith.constant 40 : i32
      %lt3A_163 = arith.cmpi slt, %add3A_162, %lt3A : i32
      %convert_element_type3A = arith.extui %lt3A_163 : i1 to i32
      %cond3A = arith.constant 0 : i32
      %cond3A_164 = arith.cmpi ne, %convert_element_type3A, %cond3A : i32
      scf.if %cond3A_164 {
        %add3A_167 = arith.constant 2 : i32
        %add3A_168 = arith.addi %add3A_111, %add3A_167 : i32
        %dma_start3A_169 = arith.constant 0 : i32
        %dma_start3A_170 = arith.constant 0 : i32
        %dma_start3A_171 = tpu.memref_slice %arg9[%dma_start3A_169, %dma_start3A_170] : memref<128x128xf32, #tpu.memory_space<vmem>> -> memref<32x128xf32, #tpu.memory_space<vmem>>
        %dma_start3A_172 = arith.constant 0 : i32
        %dma_start3A_173 = tpu.memref_slice %arg7[%add3A_168, %dma_start3A_172] : memref<40x128xi32, #tpu.memory_space<vmem>> -> memref<1x32xi32, #tpu.memory_space<vmem>>
        %dma_start3A_174 = tpu.memref_squeeze %dma_start3A_173 : memref<1x32xi32, #tpu.memory_space<vmem>> -> memref<32xi32, #tpu.memory_space<vmem>>
        %dma_start3A_175 = arith.constant 0 : i32
        %dma_start3A_176 = arith.constant 0 : i32
        %dma_start3A_177 = tpu.memref_slice %arg2[%dma_start3A_175, %dma_start3A_176] : memref<10240x128xf32, #tpu.memory_space<hbm>> -> memref<10240x128xf32, #tpu.memory_space<hbm>>
        tpu.enqueue_indirect_dma source(%dma_start3A_177 : memref<10240x128xf32, #tpu.memory_space<hbm>>) target(%dma_start3A_171 : memref<32x128xf32, #tpu.memory_space<vmem>>) offsets(%dma_start3A_174 : memref<32xi32, #tpu.memory_space<vmem>>) semaphore(%arg11 : memref<!tpu.dma_semaphore, #tpu.memory_space<semaphore_mem>>)
        %dma_start3A_178 = arith.constant 32 : i32
        %dma_start3A_179 = arith.constant 0 : i32
        %dma_start3A_180 = tpu.memref_slice %arg9[%dma_start3A_178, %dma_start3A_179] : memref<128x128xf32, #tpu.memory_space<vmem>> -> memref<32x128xf32, #tpu.memory_space<vmem>>
        %dma_start3A_181 = arith.constant 32 : i32
        %dma_start3A_182 = tpu.memref_slice %arg7[%add3A_168, %dma_start3A_181] : memref<40x128xi32, #tpu.memory_space<vmem>> -> memref<1x32xi32, #tpu.memory_space<vmem>>
        %dma_start3A_183 = tpu.memref_squeeze %dma_start3A_182 : memref<1x32xi32, #tpu.memory_space<vmem>> -> memref<32xi32, #tpu.memory_space<vmem>>
        %dma_start3A_184 = arith.constant 0 : i32
        %dma_start3A_185 = arith.constant 0 : i32
        %dma_start3A_186 = tpu.memref_slice %arg2[%dma_start3A_184, %dma_start3A_185] : memref<10240x128xf32, #tpu.memory_space<hbm>> -> memref<10240x128xf32, #tpu.memory_space<hbm>>
        tpu.enqueue_indirect_dma source(%dma_start3A_186 : memref<10240x128xf32, #tpu.memory_space<hbm>>) target(%dma_start3A_180 : memref<32x128xf32, #tpu.memory_space<vmem>>) offsets(%dma_start3A_183 : memref<32xi32, #tpu.memory_space<vmem>>) semaphore(%arg11 : memref<!tpu.dma_semaphore, #tpu.memory_space<semaphore_mem>>)
        %dma_start3A_187 = arith.constant 64 : i32
        %dma_start3A_188 = arith.constant 0 : i32
        %dma_start3A_189 = tpu.memref_slice %arg9[%dma_start3A_187, %dma_start3A_188] : memref<128x128xf32, #tpu.memory_space<vmem>> -> memref<32x128xf32, #tpu.memory_space<vmem>>
        %dma_start3A_190 = arith.constant 64 : i32
        %dma_start3A_191 = tpu.memref_slice %arg7[%add3A_168, %dma_start3A_190] : memref<40x128xi32, #tpu.memory_space<vmem>> -> memref<1x32xi32, #tpu.memory_space<vmem>>
        %dma_start3A_192 = tpu.memref_squeeze %dma_start3A_191 : memref<1x32xi32, #tpu.memory_space<vmem>> -> memref<32xi32, #tpu.memory_space<vmem>>
        %dma_start3A_193 = arith.constant 0 : i32
        %dma_start3A_194 = arith.constant 0 : i32
        %dma_start3A_195 = tpu.memref_slice %arg2[%dma_start3A_193, %dma_start3A_194] : memref<10240x128xf32, #tpu.memory_space<hbm>> -> memref<10240x128xf32, #tpu.memory_space<hbm>>
        tpu.enqueue_indirect_dma source(%dma_start3A_195 : memref<10240x128xf32, #tpu.memory_space<hbm>>) target(%dma_start3A_189 : memref<32x128xf32, #tpu.memory_space<vmem>>) offsets(%dma_start3A_192 : memref<32xi32, #tpu.memory_space<vmem>>) semaphore(%arg11 : memref<!tpu.dma_semaphore, #tpu.memory_space<semaphore_mem>>)
        %dma_start3A_196 = arith.constant 96 : i32
        %dma_start3A_197 = arith.constant 0 : i32
        %dma_start3A_198 = tpu.memref_slice %arg9[%dma_start3A_196, %dma_start3A_197] : memref<128x128xf32, #tpu.memory_space<vmem>> -> memref<32x128xf32, #tpu.memory_space<vmem>>
        %dma_start3A_199 = arith.constant 96 : i32
        %dma_start3A_200 = tpu.memref_slice %arg7[%add3A_168, %dma_start3A_199] : memref<40x128xi32, #tpu.memory_space<vmem>> -> memref<1x32xi32, #tpu.memory_space<vmem>>
        %dma_start3A_201 = tpu.memref_squeeze %dma_start3A_200 : memref<1x32xi32, #tpu.memory_space<vmem>> -> memref<32xi32, #tpu.memory_space<vmem>>
        %dma_start3A_202 = arith.constant 0 : i32
        %dma_start3A_203 = arith.constant 0 : i32
        %dma_start3A_204 = tpu.memref_slice %arg2[%dma_start3A_202, %dma_start3A_203] : memref<10240x128xf32, #tpu.memory_space<hbm>> -> memref<10240x128xf32, #tpu.memory_space<hbm>>
        tpu.enqueue_indirect_dma source(%dma_start3A_204 : memref<10240x128xf32, #tpu.memory_space<hbm>>) target(%dma_start3A_198 : memref<32x128xf32, #tpu.memory_space<vmem>>) offsets(%dma_start3A_201 : memref<32xi32, #tpu.memory_space<vmem>>) semaphore(%arg11 : memref<!tpu.dma_semaphore, #tpu.memory_space<semaphore_mem>>)
      } else {
      }
      %add3A_165 = arith.constant 1 : i32
      %add3A_166 = arith.addi %add3A_111, %add3A_165 : i32
      "tpu.region"() ({
        %run_scoped3A = tpu.sem_alloc : memref<!tpu.dma_semaphore, #tpu.memory_space<semaphore_mem>>
        %dma_start3A_167 = arith.constant 0 : i32
        %dma_start3A_168 = tpu.memref_slice %arg8[%add3A_166, %dma_start3A_167] : memref<40x128xi32, #tpu.memory_space<vmem>> -> memref<1x128xi32, #tpu.memory_space<vmem>>
        %dma_start3A_169 = tpu.memref_squeeze %dma_start3A_168 : memref<1x128xi32, #tpu.memory_space<vmem>> -> memref<128xi32, #tpu.memory_space<vmem>>
        %dma_start3A_170 = arith.constant 0 : i32
        %dma_start3A_171 = arith.constant 0 : i32
        %dma_start3A_172 = tpu.memref_slice %arg6[%dma_start3A_170, %dma_start3A_171] : memref<10240x128xf32, #tpu.memory_space<vmem_shared>> -> memref<10240x128xf32, #tpu.memory_space<vmem_shared>>
        tpu.enqueue_indirect_dma source(%arg10 : memref<128x128xf32, #tpu.memory_space<vmem>>) target(%dma_start3A_172 : memref<10240x128xf32, #tpu.memory_space<vmem_shared>>) offsets(%dma_start3A_169 : memref<128xi32, #tpu.memory_space<vmem>>) semaphore(%run_scoped3A : memref<!tpu.dma_semaphore, #tpu.memory_space<semaphore_mem>>) {add = true}
        %dma_wait3A_173 = arith.constant 0 : i32
        %dma_wait3A_174 = tpu.memref_slice %arg8[%add3A_166, %dma_wait3A_173] : memref<40x128xi32, #tpu.memory_space<vmem>> -> memref<1x128xi32, #tpu.memory_space<vmem>>
        %dma_wait3A_175 = tpu.memref_squeeze %dma_wait3A_174 : memref<1x128xi32, #tpu.memory_space<vmem>> -> memref<128xi32, #tpu.memory_space<vmem>>
        %dma_wait3A_176 = arith.constant 0 : i32
        %dma_wait3A_177 = arith.constant 0 : i32
        %dma_wait3A_178 = tpu.memref_slice %arg6[%dma_wait3A_176, %dma_wait3A_177] : memref<10240x128xf32, #tpu.memory_space<vmem_shared>> -> memref<10240x128xf32, #tpu.memory_space<vmem_shared>>
        tpu.wait_indirect_dma semaphore(%run_scoped3A : memref<!tpu.dma_semaphore, #tpu.memory_space<semaphore_mem>>) src(%arg10 : memref<128x128xf32, #tpu.memory_space<vmem>>) dst(%dma_wait3A_178 : memref<10240x128xf32, #tpu.memory_space<vmem_shared>>)
        tpu.yield
      }) : () -> ()
    }
    %scan3A_105 = arith.constant 20 : i32
    %barrier3A_106 = arith.constant 0 : index
    tpu.barrier barrier_id(%barrier3A_106)
    "tpu.region"() ({
      %run_scoped3A = tpu.sem_alloc : memref<!tpu.dma_semaphore, #tpu.memory_space<semaphore_mem>>
      %dma_start3A_107 = arith.constant 0 : i32
      %dma_start3A_108 = tpu.memref_slice %arg5[%arg0, %mul3A_2, %dma_start3A_107] : memref<2x10240x128xf32, #tpu.memory_space<hbm>> -> memref<1x640x128xf32, #tpu.memory_space<hbm>>
      %dma_start3A_109 = tpu.memref_squeeze %dma_start3A_108 : memref<1x640x128xf32, #tpu.memory_space<hbm>> -> memref<640x128xf32, #tpu.memory_space<hbm>>
      %dma_start3A_110 = arith.constant 0 : i32
      %dma_start3A_111 = tpu.memref_slice %arg6[%mul3A_2, %dma_start3A_110] : memref<10240x128xf32, #tpu.memory_space<vmem_shared>> -> memref<640x128xf32, #tpu.memory_space<vmem_shared>>
      tpu.enqueue_dma source(%dma_start3A_111 : memref<640x128xf32, #tpu.memory_space<vmem_shared>>) target(%dma_start3A_109 : memref<640x128xf32, #tpu.memory_space<hbm>>) target_semaphore(%run_scoped3A : memref<!tpu.dma_semaphore, #tpu.memory_space<semaphore_mem>>)
      %dma_wait3A = arith.constant 0 : i32
      %dma_wait3A_112 = tpu.memref_slice %arg5[%arg0, %mul3A_2, %dma_wait3A] : memref<2x10240x128xf32, #tpu.memory_space<hbm>> -> memref<1x640x128xf32, #tpu.memory_space<hbm>>
      %dma_wait3A_113 = tpu.memref_squeeze %dma_wait3A_112 : memref<1x640x128xf32, #tpu.memory_space<hbm>> -> memref<640x128xf32, #tpu.memory_space<hbm>>
      %dma_wait3A_114 = arith.constant 0 : i32
      %dma_wait3A_115 = tpu.memref_slice %arg6[%mul3A_2, %dma_wait3A_114] : memref<10240x128xf32, #tpu.memory_space<vmem_shared>> -> memref<640x128xf32, #tpu.memory_space<vmem_shared>>
      tpu.wait_dma2 semaphore(%run_scoped3A : memref<!tpu.dma_semaphore, #tpu.memory_space<semaphore_mem>>) src(%dma_wait3A_115 : memref<640x128xf32, #tpu.memory_space<vmem_shared>>) dst(%dma_wait3A_113 : memref<640x128xf32, #tpu.memory_space<hbm>>)
      tpu.yield
    }) : () -> ()
    return
  }
}

#map = affine_map<(d0, d1) -> (0, 0, 0)>
#map1 = affine_map<(d0, d1) -> (0, 0)>
module attributes {stable_mosaic.version = 14 : i64} {
  func.func @deg_kernel(%arg0: i32, %arg1: i32, %arg2: memref<32x80x128xi32, #tpu.memory_space<hbm>>, %arg3: memref<32x10240xf32, #tpu.memory_space<hbm>>, %arg4: memref<10240xf32, #tpu.memory_space<vmem>>, %arg5: memref<80x128xi32, #tpu.memory_space<vmem>>) attributes {dimension_semantics = [#tpu.dimension_semantics<core_parallel>, #tpu.dimension_semantics<subcore_parallel>], iteration_bounds = array<i64: 2, 16>, scalar_prefetch = 0 : i64, scratch_operands = 2 : i64, tpu.core_type = #tpu.core_type<sc_vector_subcore>, window_params = [{transform_indices = #map}, {transform_indices = #map1}]} {
    %mul3A = arith.constant 2 : i32
    %mul3A_0 = arith.muli %arg1, %mul3A : i32
    %add3A = arith.addi %mul3A_0, %arg0 : i32
    "tpu.region"() ({
      %run_scoped3A = tpu.sem_alloc : memref<!tpu.dma_semaphore, #tpu.memory_space<semaphore_mem>>
      %dma_start3A = arith.constant 0 : i32
      %dma_start3A_11 = arith.constant 0 : i32
      %dma_start3A_12 = tpu.memref_slice %arg2[%add3A, %dma_start3A, %dma_start3A_11] : memref<32x80x128xi32, #tpu.memory_space<hbm>> -> memref<1x80x128xi32, #tpu.memory_space<hbm>>
      %dma_start3A_13 = tpu.memref_squeeze %dma_start3A_12 : memref<1x80x128xi32, #tpu.memory_space<hbm>> -> memref<80x128xi32, #tpu.memory_space<hbm>>
      %dma_start3A_14 = arith.constant 0 : i32
      %dma_start3A_15 = arith.constant 0 : i32
      %dma_start3A_16 = tpu.memref_slice %arg2[%add3A, %dma_start3A_14, %dma_start3A_15] : memref<32x80x128xi32, #tpu.memory_space<hbm>> -> memref<1x80x128xi32, #tpu.memory_space<hbm>>
      %dma_start3A_17 = tpu.memref_squeeze %dma_start3A_16 : memref<1x80x128xi32, #tpu.memory_space<hbm>> -> memref<80x128xi32, #tpu.memory_space<hbm>>
      tpu.enqueue_dma source(%dma_start3A_17 : memref<80x128xi32, #tpu.memory_space<hbm>>) target(%arg5 : memref<80x128xi32, #tpu.memory_space<vmem>>) target_semaphore(%run_scoped3A : memref<!tpu.dma_semaphore, #tpu.memory_space<semaphore_mem>>)
      %dma_wait3A = arith.constant 0 : i32
      %dma_wait3A_18 = arith.constant 0 : i32
      %dma_wait3A_19 = tpu.memref_slice %arg2[%add3A, %dma_wait3A, %dma_wait3A_18] : memref<32x80x128xi32, #tpu.memory_space<hbm>> -> memref<1x80x128xi32, #tpu.memory_space<hbm>>
      %dma_wait3A_20 = tpu.memref_squeeze %dma_wait3A_19 : memref<1x80x128xi32, #tpu.memory_space<hbm>> -> memref<80x128xi32, #tpu.memory_space<hbm>>
      %dma_wait3A_21 = arith.constant 0 : i32
      %dma_wait3A_22 = arith.constant 0 : i32
      %dma_wait3A_23 = tpu.memref_slice %arg2[%add3A, %dma_wait3A_21, %dma_wait3A_22] : memref<32x80x128xi32, #tpu.memory_space<hbm>> -> memref<1x80x128xi32, #tpu.memory_space<hbm>>
      %dma_wait3A_24 = tpu.memref_squeeze %dma_wait3A_23 : memref<1x80x128xi32, #tpu.memory_space<hbm>> -> memref<80x128xi32, #tpu.memory_space<hbm>>
      tpu.wait_dma2 semaphore(%run_scoped3A : memref<!tpu.dma_semaphore, #tpu.memory_space<semaphore_mem>>) src(%dma_wait3A_24 : memref<80x128xi32, #tpu.memory_space<hbm>>) dst(%arg5 : memref<80x128xi32, #tpu.memory_space<vmem>>)
      tpu.yield
    }) : () -> ()
    %scan3A = arith.constant 0 : i32
    %scan3A_1 = arith.constant 640 : i32
    %scan3A_2 = arith.addi %scan3A, %scan3A_1 : i32
    %scan3A_3 = arith.constant 1 : i32
    scf.for %scan3A_11 = %scan3A to %scan3A_2 step %scan3A_3  : i32 {
      %mul3A_12 = arith.constant 1 : i32
      %mul3A_13 = arith.muli %scan3A_11, %mul3A_12 : i32
      %add3A_14 = arith.constant 0 : i32
      %add3A_15 = arith.addi %add3A_14, %mul3A_13 : i32
      %broadcast_in_dim3A_16 = arith.constant 0.000000e+00 : f32
      %broadcast_in_dim3A_17 = vector.broadcast %broadcast_in_dim3A_16 : f32 to vector<16xf32>
      %mul3A_18 = arith.constant 16 : i32
      %mul3A_19 = arith.muli %add3A_15, %mul3A_18 : i32
      %swap3A = arith.index_cast %mul3A_19 : i32 to index
      %swap3A_20 = tpu.vector_load %arg4[%swap3A] {strides = array<i32>} : memref<10240xf32, #tpu.memory_space<vmem>>, vector<16xf32>,
      tpu.vector_store %arg4[%swap3A], %broadcast_in_dim3A_17 {strides = array<i32>} : memref<10240xf32, #tpu.memory_space<vmem>>, vector<16xf32>,
    }
    %scan3A_4 = arith.constant 640 : i32
    %broadcast_in_dim3A = arith.constant 1.000000e+00 : f32
    %broadcast_in_dim3A_5 = vector.broadcast %broadcast_in_dim3A : f32 to vector<16xf32>
    %scan3A_6 = arith.constant 0 : i32
    %scan3A_7 = arith.constant 80 : i32
    %scan3A_8 = arith.addi %scan3A_6, %scan3A_7 : i32
    %scan3A_9 = arith.constant 1 : i32
    scf.for %scan3A_11 = %scan3A_6 to %scan3A_8 step %scan3A_9  : i32 {
      %mul3A_12 = arith.constant 1 : i32
      %mul3A_13 = arith.muli %scan3A_11, %mul3A_12 : i32
      %add3A_14 = arith.constant 0 : i32
      %add3A_15 = arith.addi %add3A_14, %mul3A_13 : i32
      %get3A = arith.index_cast %add3A_15 : i32 to index
      %get3A_16 = arith.constant 0 : index
      %get3A_17 = tpu.vector_load %arg5[%get3A, %get3A_16] {strides = array<i32>} : memref<80x128xi32, #tpu.memory_space<vmem>>, vector<16xi32>,
      tpu.vector_store_idx %arg4[%get3A_17], %broadcast_in_dim3A_5 {add = true} : memref<10240xf32, #tpu.memory_space<vmem>>[vector<16xi32>], vector<16xf32>,
      %get3A_18 = arith.index_cast %add3A_15 : i32 to index
      %get3A_19 = arith.constant 16 : index
      %get3A_20 = tpu.vector_load %arg5[%get3A_18, %get3A_19] {strides = array<i32>} : memref<80x128xi32, #tpu.memory_space<vmem>>, vector<16xi32>,
      tpu.vector_store_idx %arg4[%get3A_20], %broadcast_in_dim3A_5 {add = true} : memref<10240xf32, #tpu.memory_space<vmem>>[vector<16xi32>], vector<16xf32>,
      %get3A_21 = arith.index_cast %add3A_15 : i32 to index
      %get3A_22 = arith.constant 32 : index
      %get3A_23 = tpu.vector_load %arg5[%get3A_21, %get3A_22] {strides = array<i32>} : memref<80x128xi32, #tpu.memory_space<vmem>>, vector<16xi32>,
      tpu.vector_store_idx %arg4[%get3A_23], %broadcast_in_dim3A_5 {add = true} : memref<10240xf32, #tpu.memory_space<vmem>>[vector<16xi32>], vector<16xf32>,
      %get3A_24 = arith.index_cast %add3A_15 : i32 to index
      %get3A_25 = arith.constant 48 : index
      %get3A_26 = tpu.vector_load %arg5[%get3A_24, %get3A_25] {strides = array<i32>} : memref<80x128xi32, #tpu.memory_space<vmem>>, vector<16xi32>,
      tpu.vector_store_idx %arg4[%get3A_26], %broadcast_in_dim3A_5 {add = true} : memref<10240xf32, #tpu.memory_space<vmem>>[vector<16xi32>], vector<16xf32>,
      %get3A_27 = arith.index_cast %add3A_15 : i32 to index
      %get3A_28 = arith.constant 64 : index
      %get3A_29 = tpu.vector_load %arg5[%get3A_27, %get3A_28] {strides = array<i32>} : memref<80x128xi32, #tpu.memory_space<vmem>>, vector<16xi32>,
      tpu.vector_store_idx %arg4[%get3A_29], %broadcast_in_dim3A_5 {add = true} : memref<10240xf32, #tpu.memory_space<vmem>>[vector<16xi32>], vector<16xf32>,
      %get3A_30 = arith.index_cast %add3A_15 : i32 to index
      %get3A_31 = arith.constant 80 : index
      %get3A_32 = tpu.vector_load %arg5[%get3A_30, %get3A_31] {strides = array<i32>} : memref<80x128xi32, #tpu.memory_space<vmem>>, vector<16xi32>,
      tpu.vector_store_idx %arg4[%get3A_32], %broadcast_in_dim3A_5 {add = true} : memref<10240xf32, #tpu.memory_space<vmem>>[vector<16xi32>], vector<16xf32>,
      %get3A_33 = arith.index_cast %add3A_15 : i32 to index
      %get3A_34 = arith.constant 96 : index
      %get3A_35 = tpu.vector_load %arg5[%get3A_33, %get3A_34] {strides = array<i32>} : memref<80x128xi32, #tpu.memory_space<vmem>>, vector<16xi32>,
      tpu.vector_store_idx %arg4[%get3A_35], %broadcast_in_dim3A_5 {add = true} : memref<10240xf32, #tpu.memory_space<vmem>>[vector<16xi32>], vector<16xf32>,
      %get3A_36 = arith.index_cast %add3A_15 : i32 to index
      %get3A_37 = arith.constant 112 : index
      %get3A_38 = tpu.vector_load %arg5[%get3A_36, %get3A_37] {strides = array<i32>} : memref<80x128xi32, #tpu.memory_space<vmem>>, vector<16xi32>,
      tpu.vector_store_idx %arg4[%get3A_38], %broadcast_in_dim3A_5 {add = true} : memref<10240xf32, #tpu.memory_space<vmem>>[vector<16xi32>], vector<16xf32>,
    }
    %scan3A_10 = arith.constant 80 : i32
    "tpu.region"() ({
      %run_scoped3A = tpu.sem_alloc : memref<!tpu.dma_semaphore, #tpu.memory_space<semaphore_mem>>
      %dma_start3A = arith.constant 0 : i32
      %dma_start3A_11 = tpu.memref_slice %arg3[%add3A, %dma_start3A] : memref<32x10240xf32, #tpu.memory_space<hbm>> -> memref<1x10240xf32, #tpu.memory_space<hbm>>
      %dma_start3A_12 = tpu.memref_squeeze %dma_start3A_11 : memref<1x10240xf32, #tpu.memory_space<hbm>> -> memref<10240xf32, #tpu.memory_space<hbm>>
      %dma_start3A_13 = arith.constant 0 : i32
      %dma_start3A_14 = tpu.memref_slice %arg3[%add3A, %dma_start3A_13] : memref<32x10240xf32, #tpu.memory_space<hbm>> -> memref<1x10240xf32, #tpu.memory_space<hbm>>
      %dma_start3A_15 = tpu.memref_squeeze %dma_start3A_14 : memref<1x10240xf32, #tpu.memory_space<hbm>> -> memref<10240xf32, #tpu.memory_space<hbm>>
      tpu.enqueue_dma source(%arg4 : memref<10240xf32, #tpu.memory_space<vmem>>) target(%dma_start3A_15 : memref<10240xf32, #tpu.memory_space<hbm>>) target_semaphore(%run_scoped3A : memref<!tpu.dma_semaphore, #tpu.memory_space<semaphore_mem>>)
      %dma_wait3A = arith.constant 0 : i32
      %dma_wait3A_16 = tpu.memref_slice %arg3[%add3A, %dma_wait3A] : memref<32x10240xf32, #tpu.memory_space<hbm>> -> memref<1x10240xf32, #tpu.memory_space<hbm>>
      %dma_wait3A_17 = tpu.memref_squeeze %dma_wait3A_16 : memref<1x10240xf32, #tpu.memory_space<hbm>> -> memref<10240xf32, #tpu.memory_space<hbm>>
      %dma_wait3A_18 = arith.constant 0 : i32
      %dma_wait3A_19 = tpu.memref_slice %arg3[%add3A, %dma_wait3A_18] : memref<32x10240xf32, #tpu.memory_space<hbm>> -> memref<1x10240xf32, #tpu.memory_space<hbm>>
      %dma_wait3A_20 = tpu.memref_squeeze %dma_wait3A_19 : memref<1x10240xf32, #tpu.memory_space<hbm>> -> memref<10240xf32, #tpu.memory_space<hbm>>
      tpu.wait_dma2 semaphore(%run_scoped3A : memref<!tpu.dma_semaphore, #tpu.memory_space<semaphore_mem>>) src(%arg4 : memref<10240xf32, #tpu.memory_space<vmem>>) dst(%dma_wait3A_20 : memref<10240xf32, #tpu.memory_space<hbm>>)
      tpu.yield
    }) : () -> ()
    return
  }
}

#map = affine_map<(d0, d1) -> (0, 0)>
#map1 = affine_map<(d0, d1) -> (0, 0, 0)>
module attributes {stable_mosaic.version = 14 : i64} {
  func.func @agg_kernel(%arg0: i32, %arg1: i32, %arg2: memref<10240x128xf32, #tpu.memory_space<hbm>>, %arg3: memref<32x80x128xi32, #tpu.memory_space<hbm>>, %arg4: memref<32x80x128xi32, #tpu.memory_space<hbm>>, %arg5: memref<2x10240x128xf32, #tpu.memory_space<hbm>>, %arg6: memref<10240x128xf32, #tpu.memory_space<vmem_shared>>, %arg7: memref<40x128xi32, #tpu.memory_space<vmem>>, %arg8: memref<40x128xi32, #tpu.memory_space<vmem>>, %arg9: memref<128x128xf32, #tpu.memory_space<vmem>>, %arg10: memref<128x128xf32, #tpu.memory_space<vmem>>, %arg11: memref<!tpu.dma_semaphore, #tpu.memory_space<semaphore_mem>>, %arg12: memref<!tpu.dma_semaphore, #tpu.memory_space<semaphore_mem>>) attributes {dimension_semantics = [#tpu.dimension_semantics<core_parallel>, #tpu.dimension_semantics<subcore_parallel>], iteration_bounds = array<i64: 2, 16>, scalar_prefetch = 0 : i64, scratch_operands = 7 : i64, tpu.core_type = #tpu.core_type<sc_vector_subcore>, window_params = [{transform_indices = #map}, {transform_indices = #map1}, {transform_indices = #map1}, {transform_indices = #map1}]} {
    %mul3A = arith.constant 2 : i32
    %mul3A_0 = arith.muli %arg1, %mul3A : i32
    %add3A = arith.addi %mul3A_0, %arg0 : i32
    %mul3A_1 = arith.constant 640 : i32
    %mul3A_2 = arith.muli %arg1, %mul3A_1 : i32
    %scan3A = arith.constant 0 : i32
    %scan3A_3 = arith.constant 128 : i32
    %scan3A_4 = arith.addi %scan3A, %scan3A_3 : i32
    %scan3A_5 = arith.constant 1 : i32
    scf.for %scan3A_107 = %scan3A to %scan3A_4 step %scan3A_5  : i32 {
      %mul3A_108 = arith.constant 1 : i32
      %mul3A_109 = arith.muli %scan3A_107, %mul3A_108 : i32
      %add3A_110 = arith.constant 0 : i32
      %add3A_111 = arith.addi %add3A_110, %mul3A_109 : i32
      %broadcast_in_dim3A = arith.constant 0.000000e+00 : f32
      %broadcast_in_dim3A_112 = vector.broadcast %broadcast_in_dim3A : f32 to vector<16xf32>
      %swap3A = arith.index_cast %add3A_111 : i32 to index
      %swap3A_113 = arith.constant 0 : index
      %swap3A_114 = tpu.vector_load %arg9[%swap3A, %swap3A_113] {strides = array<i32>} : memref<128x128xf32, #tpu.memory_space<vmem>>, vector<1x16xf32>,
      %swap3A_115 = vector.shape_cast %swap3A_114 : vector<1x16xf32> to vector<16xf32>
      %swap3A_116 = vector.shape_cast %broadcast_in_dim3A_112 : vector<16xf32> to vector<1x16xf32>
      tpu.vector_store %arg9[%swap3A, %swap3A_113], %swap3A_116 {strides = array<i32>} : memref<128x128xf32, #tpu.memory_space<vmem>>, vector<1x16xf32>,
      %broadcast_in_dim3A_117 = arith.constant 0.000000e+00 : f32
      %broadcast_in_dim3A_118 = vector.broadcast %broadcast_in_dim3A_117 : f32 to vector<16xf32>
      %swap3A_119 = arith.index_cast %add3A_111 : i32 to index
      %swap3A_120 = arith.constant 16 : index
      %swap3A_121 = tpu.vector_load %arg9[%swap3A_119, %swap3A_120] {strides = array<i32>} : memref<128x128xf32, #tpu.memory_space<vmem>>, vector<1x16xf32>,
      %swap3A_122 = vector.shape_cast %swap3A_121 : vector<1x16xf32> to vector<16xf32>
      %swap3A_123 = vector.shape_cast %broadcast_in_dim3A_118 : vector<16xf32> to vector<1x16xf32>
      tpu.vector_store %arg9[%swap3A_119, %swap3A_120], %swap3A_123 {strides = array<i32>} : memref<128x128xf32, #tpu.memory_space<vmem>>, vector<1x16xf32>,
      %broadcast_in_dim3A_124 = arith.constant 0.000000e+00 : f32
      %broadcast_in_dim3A_125 = vector.broadcast %broadcast_in_dim3A_124 : f32 to vector<16xf32>
      %swap3A_126 = arith.index_cast %add3A_111 : i32 to index
      %swap3A_127 = arith.constant 32 : index
      %swap3A_128 = tpu.vector_load %arg9[%swap3A_126, %swap3A_127] {strides = array<i32>} : memref<128x128xf32, #tpu.memory_space<vmem>>, vector<1x16xf32>,
      %swap3A_129 = vector.shape_cast %swap3A_128 : vector<1x16xf32> to vector<16xf32>
      %swap3A_130 = vector.shape_cast %broadcast_in_dim3A_125 : vector<16xf32> to vector<1x16xf32>
      tpu.vector_store %arg9[%swap3A_126, %swap3A_127], %swap3A_130 {strides = array<i32>} : memref<128x128xf32, #tpu.memory_space<vmem>>, vector<1x16xf32>,
      %broadcast_in_dim3A_131 = arith.constant 0.000000e+00 : f32
      %broadcast_in_dim3A_132 = vector.broadcast %broadcast_in_dim3A_131 : f32 to vector<16xf32>
      %swap3A_133 = arith.index_cast %add3A_111 : i32 to index
      %swap3A_134 = arith.constant 48 : index
      %swap3A_135 = tpu.vector_load %arg9[%swap3A_133, %swap3A_134] {strides = array<i32>} : memref<128x128xf32, #tpu.memory_space<vmem>>, vector<1x16xf32>,
      %swap3A_136 = vector.shape_cast %swap3A_135 : vector<1x16xf32> to vector<16xf32>
      %swap3A_137 = vector.shape_cast %broadcast_in_dim3A_132 : vector<16xf32> to vector<1x16xf32>
      tpu.vector_store %arg9[%swap3A_133, %swap3A_134], %swap3A_137 {strides = array<i32>} : memref<128x128xf32, #tpu.memory_space<vmem>>, vector<1x16xf32>,
      %broadcast_in_dim3A_138 = arith.constant 0.000000e+00 : f32
      %broadcast_in_dim3A_139 = vector.broadcast %broadcast_in_dim3A_138 : f32 to vector<16xf32>
      %swap3A_140 = arith.index_cast %add3A_111 : i32 to index
      %swap3A_141 = arith.constant 64 : index
      %swap3A_142 = tpu.vector_load %arg9[%swap3A_140, %swap3A_141] {strides = array<i32>} : memref<128x128xf32, #tpu.memory_space<vmem>>, vector<1x16xf32>,
      %swap3A_143 = vector.shape_cast %swap3A_142 : vector<1x16xf32> to vector<16xf32>
      %swap3A_144 = vector.shape_cast %broadcast_in_dim3A_139 : vector<16xf32> to vector<1x16xf32>
      tpu.vector_store %arg9[%swap3A_140, %swap3A_141], %swap3A_144 {strides = array<i32>} : memref<128x128xf32, #tpu.memory_space<vmem>>, vector<1x16xf32>,
      %broadcast_in_dim3A_145 = arith.constant 0.000000e+00 : f32
      %broadcast_in_dim3A_146 = vector.broadcast %broadcast_in_dim3A_145 : f32 to vector<16xf32>
      %swap3A_147 = arith.index_cast %add3A_111 : i32 to index
      %swap3A_148 = arith.constant 80 : index
      %swap3A_149 = tpu.vector_load %arg9[%swap3A_147, %swap3A_148] {strides = array<i32>} : memref<128x128xf32, #tpu.memory_space<vmem>>, vector<1x16xf32>,
      %swap3A_150 = vector.shape_cast %swap3A_149 : vector<1x16xf32> to vector<16xf32>
      %swap3A_151 = vector.shape_cast %broadcast_in_dim3A_146 : vector<16xf32> to vector<1x16xf32>
      tpu.vector_store %arg9[%swap3A_147, %swap3A_148], %swap3A_151 {strides = array<i32>} : memref<128x128xf32, #tpu.memory_space<vmem>>, vector<1x16xf32>,
      %broadcast_in_dim3A_152 = arith.constant 0.000000e+00 : f32
      %broadcast_in_dim3A_153 = vector.broadcast %broadcast_in_dim3A_152 : f32 to vector<16xf32>
      %swap3A_154 = arith.index_cast %add3A_111 : i32 to index
      %swap3A_155 = arith.constant 96 : index
      %swap3A_156 = tpu.vector_load %arg9[%swap3A_154, %swap3A_155] {strides = array<i32>} : memref<128x128xf32, #tpu.memory_space<vmem>>, vector<1x16xf32>,
      %swap3A_157 = vector.shape_cast %swap3A_156 : vector<1x16xf32> to vector<16xf32>
      %swap3A_158 = vector.shape_cast %broadcast_in_dim3A_153 : vector<16xf32> to vector<1x16xf32>
      tpu.vector_store %arg9[%swap3A_154, %swap3A_155], %swap3A_158 {strides = array<i32>} : memref<128x128xf32, #tpu.memory_space<vmem>>, vector<1x16xf32>,
      %broadcast_in_dim3A_159 = arith.constant 0.000000e+00 : f32
      %broadcast_in_dim3A_160 = vector.broadcast %broadcast_in_dim3A_159 : f32 to vector<16xf32>
      %swap3A_161 = arith.index_cast %add3A_111 : i32 to index
      %swap3A_162 = arith.constant 112 : index
      %swap3A_163 = tpu.vector_load %arg9[%swap3A_161, %swap3A_162] {strides = array<i32>} : memref<128x128xf32, #tpu.memory_space<vmem>>, vector<1x16xf32>,
      %swap3A_164 = vector.shape_cast %swap3A_163 : vector<1x16xf32> to vector<16xf32>
      %swap3A_165 = vector.shape_cast %broadcast_in_dim3A_160 : vector<16xf32> to vector<1x16xf32>
      tpu.vector_store %arg9[%swap3A_161, %swap3A_162], %swap3A_165 {strides = array<i32>} : memref<128x128xf32, #tpu.memory_space<vmem>>, vector<1x16xf32>,
    }
    %scan3A_6 = arith.constant 128 : i32
    %add3A_7 = arith.constant 0 : i32
    %add3A_8 = arith.addi %mul3A_2, %add3A_7 : i32
    "tpu.region"() ({
      %run_scoped3A = tpu.sem_alloc : memref<!tpu.dma_semaphore, #tpu.memory_space<semaphore_mem>>
      %dma_start3A_107 = arith.constant 0 : i32
      %dma_start3A_108 = tpu.memref_slice %arg6[%add3A_8, %dma_start3A_107] : memref<10240x128xf32, #tpu.memory_space<vmem_shared>> -> memref<128x128xf32, #tpu.memory_space<vmem_shared>>
      %dma_start3A_109 = arith.constant 0 : i32
      %dma_start3A_110 = tpu.memref_slice %arg6[%add3A_8, %dma_start3A_109] : memref<10240x128xf32, #tpu.memory_space<vmem_shared>> -> memref<128x128xf32, #tpu.memory_space<vmem_shared>>
      tpu.enqueue_dma source(%arg9 : memref<128x128xf32, #tpu.memory_space<vmem>>) target(%dma_start3A_110 : memref<128x128xf32, #tpu.memory_space<vmem_shared>>) target_semaphore(%run_scoped3A : memref<!tpu.dma_semaphore, #tpu.memory_space<semaphore_mem>>)
      %dma_wait3A = arith.constant 0 : i32
      %dma_wait3A_111 = tpu.memref_slice %arg6[%add3A_8, %dma_wait3A] : memref<10240x128xf32, #tpu.memory_space<vmem_shared>> -> memref<128x128xf32, #tpu.memory_space<vmem_shared>>
      %dma_wait3A_112 = arith.constant 0 : i32
      %dma_wait3A_113 = tpu.memref_slice %arg6[%add3A_8, %dma_wait3A_112] : memref<10240x128xf32, #tpu.memory_space<vmem_shared>> -> memref<128x128xf32, #tpu.memory_space<vmem_shared>>
      tpu.wait_dma2 semaphore(%run_scoped3A : memref<!tpu.dma_semaphore, #tpu.memory_space<semaphore_mem>>) src(%arg9 : memref<128x128xf32, #tpu.memory_space<vmem>>) dst(%dma_wait3A_113 : memref<128x128xf32, #tpu.memory_space<vmem_shared>>)
      tpu.yield
    }) : () -> ()
    %add3A_9 = arith.constant 128 : i32
    %add3A_10 = arith.addi %mul3A_2, %add3A_9 : i32
    "tpu.region"() ({
      %run_scoped3A = tpu.sem_alloc : memref<!tpu.dma_semaphore, #tpu.memory_space<semaphore_mem>>
      %dma_start3A_107 = arith.constant 0 : i32
      %dma_start3A_108 = tpu.memref_slice %arg6[%add3A_10, %dma_start3A_107] : memref<10240x128xf32, #tpu.memory_space<vmem_shared>> -> memref<128x128xf32, #tpu.memory_space<vmem_shared>>
      %dma_start3A_109 = arith.constant 0 : i32
      %dma_start3A_110 = tpu.memref_slice %arg6[%add3A_10, %dma_start3A_109] : memref<10240x128xf32, #tpu.memory_space<vmem_shared>> -> memref<128x128xf32, #tpu.memory_space<vmem_shared>>
      tpu.enqueue_dma source(%arg9 : memref<128x128xf32, #tpu.memory_space<vmem>>) target(%dma_start3A_110 : memref<128x128xf32, #tpu.memory_space<vmem_shared>>) target_semaphore(%run_scoped3A : memref<!tpu.dma_semaphore, #tpu.memory_space<semaphore_mem>>)
      %dma_wait3A = arith.constant 0 : i32
      %dma_wait3A_111 = tpu.memref_slice %arg6[%add3A_10, %dma_wait3A] : memref<10240x128xf32, #tpu.memory_space<vmem_shared>> -> memref<128x128xf32, #tpu.memory_space<vmem_shared>>
      %dma_wait3A_112 = arith.constant 0 : i32
      %dma_wait3A_113 = tpu.memref_slice %arg6[%add3A_10, %dma_wait3A_112] : memref<10240x128xf32, #tpu.memory_space<vmem_shared>> -> memref<128x128xf32, #tpu.memory_space<vmem_shared>>
      tpu.wait_dma2 semaphore(%run_scoped3A : memref<!tpu.dma_semaphore, #tpu.memory_space<semaphore_mem>>) src(%arg9 : memref<128x128xf32, #tpu.memory_space<vmem>>) dst(%dma_wait3A_113 : memref<128x128xf32, #tpu.memory_space<vmem_shared>>)
      tpu.yield
    }) : () -> ()
    %add3A_11 = arith.constant 256 : i32
    %add3A_12 = arith.addi %mul3A_2, %add3A_11 : i32
    "tpu.region"() ({
      %run_scoped3A = tpu.sem_alloc : memref<!tpu.dma_semaphore, #tpu.memory_space<semaphore_mem>>
      %dma_start3A_107 = arith.constant 0 : i32
      %dma_start3A_108 = tpu.memref_slice %arg6[%add3A_12, %dma_start3A_107] : memref<10240x128xf32, #tpu.memory_space<vmem_shared>> -> memref<128x128xf32, #tpu.memory_space<vmem_shared>>
      %dma_start3A_109 = arith.constant 0 : i32
      %dma_start3A_110 = tpu.memref_slice %arg6[%add3A_12, %dma_start3A_109] : memref<10240x128xf32, #tpu.memory_space<vmem_shared>> -> memref<128x128xf32, #tpu.memory_space<vmem_shared>>
      tpu.enqueue_dma source(%arg9 : memref<128x128xf32, #tpu.memory_space<vmem>>) target(%dma_start3A_110 : memref<128x128xf32, #tpu.memory_space<vmem_shared>>) target_semaphore(%run_scoped3A : memref<!tpu.dma_semaphore, #tpu.memory_space<semaphore_mem>>)
      %dma_wait3A = arith.constant 0 : i32
      %dma_wait3A_111 = tpu.memref_slice %arg6[%add3A_12, %dma_wait3A] : memref<10240x128xf32, #tpu.memory_space<vmem_shared>> -> memref<128x128xf32, #tpu.memory_space<vmem_shared>>
      %dma_wait3A_112 = arith.constant 0 : i32
      %dma_wait3A_113 = tpu.memref_slice %arg6[%add3A_12, %dma_wait3A_112] : memref<10240x128xf32, #tpu.memory_space<vmem_shared>> -> memref<128x128xf32, #tpu.memory_space<vmem_shared>>
      tpu.wait_dma2 semaphore(%run_scoped3A : memref<!tpu.dma_semaphore, #tpu.memory_space<semaphore_mem>>) src(%arg9 : memref<128x128xf32, #tpu.memory_space<vmem>>) dst(%dma_wait3A_113 : memref<128x128xf32, #tpu.memory_space<vmem_shared>>)
      tpu.yield
    }) : () -> ()
    %add3A_13 = arith.constant 384 : i32
    %add3A_14 = arith.addi %mul3A_2, %add3A_13 : i32
    "tpu.region"() ({
      %run_scoped3A = tpu.sem_alloc : memref<!tpu.dma_semaphore, #tpu.memory_space<semaphore_mem>>
      %dma_start3A_107 = arith.constant 0 : i32
      %dma_start3A_108 = tpu.memref_slice %arg6[%add3A_14, %dma_start3A_107] : memref<10240x128xf32, #tpu.memory_space<vmem_shared>> -> memref<128x128xf32, #tpu.memory_space<vmem_shared>>
      %dma_start3A_109 = arith.constant 0 : i32
      %dma_start3A_110 = tpu.memref_slice %arg6[%add3A_14, %dma_start3A_109] : memref<10240x128xf32, #tpu.memory_space<vmem_shared>> -> memref<128x128xf32, #tpu.memory_space<vmem_shared>>
      tpu.enqueue_dma source(%arg9 : memref<128x128xf32, #tpu.memory_space<vmem>>) target(%dma_start3A_110 : memref<128x128xf32, #tpu.memory_space<vmem_shared>>) target_semaphore(%run_scoped3A : memref<!tpu.dma_semaphore, #tpu.memory_space<semaphore_mem>>)
      %dma_wait3A = arith.constant 0 : i32
      %dma_wait3A_111 = tpu.memref_slice %arg6[%add3A_14, %dma_wait3A] : memref<10240x128xf32, #tpu.memory_space<vmem_shared>> -> memref<128x128xf32, #tpu.memory_space<vmem_shared>>
      %dma_wait3A_112 = arith.constant 0 : i32
      %dma_wait3A_113 = tpu.memref_slice %arg6[%add3A_14, %dma_wait3A_112] : memref<10240x128xf32, #tpu.memory_space<vmem_shared>> -> memref<128x128xf32, #tpu.memory_space<vmem_shared>>
      tpu.wait_dma2 semaphore(%run_scoped3A : memref<!tpu.dma_semaphore, #tpu.memory_space<semaphore_mem>>) src(%arg9 : memref<128x128xf32, #tpu.memory_space<vmem>>) dst(%dma_wait3A_113 : memref<128x128xf32, #tpu.memory_space<vmem_shared>>)
      tpu.yield
    }) : () -> ()
    %add3A_15 = arith.constant 512 : i32
    %add3A_16 = arith.addi %mul3A_2, %add3A_15 : i32
    "tpu.region"() ({
      %run_scoped3A = tpu.sem_alloc : memref<!tpu.dma_semaphore, #tpu.memory_space<semaphore_mem>>
      %dma_start3A_107 = arith.constant 0 : i32
      %dma_start3A_108 = tpu.memref_slice %arg6[%add3A_16, %dma_start3A_107] : memref<10240x128xf32, #tpu.memory_space<vmem_shared>> -> memref<128x128xf32, #tpu.memory_space<vmem_shared>>
      %dma_start3A_109 = arith.constant 0 : i32
      %dma_start3A_110 = tpu.memref_slice %arg6[%add3A_16, %dma_start3A_109] : memref<10240x128xf32, #tpu.memory_space<vmem_shared>> -> memref<128x128xf32, #tpu.memory_space<vmem_shared>>
      tpu.enqueue_dma source(%arg9 : memref<128x128xf32, #tpu.memory_space<vmem>>) target(%dma_start3A_110 : memref<128x128xf32, #tpu.memory_space<vmem_shared>>) target_semaphore(%run_scoped3A : memref<!tpu.dma_semaphore, #tpu.memory_space<semaphore_mem>>)
      %dma_wait3A = arith.constant 0 : i32
      %dma_wait3A_111 = tpu.memref_slice %arg6[%add3A_16, %dma_wait3A] : memref<10240x128xf32, #tpu.memory_space<vmem_shared>> -> memref<128x128xf32, #tpu.memory_space<vmem_shared>>
      %dma_wait3A_112 = arith.constant 0 : i32
      %dma_wait3A_113 = tpu.memref_slice %arg6[%add3A_16, %dma_wait3A_112] : memref<10240x128xf32, #tpu.memory_space<vmem_shared>> -> memref<128x128xf32, #tpu.memory_space<vmem_shared>>
      tpu.wait_dma2 semaphore(%run_scoped3A : memref<!tpu.dma_semaphore, #tpu.memory_space<semaphore_mem>>) src(%arg9 : memref<128x128xf32, #tpu.memory_space<vmem>>) dst(%dma_wait3A_113 : memref<128x128xf32, #tpu.memory_space<vmem_shared>>)
      tpu.yield
    }) : () -> ()
    %barrier3A = arith.constant 0 : index
    tpu.barrier barrier_id(%barrier3A)
    "tpu.region"() ({
      %run_scoped3A = tpu.sem_alloc : memref<!tpu.dma_semaphore, #tpu.memory_space<semaphore_mem>>
      %dma_start3A_107 = arith.constant 0 : i32
      %dma_start3A_108 = arith.constant 0 : i32
      %dma_start3A_109 = tpu.memref_slice %arg3[%add3A, %dma_start3A_107, %dma_start3A_108] : memref<32x80x128xi32, #tpu.memory_space<hbm>> -> memref<1x40x128xi32, #tpu.memory_space<hbm>>
      %dma_start3A_110 = tpu.memref_squeeze %dma_start3A_109 : memref<1x40x128xi32, #tpu.memory_space<hbm>> -> memref<40x128xi32, #tpu.memory_space<hbm>>
      %dma_start3A_111 = arith.constant 0 : i32
      %dma_start3A_112 = arith.constant 0 : i32
      %dma_start3A_113 = tpu.memref_slice %arg3[%add3A, %dma_start3A_111, %dma_start3A_112] : memref<32x80x128xi32, #tpu.memory_space<hbm>> -> memref<1x40x128xi32, #tpu.memory_space<hbm>>
      %dma_start3A_114 = tpu.memref_squeeze %dma_start3A_113 : memref<1x40x128xi32, #tpu.memory_space<hbm>> -> memref<40x128xi32, #tpu.memory_space<hbm>>
      tpu.enqueue_dma source(%dma_start3A_114 : memref<40x128xi32, #tpu.memory_space<hbm>>) target(%arg7 : memref<40x128xi32, #tpu.memory_space<vmem>>) target_semaphore(%run_scoped3A : memref<!tpu.dma_semaphore, #tpu.memory_space<semaphore_mem>>)
      %dma_wait3A = arith.constant 0 : i32
      %dma_wait3A_115 = arith.constant 0 : i32
      %dma_wait3A_116 = tpu.memref_slice %arg3[%add3A, %dma_wait3A, %dma_wait3A_115] : memref<32x80x128xi32, #tpu.memory_space<hbm>> -> memref<1x40x128xi32, #tpu.memory_space<hbm>>
      %dma_wait3A_117 = tpu.memref_squeeze %dma_wait3A_116 : memref<1x40x128xi32, #tpu.memory_space<hbm>> -> memref<40x128xi32, #tpu.memory_space<hbm>>
      %dma_wait3A_118 = arith.constant 0 : i32
      %dma_wait3A_119 = arith.constant 0 : i32
      %dma_wait3A_120 = tpu.memref_slice %arg3[%add3A, %dma_wait3A_118, %dma_wait3A_119] : memref<32x80x128xi32, #tpu.memory_space<hbm>> -> memref<1x40x128xi32, #tpu.memory_space<hbm>>
      %dma_wait3A_121 = tpu.memref_squeeze %dma_wait3A_120 : memref<1x40x128xi32, #tpu.memory_space<hbm>> -> memref<40x128xi32, #tpu.memory_space<hbm>>
      tpu.wait_dma2 semaphore(%run_scoped3A : memref<!tpu.dma_semaphore, #tpu.memory_space<semaphore_mem>>) src(%dma_wait3A_121 : memref<40x128xi32, #tpu.memory_space<hbm>>) dst(%arg7 : memref<40x128xi32, #tpu.memory_space<vmem>>)
      tpu.yield
    }) : () -> ()
    "tpu.region"() ({
      %run_scoped3A = tpu.sem_alloc : memref<!tpu.dma_semaphore, #tpu.memory_space<semaphore_mem>>
      %dma_start3A_107 = arith.constant 0 : i32
      %dma_start3A_108 = arith.constant 0 : i32
      %dma_start3A_109 = tpu.memref_slice %arg4[%add3A, %dma_start3A_107, %dma_start3A_108] : memref<32x80x128xi32, #tpu.memory_space<hbm>> -> memref<1x40x128xi32, #tpu.memory_space<hbm>>
      %dma_start3A_110 = tpu.memref_squeeze %dma_start3A_109 : memref<1x40x128xi32, #tpu.memory_space<hbm>> -> memref<40x128xi32, #tpu.memory_space<hbm>>
      %dma_start3A_111 = arith.constant 0 : i32
      %dma_start3A_112 = arith.constant 0 : i32
      %dma_start3A_113 = tpu.memref_slice %arg4[%add3A, %dma_start3A_111, %dma_start3A_112] : memref<32x80x128xi32, #tpu.memory_space<hbm>> -> memref<1x40x128xi32, #tpu.memory_space<hbm>>
      %dma_start3A_114 = tpu.memref_squeeze %dma_start3A_113 : memref<1x40x128xi32, #tpu.memory_space<hbm>> -> memref<40x128xi32, #tpu.memory_space<hbm>>
      tpu.enqueue_dma source(%dma_start3A_114 : memref<40x128xi32, #tpu.memory_space<hbm>>) target(%arg8 : memref<40x128xi32, #tpu.memory_space<vmem>>) target_semaphore(%run_scoped3A : memref<!tpu.dma_semaphore, #tpu.memory_space<semaphore_mem>>)
      %dma_wait3A = arith.constant 0 : i32
      %dma_wait3A_115 = arith.constant 0 : i32
      %dma_wait3A_116 = tpu.memref_slice %arg4[%add3A, %dma_wait3A, %dma_wait3A_115] : memref<32x80x128xi32, #tpu.memory_space<hbm>> -> memref<1x40x128xi32, #tpu.memory_space<hbm>>
      %dma_wait3A_117 = tpu.memref_squeeze %dma_wait3A_116 : memref<1x40x128xi32, #tpu.memory_space<hbm>> -> memref<40x128xi32, #tpu.memory_space<hbm>>
      %dma_wait3A_118 = arith.constant 0 : i32
      %dma_wait3A_119 = arith.constant 0 : i32
      %dma_wait3A_120 = tpu.memref_slice %arg4[%add3A, %dma_wait3A_118, %dma_wait3A_119] : memref<32x80x128xi32, #tpu.memory_space<hbm>> -> memref<1x40x128xi32, #tpu.memory_space<hbm>>
      %dma_wait3A_121 = tpu.memref_squeeze %dma_wait3A_120 : memref<1x40x128xi32, #tpu.memory_space<hbm>> -> memref<40x128xi32, #tpu.memory_space<hbm>>
      tpu.wait_dma2 semaphore(%run_scoped3A : memref<!tpu.dma_semaphore, #tpu.memory_space<semaphore_mem>>) src(%dma_wait3A_121 : memref<40x128xi32, #tpu.memory_space<hbm>>) dst(%arg8 : memref<40x128xi32, #tpu.memory_space<vmem>>)
      tpu.yield
    }) : () -> ()
    %dma_start3A = arith.constant 0 : i32
    %dma_start3A_17 = arith.constant 0 : i32
    %dma_start3A_18 = arith.constant 0 : i32
    %dma_start3A_19 = tpu.memref_slice %arg9[%dma_start3A_17, %dma_start3A_18] : memref<128x128xf32, #tpu.memory_space<vmem>> -> memref<32x128xf32, #tpu.memory_space<vmem>>
    %dma_start3A_20 = arith.constant 0 : i32
    %dma_start3A_21 = tpu.memref_slice %arg7[%dma_start3A, %dma_start3A_20] : memref<40x128xi32, #tpu.memory_space<vmem>> -> memref<1x32xi32, #tpu.memory_space<vmem>>
    %dma_start3A_22 = tpu.memref_squeeze %dma_start3A_21 : memref<1x32xi32, #tpu.memory_space<vmem>> -> memref<32xi32, #tpu.memory_space<vmem>>
    %dma_start3A_23 = arith.constant 0 : i32
    %dma_start3A_24 = arith.constant 0 : i32
    %dma_start3A_25 = tpu.memref_slice %arg2[%dma_start3A_23, %dma_start3A_24] : memref<10240x128xf32, #tpu.memory_space<hbm>> -> memref<10240x128xf32, #tpu.memory_space<hbm>>
    tpu.enqueue_indirect_dma source(%dma_start3A_25 : memref<10240x128xf32, #tpu.memory_space<hbm>>) target(%dma_start3A_19 : memref<32x128xf32, #tpu.memory_space<vmem>>) offsets(%dma_start3A_22 : memref<32xi32, #tpu.memory_space<vmem>>) semaphore(%arg11 : memref<!tpu.dma_semaphore, #tpu.memory_space<semaphore_mem>>)
    %dma_start3A_26 = arith.constant 0 : i32
    %dma_start3A_27 = arith.constant 32 : i32
    %dma_start3A_28 = arith.constant 0 : i32
    %dma_start3A_29 = tpu.memref_slice %arg9[%dma_start3A_27, %dma_start3A_28] : memref<128x128xf32, #tpu.memory_space<vmem>> -> memref<32x128xf32, #tpu.memory_space<vmem>>
    %dma_start3A_30 = arith.constant 32 : i32
    %dma_start3A_31 = tpu.memref_slice %arg7[%dma_start3A_26, %dma_start3A_30] : memref<40x128xi32, #tpu.memory_space<vmem>> -> memref<1x32xi32, #tpu.memory_space<vmem>>
    %dma_start3A_32 = tpu.memref_squeeze %dma_start3A_31 : memref<1x32xi32, #tpu.memory_space<vmem>> -> memref<32xi32, #tpu.memory_space<vmem>>
    %dma_start3A_33 = arith.constant 0 : i32
    %dma_start3A_34 = arith.constant 0 : i32
    %dma_start3A_35 = tpu.memref_slice %arg2[%dma_start3A_33, %dma_start3A_34] : memref<10240x128xf32, #tpu.memory_space<hbm>> -> memref<10240x128xf32, #tpu.memory_space<hbm>>
    tpu.enqueue_indirect_dma source(%dma_start3A_35 : memref<10240x128xf32, #tpu.memory_space<hbm>>) target(%dma_start3A_29 : memref<32x128xf32, #tpu.memory_space<vmem>>) offsets(%dma_start3A_32 : memref<32xi32, #tpu.memory_space<vmem>>) semaphore(%arg11 : memref<!tpu.dma_semaphore, #tpu.memory_space<semaphore_mem>>)
    %dma_start3A_36 = arith.constant 0 : i32
    %dma_start3A_37 = arith.constant 64 : i32
    %dma_start3A_38 = arith.constant 0 : i32
    %dma_start3A_39 = tpu.memref_slice %arg9[%dma_start3A_37, %dma_start3A_38] : memref<128x128xf32, #tpu.memory_space<vmem>> -> memref<32x128xf32, #tpu.memory_space<vmem>>
    %dma_start3A_40 = arith.constant 64 : i32
    %dma_start3A_41 = tpu.memref_slice %arg7[%dma_start3A_36, %dma_start3A_40] : memref<40x128xi32, #tpu.memory_space<vmem>> -> memref<1x32xi32, #tpu.memory_space<vmem>>
    %dma_start3A_42 = tpu.memref_squeeze %dma_start3A_41 : memref<1x32xi32, #tpu.memory_space<vmem>> -> memref<32xi32, #tpu.memory_space<vmem>>
    %dma_start3A_43 = arith.constant 0 : i32
    %dma_start3A_44 = arith.constant 0 : i32
    %dma_start3A_45 = tpu.memref_slice %arg2[%dma_start3A_43, %dma_start3A_44] : memref<10240x128xf32, #tpu.memory_space<hbm>> -> memref<10240x128xf32, #tpu.memory_space<hbm>>
    tpu.enqueue_indirect_dma source(%dma_start3A_45 : memref<10240x128xf32, #tpu.memory_space<hbm>>) target(%dma_start3A_39 : memref<32x128xf32, #tpu.memory_space<vmem>>) offsets(%dma_start3A_42 : memref<32xi32, #tpu.memory_space<vmem>>) semaphore(%arg11 : memref<!tpu.dma_semaphore, #tpu.memory_space<semaphore_mem>>)
    %dma_start3A_46 = arith.constant 0 : i32
    %dma_start3A_47 = arith.constant 96 : i32
    %dma_start3A_48 = arith.constant 0 : i32
    %dma_start3A_49 = tpu.memref_slice %arg9[%dma_start3A_47, %dma_start3A_48] : memref<128x128xf32, #tpu.memory_space<vmem>> -> memref<32x128xf32, #tpu.memory_space<vmem>>
    %dma_start3A_50 = arith.constant 96 : i32
    %dma_start3A_51 = tpu.memref_slice %arg7[%dma_start3A_46, %dma_start3A_50] : memref<40x128xi32, #tpu.memory_space<vmem>> -> memref<1x32xi32, #tpu.memory_space<vmem>>
    %dma_start3A_52 = tpu.memref_squeeze %dma_start3A_51 : memref<1x32xi32, #tpu.memory_space<vmem>> -> memref<32xi32, #tpu.memory_space<vmem>>
    %dma_start3A_53 = arith.constant 0 : i32
    %dma_start3A_54 = arith.constant 0 : i32
    %dma_start3A_55 = tpu.memref_slice %arg2[%dma_start3A_53, %dma_start3A_54] : memref<10240x128xf32, #tpu.memory_space<hbm>> -> memref<10240x128xf32, #tpu.memory_space<hbm>>
    tpu.enqueue_indirect_dma source(%dma_start3A_55 : memref<10240x128xf32, #tpu.memory_space<hbm>>) target(%dma_start3A_49 : memref<32x128xf32, #tpu.memory_space<vmem>>) offsets(%dma_start3A_52 : memref<32xi32, #tpu.memory_space<vmem>>) semaphore(%arg11 : memref<!tpu.dma_semaphore, #tpu.memory_space<semaphore_mem>>)
    %scan3A_56 = arith.constant 0 : i32
    %scan3A_57 = arith.constant 20 : i32
    %scan3A_58 = arith.addi %scan3A_56, %scan3A_57 : i32
    %scan3A_59 = arith.constant 1 : i32
    scf.for %scan3A_107 = %scan3A_56 to %scan3A_58 step %scan3A_59  : i32 {
      %mul3A_108 = arith.constant 2 : i32
      %mul3A_109 = arith.muli %scan3A_107, %mul3A_108 : i32
      %add3A_110 = arith.constant 0 : i32
      %add3A_111 = arith.addi %add3A_110, %mul3A_109 : i32
      %dma_wait3A = arith.constant 0 : i32
      %dma_wait3A_112 = arith.constant 0 : i32
      %dma_wait3A_113 = tpu.memref_slice %arg2[%dma_wait3A, %dma_wait3A_112] : memref<10240x128xf32, #tpu.memory_space<hbm>> -> memref<128x128xf32, #tpu.memory_space<hbm>>
      %dma_wait3A_114 = arith.constant 0 : i32
      %dma_wait3A_115 = arith.constant 0 : i32
      %dma_wait3A_116 = tpu.memref_slice %arg2[%dma_wait3A_114, %dma_wait3A_115] : memref<10240x128xf32, #tpu.memory_space<hbm>> -> memref<128x128xf32, #tpu.memory_space<hbm>>
      tpu.wait_dma2 semaphore(%arg11 : memref<!tpu.dma_semaphore, #tpu.memory_space<semaphore_mem>>) src(%dma_wait3A_116 : memref<128x128xf32, #tpu.memory_space<hbm>>) dst(%arg9 : memref<128x128xf32, #tpu.memory_space<vmem>>)
      %add3A_117 = arith.constant 1 : i32
      %add3A_118 = arith.addi %add3A_111, %add3A_117 : i32
      %dma_start3A_119 = arith.constant 0 : i32
      %dma_start3A_120 = arith.constant 0 : i32
      %dma_start3A_121 = tpu.memref_slice %arg10[%dma_start3A_119, %dma_start3A_120] : memref<128x128xf32, #tpu.memory_space<vmem>> -> memref<32x128xf32, #tpu.memory_space<vmem>>
      %dma_start3A_122 = arith.constant 0 : i32
      %dma_start3A_123 = tpu.memref_slice %arg7[%add3A_118, %dma_start3A_122] : memref<40x128xi32, #tpu.memory_space<vmem>> -> memref<1x32xi32, #tpu.memory_space<vmem>>
      %dma_start3A_124 = tpu.memref_squeeze %dma_start3A_123 : memref<1x32xi32, #tpu.memory_space<vmem>> -> memref<32xi32, #tpu.memory_space<vmem>>
      %dma_start3A_125 = arith.constant 0 : i32
      %dma_start3A_126 = arith.constant 0 : i32
      %dma_start3A_127 = tpu.memref_slice %arg2[%dma_start3A_125, %dma_start3A_126] : memref<10240x128xf32, #tpu.memory_space<hbm>> -> memref<10240x128xf32, #tpu.memory_space<hbm>>
      tpu.enqueue_indirect_dma source(%dma_start3A_127 : memref<10240x128xf32, #tpu.memory_space<hbm>>) target(%dma_start3A_121 : memref<32x128xf32, #tpu.memory_space<vmem>>) offsets(%dma_start3A_124 : memref<32xi32, #tpu.memory_space<vmem>>) semaphore(%arg12 : memref<!tpu.dma_semaphore, #tpu.memory_space<semaphore_mem>>)
      %dma_start3A_128 = arith.constant 32 : i32
      %dma_start3A_129 = arith.constant 0 : i32
      %dma_start3A_130 = tpu.memref_slice %arg10[%dma_start3A_128, %dma_start3A_129] : memref<128x128xf32, #tpu.memory_space<vmem>> -> memref<32x128xf32, #tpu.memory_space<vmem>>
      %dma_start3A_131 = arith.constant 32 : i32
      %dma_start3A_132 = tpu.memref_slice %arg7[%add3A_118, %dma_start3A_131] : memref<40x128xi32, #tpu.memory_space<vmem>> -> memref<1x32xi32, #tpu.memory_space<vmem>>
      %dma_start3A_133 = tpu.memref_squeeze %dma_start3A_132 : memref<1x32xi32, #tpu.memory_space<vmem>> -> memref<32xi32, #tpu.memory_space<vmem>>
      %dma_start3A_134 = arith.constant 0 : i32
      %dma_start3A_135 = arith.constant 0 : i32
      %dma_start3A_136 = tpu.memref_slice %arg2[%dma_start3A_134, %dma_start3A_135] : memref<10240x128xf32, #tpu.memory_space<hbm>> -> memref<10240x128xf32, #tpu.memory_space<hbm>>
      tpu.enqueue_indirect_dma source(%dma_start3A_136 : memref<10240x128xf32, #tpu.memory_space<hbm>>) target(%dma_start3A_130 : memref<32x128xf32, #tpu.memory_space<vmem>>) offsets(%dma_start3A_133 : memref<32xi32, #tpu.memory_space<vmem>>) semaphore(%arg12 : memref<!tpu.dma_semaphore, #tpu.memory_space<semaphore_mem>>)
      %dma_start3A_137 = arith.constant 64 : i32
      %dma_start3A_138 = arith.constant 0 : i32
      %dma_start3A_139 = tpu.memref_slice %arg10[%dma_start3A_137, %dma_start3A_138] : memref<128x128xf32, #tpu.memory_space<vmem>> -> memref<32x128xf32, #tpu.memory_space<vmem>>
      %dma_start3A_140 = arith.constant 64 : i32
      %dma_start3A_141 = tpu.memref_slice %arg7[%add3A_118, %dma_start3A_140] : memref<40x128xi32, #tpu.memory_space<vmem>> -> memref<1x32xi32, #tpu.memory_space<vmem>>
      %dma_start3A_142 = tpu.memref_squeeze %dma_start3A_141 : memref<1x32xi32, #tpu.memory_space<vmem>> -> memref<32xi32, #tpu.memory_space<vmem>>
      %dma_start3A_143 = arith.constant 0 : i32
      %dma_start3A_144 = arith.constant 0 : i32
      %dma_start3A_145 = tpu.memref_slice %arg2[%dma_start3A_143, %dma_start3A_144] : memref<10240x128xf32, #tpu.memory_space<hbm>> -> memref<10240x128xf32, #tpu.memory_space<hbm>>
      tpu.enqueue_indirect_dma source(%dma_start3A_145 : memref<10240x128xf32, #tpu.memory_space<hbm>>) target(%dma_start3A_139 : memref<32x128xf32, #tpu.memory_space<vmem>>) offsets(%dma_start3A_142 : memref<32xi32, #tpu.memory_space<vmem>>) semaphore(%arg12 : memref<!tpu.dma_semaphore, #tpu.memory_space<semaphore_mem>>)
      %dma_start3A_146 = arith.constant 96 : i32
      %dma_start3A_147 = arith.constant 0 : i32
      %dma_start3A_148 = tpu.memref_slice %arg10[%dma_start3A_146, %dma_start3A_147] : memref<128x128xf32, #tpu.memory_space<vmem>> -> memref<32x128xf32, #tpu.memory_space<vmem>>
      %dma_start3A_149 = arith.constant 96 : i32
      %dma_start3A_150 = tpu.memref_slice %arg7[%add3A_118, %dma_start3A_149] : memref<40x128xi32, #tpu.memory_space<vmem>> -> memref<1x32xi32, #tpu.memory_space<vmem>>
      %dma_start3A_151 = tpu.memref_squeeze %dma_start3A_150 : memref<1x32xi32, #tpu.memory_space<vmem>> -> memref<32xi32, #tpu.memory_space<vmem>>
      %dma_start3A_152 = arith.constant 0 : i32
      %dma_start3A_153 = arith.constant 0 : i32
      %dma_start3A_154 = tpu.memref_slice %arg2[%dma_start3A_152, %dma_start3A_153] : memref<10240x128xf32, #tpu.memory_space<hbm>> -> memref<10240x128xf32, #tpu.memory_space<hbm>>
      tpu.enqueue_indirect_dma source(%dma_start3A_154 : memref<10240x128xf32, #tpu.memory_space<hbm>>) target(%dma_start3A_148 : memref<32x128xf32, #tpu.memory_space<vmem>>) offsets(%dma_start3A_151 : memref<32xi32, #tpu.memory_space<vmem>>) semaphore(%arg12 : memref<!tpu.dma_semaphore, #tpu.memory_space<semaphore_mem>>)
      "tpu.region"() ({
        %run_scoped3A = tpu.sem_alloc : memref<!tpu.dma_semaphore, #tpu.memory_space<semaphore_mem>>
        %dma_start3A_167 = arith.constant 0 : i32
        %dma_start3A_168 = tpu.memref_slice %arg8[%add3A_111, %dma_start3A_167] : memref<40x128xi32, #tpu.memory_space<vmem>> -> memref<1x128xi32, #tpu.memory_space<vmem>>
        %dma_start3A_169 = tpu.memref_squeeze %dma_start3A_168 : memref<1x128xi32, #tpu.memory_space<vmem>> -> memref<128xi32, #tpu.memory_space<vmem>>
        %dma_start3A_170 = arith.constant 0 : i32
        %dma_start3A_171 = arith.constant 0 : i32
        %dma_start3A_172 = tpu.memref_slice %arg6[%dma_start3A_170, %dma_start3A_171] : memref<10240x128xf32, #tpu.memory_space<vmem_shared>> -> memref<10240x128xf32, #tpu.memory_space<vmem_shared>>
        tpu.enqueue_indirect_dma source(%arg9 : memref<128x128xf32, #tpu.memory_space<vmem>>) target(%dma_start3A_172 : memref<10240x128xf32, #tpu.memory_space<vmem_shared>>) offsets(%dma_start3A_169 : memref<128xi32, #tpu.memory_space<vmem>>) semaphore(%run_scoped3A : memref<!tpu.dma_semaphore, #tpu.memory_space<semaphore_mem>>) {add = true}
        %dma_wait3A_173 = arith.constant 0 : i32
        %dma_wait3A_174 = tpu.memref_slice %arg8[%add3A_111, %dma_wait3A_173] : memref<40x128xi32, #tpu.memory_space<vmem>> -> memref<1x128xi32, #tpu.memory_space<vmem>>
        %dma_wait3A_175 = tpu.memref_squeeze %dma_wait3A_174 : memref<1x128xi32, #tpu.memory_space<vmem>> -> memref<128xi32, #tpu.memory_space<vmem>>
        %dma_wait3A_176 = arith.constant 0 : i32
        %dma_wait3A_177 = arith.constant 0 : i32
        %dma_wait3A_178 = tpu.memref_slice %arg6[%dma_wait3A_176, %dma_wait3A_177] : memref<10240x128xf32, #tpu.memory_space<vmem_shared>> -> memref<10240x128xf32, #tpu.memory_space<vmem_shared>>
        tpu.wait_indirect_dma semaphore(%run_scoped3A : memref<!tpu.dma_semaphore, #tpu.memory_space<semaphore_mem>>) src(%arg9 : memref<128x128xf32, #tpu.memory_space<vmem>>) dst(%dma_wait3A_178 : memref<10240x128xf32, #tpu.memory_space<vmem_shared>>)
        tpu.yield
      }) : () -> ()
      %dma_wait3A_155 = arith.constant 0 : i32
      %dma_wait3A_156 = arith.constant 0 : i32
      %dma_wait3A_157 = tpu.memref_slice %arg2[%dma_wait3A_155, %dma_wait3A_156] : memref<10240x128xf32, #tpu.memory_space<hbm>> -> memref<128x128xf32, #tpu.memory_space<hbm>>
      %dma_wait3A_158 = arith.constant 0 : i32
      %dma_wait3A_159 = arith.constant 0 : i32
      %dma_wait3A_160 = tpu.memref_slice %arg2[%dma_wait3A_158, %dma_wait3A_159] : memref<10240x128xf32, #tpu.memory_space<hbm>> -> memref<128x128xf32, #tpu.memory_space<hbm>>
      tpu.wait_dma2 semaphore(%arg12 : memref<!tpu.dma_semaphore, #tpu.memory_space<semaphore_mem>>) src(%dma_wait3A_160 : memref<128x128xf32, #tpu.memory_space<hbm>>) dst(%arg10 : memref<128x128xf32, #tpu.memory_space<vmem>>)
      %add3A_161 = arith.constant 2 : i32
      %add3A_162 = arith.addi %add3A_111, %add3A_161 : i32
      %lt3A = arith.constant 40 : i32
      %lt3A_163 = arith.cmpi slt, %add3A_162, %lt3A : i32
      %convert_element_type3A = arith.extui %lt3A_163 : i1 to i32
      %cond3A = arith.constant 0 : i32
      %cond3A_164 = arith.cmpi ne, %convert_element_type3A, %cond3A : i32
      scf.if %cond3A_164 {
        %add3A_167 = arith.constant 2 : i32
        %add3A_168 = arith.addi %add3A_111, %add3A_167 : i32
        %dma_start3A_169 = arith.constant 0 : i32
        %dma_start3A_170 = arith.constant 0 : i32
        %dma_start3A_171 = tpu.memref_slice %arg9[%dma_start3A_169, %dma_start3A_170] : memref<128x128xf32, #tpu.memory_space<vmem>> -> memref<32x128xf32, #tpu.memory_space<vmem>>
        %dma_start3A_172 = arith.constant 0 : i32
        %dma_start3A_173 = tpu.memref_slice %arg7[%add3A_168, %dma_start3A_172] : memref<40x128xi32, #tpu.memory_space<vmem>> -> memref<1x32xi32, #tpu.memory_space<vmem>>
        %dma_start3A_174 = tpu.memref_squeeze %dma_start3A_173 : memref<1x32xi32, #tpu.memory_space<vmem>> -> memref<32xi32, #tpu.memory_space<vmem>>
        %dma_start3A_175 = arith.constant 0 : i32
        %dma_start3A_176 = arith.constant 0 : i32
        %dma_start3A_177 = tpu.memref_slice %arg2[%dma_start3A_175, %dma_start3A_176] : memref<10240x128xf32, #tpu.memory_space<hbm>> -> memref<10240x128xf32, #tpu.memory_space<hbm>>
        tpu.enqueue_indirect_dma source(%dma_start3A_177 : memref<10240x128xf32, #tpu.memory_space<hbm>>) target(%dma_start3A_171 : memref<32x128xf32, #tpu.memory_space<vmem>>) offsets(%dma_start3A_174 : memref<32xi32, #tpu.memory_space<vmem>>) semaphore(%arg11 : memref<!tpu.dma_semaphore, #tpu.memory_space<semaphore_mem>>)
        %dma_start3A_178 = arith.constant 32 : i32
        %dma_start3A_179 = arith.constant 0 : i32
        %dma_start3A_180 = tpu.memref_slice %arg9[%dma_start3A_178, %dma_start3A_179] : memref<128x128xf32, #tpu.memory_space<vmem>> -> memref<32x128xf32, #tpu.memory_space<vmem>>
        %dma_start3A_181 = arith.constant 32 : i32
        %dma_start3A_182 = tpu.memref_slice %arg7[%add3A_168, %dma_start3A_181] : memref<40x128xi32, #tpu.memory_space<vmem>> -> memref<1x32xi32, #tpu.memory_space<vmem>>
        %dma_start3A_183 = tpu.memref_squeeze %dma_start3A_182 : memref<1x32xi32, #tpu.memory_space<vmem>> -> memref<32xi32, #tpu.memory_space<vmem>>
        %dma_start3A_184 = arith.constant 0 : i32
        %dma_start3A_185 = arith.constant 0 : i32
        %dma_start3A_186 = tpu.memref_slice %arg2[%dma_start3A_184, %dma_start3A_185] : memref<10240x128xf32, #tpu.memory_space<hbm>> -> memref<10240x128xf32, #tpu.memory_space<hbm>>
        tpu.enqueue_indirect_dma source(%dma_start3A_186 : memref<10240x128xf32, #tpu.memory_space<hbm>>) target(%dma_start3A_180 : memref<32x128xf32, #tpu.memory_space<vmem>>) offsets(%dma_start3A_183 : memref<32xi32, #tpu.memory_space<vmem>>) semaphore(%arg11 : memref<!tpu.dma_semaphore, #tpu.memory_space<semaphore_mem>>)
        %dma_start3A_187 = arith.constant 64 : i32
        %dma_start3A_188 = arith.constant 0 : i32
        %dma_start3A_189 = tpu.memref_slice %arg9[%dma_start3A_187, %dma_start3A_188] : memref<128x128xf32, #tpu.memory_space<vmem>> -> memref<32x128xf32, #tpu.memory_space<vmem>>
        %dma_start3A_190 = arith.constant 64 : i32
        %dma_start3A_191 = tpu.memref_slice %arg7[%add3A_168, %dma_start3A_190] : memref<40x128xi32, #tpu.memory_space<vmem>> -> memref<1x32xi32, #tpu.memory_space<vmem>>
        %dma_start3A_192 = tpu.memref_squeeze %dma_start3A_191 : memref<1x32xi32, #tpu.memory_space<vmem>> -> memref<32xi32, #tpu.memory_space<vmem>>
        %dma_start3A_193 = arith.constant 0 : i32
        %dma_start3A_194 = arith.constant 0 : i32
        %dma_start3A_195 = tpu.memref_slice %arg2[%dma_start3A_193, %dma_start3A_194] : memref<10240x128xf32, #tpu.memory_space<hbm>> -> memref<10240x128xf32, #tpu.memory_space<hbm>>
        tpu.enqueue_indirect_dma source(%dma_start3A_195 : memref<10240x128xf32, #tpu.memory_space<hbm>>) target(%dma_start3A_189 : memref<32x128xf32, #tpu.memory_space<vmem>>) offsets(%dma_start3A_192 : memref<32xi32, #tpu.memory_space<vmem>>) semaphore(%arg11 : memref<!tpu.dma_semaphore, #tpu.memory_space<semaphore_mem>>)
        %dma_start3A_196 = arith.constant 96 : i32
        %dma_start3A_197 = arith.constant 0 : i32
        %dma_start3A_198 = tpu.memref_slice %arg9[%dma_start3A_196, %dma_start3A_197] : memref<128x128xf32, #tpu.memory_space<vmem>> -> memref<32x128xf32, #tpu.memory_space<vmem>>
        %dma_start3A_199 = arith.constant 96 : i32
        %dma_start3A_200 = tpu.memref_slice %arg7[%add3A_168, %dma_start3A_199] : memref<40x128xi32, #tpu.memory_space<vmem>> -> memref<1x32xi32, #tpu.memory_space<vmem>>
        %dma_start3A_201 = tpu.memref_squeeze %dma_start3A_200 : memref<1x32xi32, #tpu.memory_space<vmem>> -> memref<32xi32, #tpu.memory_space<vmem>>
        %dma_start3A_202 = arith.constant 0 : i32
        %dma_start3A_203 = arith.constant 0 : i32
        %dma_start3A_204 = tpu.memref_slice %arg2[%dma_start3A_202, %dma_start3A_203] : memref<10240x128xf32, #tpu.memory_space<hbm>> -> memref<10240x128xf32, #tpu.memory_space<hbm>>
        tpu.enqueue_indirect_dma source(%dma_start3A_204 : memref<10240x128xf32, #tpu.memory_space<hbm>>) target(%dma_start3A_198 : memref<32x128xf32, #tpu.memory_space<vmem>>) offsets(%dma_start3A_201 : memref<32xi32, #tpu.memory_space<vmem>>) semaphore(%arg11 : memref<!tpu.dma_semaphore, #tpu.memory_space<semaphore_mem>>)
      } else {
      }
      %add3A_165 = arith.constant 1 : i32
      %add3A_166 = arith.addi %add3A_111, %add3A_165 : i32
      "tpu.region"() ({
        %run_scoped3A = tpu.sem_alloc : memref<!tpu.dma_semaphore, #tpu.memory_space<semaphore_mem>>
        %dma_start3A_167 = arith.constant 0 : i32
        %dma_start3A_168 = tpu.memref_slice %arg8[%add3A_166, %dma_start3A_167] : memref<40x128xi32, #tpu.memory_space<vmem>> -> memref<1x128xi32, #tpu.memory_space<vmem>>
        %dma_start3A_169 = tpu.memref_squeeze %dma_start3A_168 : memref<1x128xi32, #tpu.memory_space<vmem>> -> memref<128xi32, #tpu.memory_space<vmem>>
        %dma_start3A_170 = arith.constant 0 : i32
        %dma_start3A_171 = arith.constant 0 : i32
        %dma_start3A_172 = tpu.memref_slice %arg6[%dma_start3A_170, %dma_start3A_171] : memref<10240x128xf32, #tpu.memory_space<vmem_shared>> -> memref<10240x128xf32, #tpu.memory_space<vmem_shared>>
        tpu.enqueue_indirect_dma source(%arg10 : memref<128x128xf32, #tpu.memory_space<vmem>>) target(%dma_start3A_172 : memref<10240x128xf32, #tpu.memory_space<vmem_shared>>) offsets(%dma_start3A_169 : memref<128xi32, #tpu.memory_space<vmem>>) semaphore(%run_scoped3A : memref<!tpu.dma_semaphore, #tpu.memory_space<semaphore_mem>>) {add = true}
        %dma_wait3A_173 = arith.constant 0 : i32
        %dma_wait3A_174 = tpu.memref_slice %arg8[%add3A_166, %dma_wait3A_173] : memref<40x128xi32, #tpu.memory_space<vmem>> -> memref<1x128xi32, #tpu.memory_space<vmem>>
        %dma_wait3A_175 = tpu.memref_squeeze %dma_wait3A_174 : memref<1x128xi32, #tpu.memory_space<vmem>> -> memref<128xi32, #tpu.memory_space<vmem>>
        %dma_wait3A_176 = arith.constant 0 : i32
        %dma_wait3A_177 = arith.constant 0 : i32
        %dma_wait3A_178 = tpu.memref_slice %arg6[%dma_wait3A_176, %dma_wait3A_177] : memref<10240x128xf32, #tpu.memory_space<vmem_shared>> -> memref<10240x128xf32, #tpu.memory_space<vmem_shared>>
        tpu.wait_indirect_dma semaphore(%run_scoped3A : memref<!tpu.dma_semaphore, #tpu.memory_space<semaphore_mem>>) src(%arg10 : memref<128x128xf32, #tpu.memory_space<vmem>>) dst(%dma_wait3A_178 : memref<10240x128xf32, #tpu.memory_space<vmem_shared>>)
        tpu.yield
      }) : () -> ()
    }
    %scan3A_60 = arith.constant 20 : i32
    "tpu.region"() ({
      %run_scoped3A = tpu.sem_alloc : memref<!tpu.dma_semaphore, #tpu.memory_space<semaphore_mem>>
      %dma_start3A_107 = arith.constant 40 : i32
      %dma_start3A_108 = arith.constant 0 : i32
      %dma_start3A_109 = tpu.memref_slice %arg3[%add3A, %dma_start3A_107, %dma_start3A_108] : memref<32x80x128xi32, #tpu.memory_space<hbm>> -> memref<1x40x128xi32, #tpu.memory_space<hbm>>
      %dma_start3A_110 = tpu.memref_squeeze %dma_start3A_109 : memref<1x40x128xi32, #tpu.memory_space<hbm>> -> memref<40x128xi32, #tpu.memory_space<hbm>>
      %dma_start3A_111 = arith.constant 40 : i32
      %dma_start3A_112 = arith.constant 0 : i32
      %dma_start3A_113 = tpu.memref_slice %arg3[%add3A, %dma_start3A_111, %dma_start3A_112] : memref<32x80x128xi32, #tpu.memory_space<hbm>> -> memref<1x40x128xi32, #tpu.memory_space<hbm>>
      %dma_start3A_114 = tpu.memref_squeeze %dma_start3A_113 : memref<1x40x128xi32, #tpu.memory_space<hbm>> -> memref<40x128xi32, #tpu.memory_space<hbm>>
      tpu.enqueue_dma source(%dma_start3A_114 : memref<40x128xi32, #tpu.memory_space<hbm>>) target(%arg7 : memref<40x128xi32, #tpu.memory_space<vmem>>) target_semaphore(%run_scoped3A : memref<!tpu.dma_semaphore, #tpu.memory_space<semaphore_mem>>)
      %dma_wait3A = arith.constant 40 : i32
      %dma_wait3A_115 = arith.constant 0 : i32
      %dma_wait3A_116 = tpu.memref_slice %arg3[%add3A, %dma_wait3A, %dma_wait3A_115] : memref<32x80x128xi32, #tpu.memory_space<hbm>> -> memref<1x40x128xi32, #tpu.memory_space<hbm>>
      %dma_wait3A_117 = tpu.memref_squeeze %dma_wait3A_116 : memref<1x40x128xi32, #tpu.memory_space<hbm>> -> memref<40x128xi32, #tpu.memory_space<hbm>>
      %dma_wait3A_118 = arith.constant 40 : i32
      %dma_wait3A_119 = arith.constant 0 : i32
      %dma_wait3A_120 = tpu.memref_slice %arg3[%add3A, %dma_wait3A_118, %dma_wait3A_119] : memref<32x80x128xi32, #tpu.memory_space<hbm>> -> memref<1x40x128xi32, #tpu.memory_space<hbm>>
      %dma_wait3A_121 = tpu.memref_squeeze %dma_wait3A_120 : memref<1x40x128xi32, #tpu.memory_space<hbm>> -> memref<40x128xi32, #tpu.memory_space<hbm>>
      tpu.wait_dma2 semaphore(%run_scoped3A : memref<!tpu.dma_semaphore, #tpu.memory_space<semaphore_mem>>) src(%dma_wait3A_121 : memref<40x128xi32, #tpu.memory_space<hbm>>) dst(%arg7 : memref<40x128xi32, #tpu.memory_space<vmem>>)
      tpu.yield
    }) : () -> ()
    "tpu.region"() ({
      %run_scoped3A = tpu.sem_alloc : memref<!tpu.dma_semaphore, #tpu.memory_space<semaphore_mem>>
      %dma_start3A_107 = arith.constant 40 : i32
      %dma_start3A_108 = arith.constant 0 : i32
      %dma_start3A_109 = tpu.memref_slice %arg4[%add3A, %dma_start3A_107, %dma_start3A_108] : memref<32x80x128xi32, #tpu.memory_space<hbm>> -> memref<1x40x128xi32, #tpu.memory_space<hbm>>
      %dma_start3A_110 = tpu.memref_squeeze %dma_start3A_109 : memref<1x40x128xi32, #tpu.memory_space<hbm>> -> memref<40x128xi32, #tpu.memory_space<hbm>>
      %dma_start3A_111 = arith.constant 40 : i32
      %dma_start3A_112 = arith.constant 0 : i32
      %dma_start3A_113 = tpu.memref_slice %arg4[%add3A, %dma_start3A_111, %dma_start3A_112] : memref<32x80x128xi32, #tpu.memory_space<hbm>> -> memref<1x40x128xi32, #tpu.memory_space<hbm>>
      %dma_start3A_114 = tpu.memref_squeeze %dma_start3A_113 : memref<1x40x128xi32, #tpu.memory_space<hbm>> -> memref<40x128xi32, #tpu.memory_space<hbm>>
      tpu.enqueue_dma source(%dma_start3A_114 : memref<40x128xi32, #tpu.memory_space<hbm>>) target(%arg8 : memref<40x128xi32, #tpu.memory_space<vmem>>) target_semaphore(%run_scoped3A : memref<!tpu.dma_semaphore, #tpu.memory_space<semaphore_mem>>)
      %dma_wait3A = arith.constant 40 : i32
      %dma_wait3A_115 = arith.constant 0 : i32
      %dma_wait3A_116 = tpu.memref_slice %arg4[%add3A, %dma_wait3A, %dma_wait3A_115] : memref<32x80x128xi32, #tpu.memory_space<hbm>> -> memref<1x40x128xi32, #tpu.memory_space<hbm>>
      %dma_wait3A_117 = tpu.memref_squeeze %dma_wait3A_116 : memref<1x40x128xi32, #tpu.memory_space<hbm>> -> memref<40x128xi32, #tpu.memory_space<hbm>>
      %dma_wait3A_118 = arith.constant 40 : i32
      %dma_wait3A_119 = arith.constant 0 : i32
      %dma_wait3A_120 = tpu.memref_slice %arg4[%add3A, %dma_wait3A_118, %dma_wait3A_119] : memref<32x80x128xi32, #tpu.memory_space<hbm>> -> memref<1x40x128xi32, #tpu.memory_space<hbm>>
      %dma_wait3A_121 = tpu.memref_squeeze %dma_wait3A_120 : memref<1x40x128xi32, #tpu.memory_space<hbm>> -> memref<40x128xi32, #tpu.memory_space<hbm>>
      tpu.wait_dma2 semaphore(%run_scoped3A : memref<!tpu.dma_semaphore, #tpu.memory_space<semaphore_mem>>) src(%dma_wait3A_121 : memref<40x128xi32, #tpu.memory_space<hbm>>) dst(%arg8 : memref<40x128xi32, #tpu.memory_space<vmem>>)
      tpu.yield
    }) : () -> ()
    %dma_start3A_61 = arith.constant 0 : i32
    %dma_start3A_62 = arith.constant 0 : i32
    %dma_start3A_63 = arith.constant 0 : i32
    %dma_start3A_64 = tpu.memref_slice %arg9[%dma_start3A_62, %dma_start3A_63] : memref<128x128xf32, #tpu.memory_space<vmem>> -> memref<32x128xf32, #tpu.memory_space<vmem>>
    %dma_start3A_65 = arith.constant 0 : i32
    %dma_start3A_66 = tpu.memref_slice %arg7[%dma_start3A_61, %dma_start3A_65] : memref<40x128xi32, #tpu.memory_space<vmem>> -> memref<1x32xi32, #tpu.memory_space<vmem>>
    %dma_start3A_67 = tpu.memref_squeeze %dma_start3A_66 : memref<1x32xi32, #tpu.memory_space<vmem>> -> memref<32xi32, #tpu.memory_space<vmem>>
    %dma_start3A_68 = arith.constant 0 : i32
    %dma_start3A_69 = arith.constant 0 : i32
    %dma_start3A_70 = tpu.memref_slice %arg2[%dma_start3A_68, %dma_start3A_69] : memref<10240x128xf32, #tpu.memory_space<hbm>> -> memref<10240x128xf32, #tpu.memory_space<hbm>>
    tpu.enqueue_indirect_dma source(%dma_start3A_70 : memref<10240x128xf32, #tpu.memory_space<hbm>>) target(%dma_start3A_64 : memref<32x128xf32, #tpu.memory_space<vmem>>) offsets(%dma_start3A_67 : memref<32xi32, #tpu.memory_space<vmem>>) semaphore(%arg11 : memref<!tpu.dma_semaphore, #tpu.memory_space<semaphore_mem>>)
    %dma_start3A_71 = arith.constant 0 : i32
    %dma_start3A_72 = arith.constant 32 : i32
    %dma_start3A_73 = arith.constant 0 : i32
    %dma_start3A_74 = tpu.memref_slice %arg9[%dma_start3A_72, %dma_start3A_73] : memref<128x128xf32, #tpu.memory_space<vmem>> -> memref<32x128xf32, #tpu.memory_space<vmem>>
    %dma_start3A_75 = arith.constant 32 : i32
    %dma_start3A_76 = tpu.memref_slice %arg7[%dma_start3A_71, %dma_start3A_75] : memref<40x128xi32, #tpu.memory_space<vmem>> -> memref<1x32xi32, #tpu.memory_space<vmem>>
    %dma_start3A_77 = tpu.memref_squeeze %dma_start3A_76 : memref<1x32xi32, #tpu.memory_space<vmem>> -> memref<32xi32, #tpu.memory_space<vmem>>
    %dma_start3A_78 = arith.constant 0 : i32
    %dma_start3A_79 = arith.constant 0 : i32
    %dma_start3A_80 = tpu.memref_slice %arg2[%dma_start3A_78, %dma_start3A_79] : memref<10240x128xf32, #tpu.memory_space<hbm>> -> memref<10240x128xf32, #tpu.memory_space<hbm>>
    tpu.enqueue_indirect_dma source(%dma_start3A_80 : memref<10240x128xf32, #tpu.memory_space<hbm>>) target(%dma_start3A_74 : memref<32x128xf32, #tpu.memory_space<vmem>>) offsets(%dma_start3A_77 : memref<32xi32, #tpu.memory_space<vmem>>) semaphore(%arg11 : memref<!tpu.dma_semaphore, #tpu.memory_space<semaphore_mem>>)
    %dma_start3A_81 = arith.constant 0 : i32
    %dma_start3A_82 = arith.constant 64 : i32
    %dma_start3A_83 = arith.constant 0 : i32
    %dma_start3A_84 = tpu.memref_slice %arg9[%dma_start3A_82, %dma_start3A_83] : memref<128x128xf32, #tpu.memory_space<vmem>> -> memref<32x128xf32, #tpu.memory_space<vmem>>
    %dma_start3A_85 = arith.constant 64 : i32
    %dma_start3A_86 = tpu.memref_slice %arg7[%dma_start3A_81, %dma_start3A_85] : memref<40x128xi32, #tpu.memory_space<vmem>> -> memref<1x32xi32, #tpu.memory_space<vmem>>
    %dma_start3A_87 = tpu.memref_squeeze %dma_start3A_86 : memref<1x32xi32, #tpu.memory_space<vmem>> -> memref<32xi32, #tpu.memory_space<vmem>>
    %dma_start3A_88 = arith.constant 0 : i32
    %dma_start3A_89 = arith.constant 0 : i32
    %dma_start3A_90 = tpu.memref_slice %arg2[%dma_start3A_88, %dma_start3A_89] : memref<10240x128xf32, #tpu.memory_space<hbm>> -> memref<10240x128xf32, #tpu.memory_space<hbm>>
    tpu.enqueue_indirect_dma source(%dma_start3A_90 : memref<10240x128xf32, #tpu.memory_space<hbm>>) target(%dma_start3A_84 : memref<32x128xf32, #tpu.memory_space<vmem>>) offsets(%dma_start3A_87 : memref<32xi32, #tpu.memory_space<vmem>>) semaphore(%arg11 : memref<!tpu.dma_semaphore, #tpu.memory_space<semaphore_mem>>)
    %dma_start3A_91 = arith.constant 0 : i32
    %dma_start3A_92 = arith.constant 96 : i32
    %dma_start3A_93 = arith.constant 0 : i32
    %dma_start3A_94 = tpu.memref_slice %arg9[%dma_start3A_92, %dma_start3A_93] : memref<128x128xf32, #tpu.memory_space<vmem>> -> memref<32x128xf32, #tpu.memory_space<vmem>>
    %dma_start3A_95 = arith.constant 96 : i32
    %dma_start3A_96 = tpu.memref_slice %arg7[%dma_start3A_91, %dma_start3A_95] : memref<40x128xi32, #tpu.memory_space<vmem>> -> memref<1x32xi32, #tpu.memory_space<vmem>>
    %dma_start3A_97 = tpu.memref_squeeze %dma_start3A_96 : memref<1x32xi32, #tpu.memory_space<vmem>> -> memref<32xi32, #tpu.memory_space<vmem>>
    %dma_start3A_98 = arith.constant 0 : i32
    %dma_start3A_99 = arith.constant 0 : i32
    %dma_start3A_100 = tpu.memref_slice %arg2[%dma_start3A_98, %dma_start3A_99] : memref<10240x128xf32, #tpu.memory_space<hbm>> -> memref<10240x128xf32, #tpu.memory_space<hbm>>
    tpu.enqueue_indirect_dma source(%dma_start3A_100 : memref<10240x128xf32, #tpu.memory_space<hbm>>) target(%dma_start3A_94 : memref<32x128xf32, #tpu.memory_space<vmem>>) offsets(%dma_start3A_97 : memref<32xi32, #tpu.memory_space<vmem>>) semaphore(%arg11 : memref<!tpu.dma_semaphore, #tpu.memory_space<semaphore_mem>>)
    %scan3A_101 = arith.constant 0 : i32
    %scan3A_102 = arith.constant 20 : i32
    %scan3A_103 = arith.addi %scan3A_101, %scan3A_102 : i32
    %scan3A_104 = arith.constant 1 : i32
    scf.for %scan3A_107 = %scan3A_101 to %scan3A_103 step %scan3A_104  : i32 {
      %mul3A_108 = arith.constant 2 : i32
      %mul3A_109 = arith.muli %scan3A_107, %mul3A_108 : i32
      %add3A_110 = arith.constant 0 : i32
      %add3A_111 = arith.addi %add3A_110, %mul3A_109 : i32
      %dma_wait3A = arith.constant 0 : i32
      %dma_wait3A_112 = arith.constant 0 : i32
      %dma_wait3A_113 = tpu.memref_slice %arg2[%dma_wait3A, %dma_wait3A_112] : memref<10240x128xf32, #tpu.memory_space<hbm>> -> memref<128x128xf32, #tpu.memory_space<hbm>>
      %dma_wait3A_114 = arith.constant 0 : i32
      %dma_wait3A_115 = arith.constant 0 : i32
      %dma_wait3A_116 = tpu.memref_slice %arg2[%dma_wait3A_114, %dma_wait3A_115] : memref<10240x128xf32, #tpu.memory_space<hbm>> -> memref<128x128xf32, #tpu.memory_space<hbm>>
      tpu.wait_dma2 semaphore(%arg11 : memref<!tpu.dma_semaphore, #tpu.memory_space<semaphore_mem>>) src(%dma_wait3A_116 : memref<128x128xf32, #tpu.memory_space<hbm>>) dst(%arg9 : memref<128x128xf32, #tpu.memory_space<vmem>>)
      %add3A_117 = arith.constant 1 : i32
      %add3A_118 = arith.addi %add3A_111, %add3A_117 : i32
      %dma_start3A_119 = arith.constant 0 : i32
      %dma_start3A_120 = arith.constant 0 : i32
      %dma_start3A_121 = tpu.memref_slice %arg10[%dma_start3A_119, %dma_start3A_120] : memref<128x128xf32, #tpu.memory_space<vmem>> -> memref<32x128xf32, #tpu.memory_space<vmem>>
      %dma_start3A_122 = arith.constant 0 : i32
      %dma_start3A_123 = tpu.memref_slice %arg7[%add3A_118, %dma_start3A_122] : memref<40x128xi32, #tpu.memory_space<vmem>> -> memref<1x32xi32, #tpu.memory_space<vmem>>
      %dma_start3A_124 = tpu.memref_squeeze %dma_start3A_123 : memref<1x32xi32, #tpu.memory_space<vmem>> -> memref<32xi32, #tpu.memory_space<vmem>>
      %dma_start3A_125 = arith.constant 0 : i32
      %dma_start3A_126 = arith.constant 0 : i32
      %dma_start3A_127 = tpu.memref_slice %arg2[%dma_start3A_125, %dma_start3A_126] : memref<10240x128xf32, #tpu.memory_space<hbm>> -> memref<10240x128xf32, #tpu.memory_space<hbm>>
      tpu.enqueue_indirect_dma source(%dma_start3A_127 : memref<10240x128xf32, #tpu.memory_space<hbm>>) target(%dma_start3A_121 : memref<32x128xf32, #tpu.memory_space<vmem>>) offsets(%dma_start3A_124 : memref<32xi32, #tpu.memory_space<vmem>>) semaphore(%arg12 : memref<!tpu.dma_semaphore, #tpu.memory_space<semaphore_mem>>)
      %dma_start3A_128 = arith.constant 32 : i32
      %dma_start3A_129 = arith.constant 0 : i32
      %dma_start3A_130 = tpu.memref_slice %arg10[%dma_start3A_128, %dma_start3A_129] : memref<128x128xf32, #tpu.memory_space<vmem>> -> memref<32x128xf32, #tpu.memory_space<vmem>>
      %dma_start3A_131 = arith.constant 32 : i32
      %dma_start3A_132 = tpu.memref_slice %arg7[%add3A_118, %dma_start3A_131] : memref<40x128xi32, #tpu.memory_space<vmem>> -> memref<1x32xi32, #tpu.memory_space<vmem>>
      %dma_start3A_133 = tpu.memref_squeeze %dma_start3A_132 : memref<1x32xi32, #tpu.memory_space<vmem>> -> memref<32xi32, #tpu.memory_space<vmem>>
      %dma_start3A_134 = arith.constant 0 : i32
      %dma_start3A_135 = arith.constant 0 : i32
      %dma_start3A_136 = tpu.memref_slice %arg2[%dma_start3A_134, %dma_start3A_135] : memref<10240x128xf32, #tpu.memory_space<hbm>> -> memref<10240x128xf32, #tpu.memory_space<hbm>>
      tpu.enqueue_indirect_dma source(%dma_start3A_136 : memref<10240x128xf32, #tpu.memory_space<hbm>>) target(%dma_start3A_130 : memref<32x128xf32, #tpu.memory_space<vmem>>) offsets(%dma_start3A_133 : memref<32xi32, #tpu.memory_space<vmem>>) semaphore(%arg12 : memref<!tpu.dma_semaphore, #tpu.memory_space<semaphore_mem>>)
      %dma_start3A_137 = arith.constant 64 : i32
      %dma_start3A_138 = arith.constant 0 : i32
      %dma_start3A_139 = tpu.memref_slice %arg10[%dma_start3A_137, %dma_start3A_138] : memref<128x128xf32, #tpu.memory_space<vmem>> -> memref<32x128xf32, #tpu.memory_space<vmem>>
      %dma_start3A_140 = arith.constant 64 : i32
      %dma_start3A_141 = tpu.memref_slice %arg7[%add3A_118, %dma_start3A_140] : memref<40x128xi32, #tpu.memory_space<vmem>> -> memref<1x32xi32, #tpu.memory_space<vmem>>
      %dma_start3A_142 = tpu.memref_squeeze %dma_start3A_141 : memref<1x32xi32, #tpu.memory_space<vmem>> -> memref<32xi32, #tpu.memory_space<vmem>>
      %dma_start3A_143 = arith.constant 0 : i32
      %dma_start3A_144 = arith.constant 0 : i32
      %dma_start3A_145 = tpu.memref_slice %arg2[%dma_start3A_143, %dma_start3A_144] : memref<10240x128xf32, #tpu.memory_space<hbm>> -> memref<10240x128xf32, #tpu.memory_space<hbm>>
      tpu.enqueue_indirect_dma source(%dma_start3A_145 : memref<10240x128xf32, #tpu.memory_space<hbm>>) target(%dma_start3A_139 : memref<32x128xf32, #tpu.memory_space<vmem>>) offsets(%dma_start3A_142 : memref<32xi32, #tpu.memory_space<vmem>>) semaphore(%arg12 : memref<!tpu.dma_semaphore, #tpu.memory_space<semaphore_mem>>)
      %dma_start3A_146 = arith.constant 96 : i32
      %dma_start3A_147 = arith.constant 0 : i32
      %dma_start3A_148 = tpu.memref_slice %arg10[%dma_start3A_146, %dma_start3A_147] : memref<128x128xf32, #tpu.memory_space<vmem>> -> memref<32x128xf32, #tpu.memory_space<vmem>>
      %dma_start3A_149 = arith.constant 96 : i32
      %dma_start3A_150 = tpu.memref_slice %arg7[%add3A_118, %dma_start3A_149] : memref<40x128xi32, #tpu.memory_space<vmem>> -> memref<1x32xi32, #tpu.memory_space<vmem>>
      %dma_start3A_151 = tpu.memref_squeeze %dma_start3A_150 : memref<1x32xi32, #tpu.memory_space<vmem>> -> memref<32xi32, #tpu.memory_space<vmem>>
      %dma_start3A_152 = arith.constant 0 : i32
      %dma_start3A_153 = arith.constant 0 : i32
      %dma_start3A_154 = tpu.memref_slice %arg2[%dma_start3A_152, %dma_start3A_153] : memref<10240x128xf32, #tpu.memory_space<hbm>> -> memref<10240x128xf32, #tpu.memory_space<hbm>>
      tpu.enqueue_indirect_dma source(%dma_start3A_154 : memref<10240x128xf32, #tpu.memory_space<hbm>>) target(%dma_start3A_148 : memref<32x128xf32, #tpu.memory_space<vmem>>) offsets(%dma_start3A_151 : memref<32xi32, #tpu.memory_space<vmem>>) semaphore(%arg12 : memref<!tpu.dma_semaphore, #tpu.memory_space<semaphore_mem>>)
      "tpu.region"() ({
        %run_scoped3A = tpu.sem_alloc : memref<!tpu.dma_semaphore, #tpu.memory_space<semaphore_mem>>
        %dma_start3A_167 = arith.constant 0 : i32
        %dma_start3A_168 = tpu.memref_slice %arg8[%add3A_111, %dma_start3A_167] : memref<40x128xi32, #tpu.memory_space<vmem>> -> memref<1x128xi32, #tpu.memory_space<vmem>>
        %dma_start3A_169 = tpu.memref_squeeze %dma_start3A_168 : memref<1x128xi32, #tpu.memory_space<vmem>> -> memref<128xi32, #tpu.memory_space<vmem>>
        %dma_start3A_170 = arith.constant 0 : i32
        %dma_start3A_171 = arith.constant 0 : i32
        %dma_start3A_172 = tpu.memref_slice %arg6[%dma_start3A_170, %dma_start3A_171] : memref<10240x128xf32, #tpu.memory_space<vmem_shared>> -> memref<10240x128xf32, #tpu.memory_space<vmem_shared>>
        tpu.enqueue_indirect_dma source(%arg9 : memref<128x128xf32, #tpu.memory_space<vmem>>) target(%dma_start3A_172 : memref<10240x128xf32, #tpu.memory_space<vmem_shared>>) offsets(%dma_start3A_169 : memref<128xi32, #tpu.memory_space<vmem>>) semaphore(%run_scoped3A : memref<!tpu.dma_semaphore, #tpu.memory_space<semaphore_mem>>) {add = true}
        %dma_wait3A_173 = arith.constant 0 : i32
        %dma_wait3A_174 = tpu.memref_slice %arg8[%add3A_111, %dma_wait3A_173] : memref<40x128xi32, #tpu.memory_space<vmem>> -> memref<1x128xi32, #tpu.memory_space<vmem>>
        %dma_wait3A_175 = tpu.memref_squeeze %dma_wait3A_174 : memref<1x128xi32, #tpu.memory_space<vmem>> -> memref<128xi32, #tpu.memory_space<vmem>>
        %dma_wait3A_176 = arith.constant 0 : i32
        %dma_wait3A_177 = arith.constant 0 : i32
        %dma_wait3A_178 = tpu.memref_slice %arg6[%dma_wait3A_176, %dma_wait3A_177] : memref<10240x128xf32, #tpu.memory_space<vmem_shared>> -> memref<10240x128xf32, #tpu.memory_space<vmem_shared>>
        tpu.wait_indirect_dma semaphore(%run_scoped3A : memref<!tpu.dma_semaphore, #tpu.memory_space<semaphore_mem>>) src(%arg9 : memref<128x128xf32, #tpu.memory_space<vmem>>) dst(%dma_wait3A_178 : memref<10240x128xf32, #tpu.memory_space<vmem_shared>>)
        tpu.yield
      }) : () -> ()
      %dma_wait3A_155 = arith.constant 0 : i32
      %dma_wait3A_156 = arith.constant 0 : i32
      %dma_wait3A_157 = tpu.memref_slice %arg2[%dma_wait3A_155, %dma_wait3A_156] : memref<10240x128xf32, #tpu.memory_space<hbm>> -> memref<128x128xf32, #tpu.memory_space<hbm>>
      %dma_wait3A_158 = arith.constant 0 : i32
      %dma_wait3A_159 = arith.constant 0 : i32
      %dma_wait3A_160 = tpu.memref_slice %arg2[%dma_wait3A_158, %dma_wait3A_159] : memref<10240x128xf32, #tpu.memory_space<hbm>> -> memref<128x128xf32, #tpu.memory_space<hbm>>
      tpu.wait_dma2 semaphore(%arg12 : memref<!tpu.dma_semaphore, #tpu.memory_space<semaphore_mem>>) src(%dma_wait3A_160 : memref<128x128xf32, #tpu.memory_space<hbm>>) dst(%arg10 : memref<128x128xf32, #tpu.memory_space<vmem>>)
      %add3A_161 = arith.constant 2 : i32
      %add3A_162 = arith.addi %add3A_111, %add3A_161 : i32
      %lt3A = arith.constant 40 : i32
      %lt3A_163 = arith.cmpi slt, %add3A_162, %lt3A : i32
      %convert_element_type3A = arith.extui %lt3A_163 : i1 to i32
      %cond3A = arith.constant 0 : i32
      %cond3A_164 = arith.cmpi ne, %convert_element_type3A, %cond3A : i32
      scf.if %cond3A_164 {
        %add3A_167 = arith.constant 2 : i32
        %add3A_168 = arith.addi %add3A_111, %add3A_167 : i32
        %dma_start3A_169 = arith.constant 0 : i32
        %dma_start3A_170 = arith.constant 0 : i32
        %dma_start3A_171 = tpu.memref_slice %arg9[%dma_start3A_169, %dma_start3A_170] : memref<128x128xf32, #tpu.memory_space<vmem>> -> memref<32x128xf32, #tpu.memory_space<vmem>>
        %dma_start3A_172 = arith.constant 0 : i32
        %dma_start3A_173 = tpu.memref_slice %arg7[%add3A_168, %dma_start3A_172] : memref<40x128xi32, #tpu.memory_space<vmem>> -> memref<1x32xi32, #tpu.memory_space<vmem>>
        %dma_start3A_174 = tpu.memref_squeeze %dma_start3A_173 : memref<1x32xi32, #tpu.memory_space<vmem>> -> memref<32xi32, #tpu.memory_space<vmem>>
        %dma_start3A_175 = arith.constant 0 : i32
        %dma_start3A_176 = arith.constant 0 : i32
        %dma_start3A_177 = tpu.memref_slice %arg2[%dma_start3A_175, %dma_start3A_176] : memref<10240x128xf32, #tpu.memory_space<hbm>> -> memref<10240x128xf32, #tpu.memory_space<hbm>>
        tpu.enqueue_indirect_dma source(%dma_start3A_177 : memref<10240x128xf32, #tpu.memory_space<hbm>>) target(%dma_start3A_171 : memref<32x128xf32, #tpu.memory_space<vmem>>) offsets(%dma_start3A_174 : memref<32xi32, #tpu.memory_space<vmem>>) semaphore(%arg11 : memref<!tpu.dma_semaphore, #tpu.memory_space<semaphore_mem>>)
        %dma_start3A_178 = arith.constant 32 : i32
        %dma_start3A_179 = arith.constant 0 : i32
        %dma_start3A_180 = tpu.memref_slice %arg9[%dma_start3A_178, %dma_start3A_179] : memref<128x128xf32, #tpu.memory_space<vmem>> -> memref<32x128xf32, #tpu.memory_space<vmem>>
        %dma_start3A_181 = arith.constant 32 : i32
        %dma_start3A_182 = tpu.memref_slice %arg7[%add3A_168, %dma_start3A_181] : memref<40x128xi32, #tpu.memory_space<vmem>> -> memref<1x32xi32, #tpu.memory_space<vmem>>
        %dma_start3A_183 = tpu.memref_squeeze %dma_start3A_182 : memref<1x32xi32, #tpu.memory_space<vmem>> -> memref<32xi32, #tpu.memory_space<vmem>>
        %dma_start3A_184 = arith.constant 0 : i32
        %dma_start3A_185 = arith.constant 0 : i32
        %dma_start3A_186 = tpu.memref_slice %arg2[%dma_start3A_184, %dma_start3A_185] : memref<10240x128xf32, #tpu.memory_space<hbm>> -> memref<10240x128xf32, #tpu.memory_space<hbm>>
        tpu.enqueue_indirect_dma source(%dma_start3A_186 : memref<10240x128xf32, #tpu.memory_space<hbm>>) target(%dma_start3A_180 : memref<32x128xf32, #tpu.memory_space<vmem>>) offsets(%dma_start3A_183 : memref<32xi32, #tpu.memory_space<vmem>>) semaphore(%arg11 : memref<!tpu.dma_semaphore, #tpu.memory_space<semaphore_mem>>)
        %dma_start3A_187 = arith.constant 64 : i32
        %dma_start3A_188 = arith.constant 0 : i32
        %dma_start3A_189 = tpu.memref_slice %arg9[%dma_start3A_187, %dma_start3A_188] : memref<128x128xf32, #tpu.memory_space<vmem>> -> memref<32x128xf32, #tpu.memory_space<vmem>>
        %dma_start3A_190 = arith.constant 64 : i32
        %dma_start3A_191 = tpu.memref_slice %arg7[%add3A_168, %dma_start3A_190] : memref<40x128xi32, #tpu.memory_space<vmem>> -> memref<1x32xi32, #tpu.memory_space<vmem>>
        %dma_start3A_192 = tpu.memref_squeeze %dma_start3A_191 : memref<1x32xi32, #tpu.memory_space<vmem>> -> memref<32xi32, #tpu.memory_space<vmem>>
        %dma_start3A_193 = arith.constant 0 : i32
        %dma_start3A_194 = arith.constant 0 : i32
        %dma_start3A_195 = tpu.memref_slice %arg2[%dma_start3A_193, %dma_start3A_194] : memref<10240x128xf32, #tpu.memory_space<hbm>> -> memref<10240x128xf32, #tpu.memory_space<hbm>>
        tpu.enqueue_indirect_dma source(%dma_start3A_195 : memref<10240x128xf32, #tpu.memory_space<hbm>>) target(%dma_start3A_189 : memref<32x128xf32, #tpu.memory_space<vmem>>) offsets(%dma_start3A_192 : memref<32xi32, #tpu.memory_space<vmem>>) semaphore(%arg11 : memref<!tpu.dma_semaphore, #tpu.memory_space<semaphore_mem>>)
        %dma_start3A_196 = arith.constant 96 : i32
        %dma_start3A_197 = arith.constant 0 : i32
        %dma_start3A_198 = tpu.memref_slice %arg9[%dma_start3A_196, %dma_start3A_197] : memref<128x128xf32, #tpu.memory_space<vmem>> -> memref<32x128xf32, #tpu.memory_space<vmem>>
        %dma_start3A_199 = arith.constant 96 : i32
        %dma_start3A_200 = tpu.memref_slice %arg7[%add3A_168, %dma_start3A_199] : memref<40x128xi32, #tpu.memory_space<vmem>> -> memref<1x32xi32, #tpu.memory_space<vmem>>
        %dma_start3A_201 = tpu.memref_squeeze %dma_start3A_200 : memref<1x32xi32, #tpu.memory_space<vmem>> -> memref<32xi32, #tpu.memory_space<vmem>>
        %dma_start3A_202 = arith.constant 0 : i32
        %dma_start3A_203 = arith.constant 0 : i32
        %dma_start3A_204 = tpu.memref_slice %arg2[%dma_start3A_202, %dma_start3A_203] : memref<10240x128xf32, #tpu.memory_space<hbm>> -> memref<10240x128xf32, #tpu.memory_space<hbm>>
        tpu.enqueue_indirect_dma source(%dma_start3A_204 : memref<10240x128xf32, #tpu.memory_space<hbm>>) target(%dma_start3A_198 : memref<32x128xf32, #tpu.memory_space<vmem>>) offsets(%dma_start3A_201 : memref<32xi32, #tpu.memory_space<vmem>>) semaphore(%arg11 : memref<!tpu.dma_semaphore, #tpu.memory_space<semaphore_mem>>)
      } else {
      }
      %add3A_165 = arith.constant 1 : i32
      %add3A_166 = arith.addi %add3A_111, %add3A_165 : i32
      "tpu.region"() ({
        %run_scoped3A = tpu.sem_alloc : memref<!tpu.dma_semaphore, #tpu.memory_space<semaphore_mem>>
        %dma_start3A_167 = arith.constant 0 : i32
        %dma_start3A_168 = tpu.memref_slice %arg8[%add3A_166, %dma_start3A_167] : memref<40x128xi32, #tpu.memory_space<vmem>> -> memref<1x128xi32, #tpu.memory_space<vmem>>
        %dma_start3A_169 = tpu.memref_squeeze %dma_start3A_168 : memref<1x128xi32, #tpu.memory_space<vmem>> -> memref<128xi32, #tpu.memory_space<vmem>>
        %dma_start3A_170 = arith.constant 0 : i32
        %dma_start3A_171 = arith.constant 0 : i32
        %dma_start3A_172 = tpu.memref_slice %arg6[%dma_start3A_170, %dma_start3A_171] : memref<10240x128xf32, #tpu.memory_space<vmem_shared>> -> memref<10240x128xf32, #tpu.memory_space<vmem_shared>>
        tpu.enqueue_indirect_dma source(%arg10 : memref<128x128xf32, #tpu.memory_space<vmem>>) target(%dma_start3A_172 : memref<10240x128xf32, #tpu.memory_space<vmem_shared>>) offsets(%dma_start3A_169 : memref<128xi32, #tpu.memory_space<vmem>>) semaphore(%run_scoped3A : memref<!tpu.dma_semaphore, #tpu.memory_space<semaphore_mem>>) {add = true}
        %dma_wait3A_173 = arith.constant 0 : i32
        %dma_wait3A_174 = tpu.memref_slice %arg8[%add3A_166, %dma_wait3A_173] : memref<40x128xi32, #tpu.memory_space<vmem>> -> memref<1x128xi32, #tpu.memory_space<vmem>>
        %dma_wait3A_175 = tpu.memref_squeeze %dma_wait3A_174 : memref<1x128xi32, #tpu.memory_space<vmem>> -> memref<128xi32, #tpu.memory_space<vmem>>
        %dma_wait3A_176 = arith.constant 0 : i32
        %dma_wait3A_177 = arith.constant 0 : i32
        %dma_wait3A_178 = tpu.memref_slice %arg6[%dma_wait3A_176, %dma_wait3A_177] : memref<10240x128xf32, #tpu.memory_space<vmem_shared>> -> memref<10240x128xf32, #tpu.memory_space<vmem_shared>>
        tpu.wait_indirect_dma semaphore(%run_scoped3A : memref<!tpu.dma_semaphore, #tpu.memory_space<semaphore_mem>>) src(%arg10 : memref<128x128xf32, #tpu.memory_space<vmem>>) dst(%dma_wait3A_178 : memref<10240x128xf32, #tpu.memory_space<vmem_shared>>)
        tpu.yield
      }) : () -> ()
    }
    %scan3A_105 = arith.constant 20 : i32
    %barrier3A_106 = arith.constant 0 : index
    tpu.barrier barrier_id(%barrier3A_106)
    "tpu.region"() ({
      %run_scoped3A = tpu.sem_alloc : memref<!tpu.dma_semaphore, #tpu.memory_space<semaphore_mem>>
      %dma_start3A_107 = arith.constant 0 : i32
      %dma_start3A_108 = tpu.memref_slice %arg5[%arg0, %mul3A_2, %dma_start3A_107] : memref<2x10240x128xf32, #tpu.memory_space<hbm>> -> memref<1x640x128xf32, #tpu.memory_space<hbm>>
      %dma_start3A_109 = tpu.memref_squeeze %dma_start3A_108 : memref<1x640x128xf32, #tpu.memory_space<hbm>> -> memref<640x128xf32, #tpu.memory_space<hbm>>
      %dma_start3A_110 = arith.constant 0 : i32
      %dma_start3A_111 = tpu.memref_slice %arg6[%mul3A_2, %dma_start3A_110] : memref<10240x128xf32, #tpu.memory_space<vmem_shared>> -> memref<640x128xf32, #tpu.memory_space<vmem_shared>>
      tpu.enqueue_dma source(%dma_start3A_111 : memref<640x128xf32, #tpu.memory_space<vmem_shared>>) target(%dma_start3A_109 : memref<640x128xf32, #tpu.memory_space<hbm>>) target_semaphore(%run_scoped3A : memref<!tpu.dma_semaphore, #tpu.memory_space<semaphore_mem>>)
      %dma_wait3A = arith.constant 0 : i32
      %dma_wait3A_112 = tpu.memref_slice %arg5[%arg0, %mul3A_2, %dma_wait3A] : memref<2x10240x128xf32, #tpu.memory_space<hbm>> -> memref<1x640x128xf32, #tpu.memory_space<hbm>>
      %dma_wait3A_113 = tpu.memref_squeeze %dma_wait3A_112 : memref<1x640x128xf32, #tpu.memory_space<hbm>> -> memref<640x128xf32, #tpu.memory_space<hbm>>
      %dma_wait3A_114 = arith.constant 0 : i32
      %dma_wait3A_115 = tpu.memref_slice %arg6[%mul3A_2, %dma_wait3A_114] : memref<10240x128xf32, #tpu.memory_space<vmem_shared>> -> memref<640x128xf32, #tpu.memory_space<vmem_shared>>
      tpu.wait_dma2 semaphore(%run_scoped3A : memref<!tpu.dma_semaphore, #tpu.memory_space<semaphore_mem>>) src(%dma_wait3A_115 : memref<640x128xf32, #tpu.memory_space<vmem_shared>>) dst(%dma_wait3A_113 : memref<640x128xf32, #tpu.memory_space<hbm>>)
      tpu.yield
    }) : () -> ()
    return
  }
}

module attributes {stable_mosaic.version = 14 : i64} {
  func.func @_mm_body(%arg0: i32, %arg1: memref<2560x128xf32, #tpu.memory_space<vmem>>, %arg2: memref<128x128xf32, #tpu.memory_space<vmem>>, %arg3: memref<2560x128xf32, #tpu.memory_space<vmem>>) attributes {dimension_semantics = [#tpu.dimension_semantics<arbitrary>], iteration_bounds = array<i64: 4>, scalar_prefetch = 0 : i64, scratch_operands = 0 : i64, tpu.core_type = #tpu.core_type<tc>, window_params = [{transform_indices = @transform_0, window_bounds = array<i64: 2560, 128>}, {pipeline_mode = #tpu.pipeline_mode<synchronous>, transform_indices = @transform_1, window_bounds = array<i64: 128, 128>}, {transform_indices = @transform_2, window_bounds = array<i64: 2560, 128>}]} {
    %get3A = arith.constant 0 : index
    %get3A_0 = arith.constant 0 : index
    %get3A_1 = vector.load %arg1[%get3A, %get3A_0] : memref<2560x128xf32, #tpu.memory_space<vmem>>, vector<2560x128xf32>
    %get3A_2 = arith.constant 0 : index
    %get3A_3 = arith.constant 0 : index
    %get3A_4 = vector.load %arg2[%get3A_2, %get3A_3] : memref<128x128xf32, #tpu.memory_space<vmem>>, vector<128x128xf32>
    %dot_general3A = arith.constant dense<0.000000e+00> : vector<2560x128xf32>
    %dot_general3A_5 = tpu.matmul %get3A_1, %get3A_4, %dot_general3A {dimension_numbers = #tpu.dot_dimension_numbers<[1], [0], [0], [1], [0, 0, 1, 1], [], []>, transpose_lhs_hint = false} : vector<2560x128xf32>, vector<128x128xf32>, vector<2560x128xf32> -> vector<2560x128xf32>
    %swap3A = arith.constant 0 : index
    %swap3A_6 = arith.constant 0 : index
    %swap3A_7 = vector.load %arg3[%swap3A, %swap3A_6] : memref<2560x128xf32, #tpu.memory_space<vmem>>, vector<2560x128xf32>
    tpu.vector_store %arg3[%swap3A, %swap3A_6], %dot_general3A_5 {strides = array<i32>} : memref<2560x128xf32, #tpu.memory_space<vmem>>, vector<2560x128xf32>,
    return
  }
  func.func @transform_0(%arg0: i32) -> (i32, i32) {
    %c0_i32 = arith.constant 0 : i32
    %c0_i32_0 = arith.constant 0 : i32
    return %arg0, %c0_i32 : i32, i32
  }
  func.func @transform_1(%arg0: i32) -> (i32, i32) {
    %c0_i32 = arith.constant 0 : i32
    %c0_i32_0 = arith.constant 0 : i32
    %c0_i32_1 = arith.constant 0 : i32
    return %c0_i32, %c0_i32_0 : i32, i32
  }
  func.func @transform_2(%arg0: i32) -> (i32, i32) {
    %c0_i32 = arith.constant 0 : i32
    %c0_i32_0 = arith.constant 0 : i32
    return %arg0, %c0_i32 : i32, i32
  }
}

module attributes {stable_mosaic.version = 14 : i64} {
  func.func @_mid_body(%arg0: i32, %arg1: memref<2x2560x128xf32, #tpu.memory_space<vmem>>, %arg2: memref<2560x128xf32, #tpu.memory_space<vmem>>, %arg3: memref<32x2560xf32, #tpu.memory_space<vmem>>, %arg4: memref<1x128xf32, #tpu.memory_space<vmem>>, %arg5: memref<128x128xf32, #tpu.memory_space<vmem>>, %arg6: memref<2560x128xf32, #tpu.memory_space<vmem>>) attributes {dimension_semantics = [#tpu.dimension_semantics<arbitrary>], iteration_bounds = array<i64: 4>, scalar_prefetch = 0 : i64, scratch_operands = 0 : i64, tpu.core_type = #tpu.core_type<tc>, window_params = [{transform_indices = @transform_0, window_bounds = array<i64: 2, 2560, 128>}, {transform_indices = @transform_1, window_bounds = array<i64: 2560, 128>}, {transform_indices = @transform_2, window_bounds = array<i64: 32, 2560>}, {pipeline_mode = #tpu.pipeline_mode<synchronous>, transform_indices = @transform_3, window_bounds = array<i64: 1, 128>}, {pipeline_mode = #tpu.pipeline_mode<synchronous>, transform_indices = @transform_4, window_bounds = array<i64: 128, 128>}, {transform_indices = @transform_5, window_bounds = array<i64: 2560, 128>}]} {
    %get3A = arith.constant 0 : index
    %get3A_0 = arith.constant 0 : index
    %get3A_1 = vector.load %arg3[%get3A, %get3A_0] : memref<32x2560xf32, #tpu.memory_space<vmem>>, vector<32x2560xf32>
    %reduce_sum3A = arith.constant dense<0.000000e+00> : vector<2560xf32>
    %reduce_sum3A_2 = vector.multi_reduction <add>, %get3A_1, %reduce_sum3A [0] : vector<32x2560xf32> to vector<2560xf32>
    %broadcast_in_dim3A = vector.shape_cast %reduce_sum3A_2 : vector<2560xf32> to vector<2560x1xf32>
    %add3A = arith.constant 1.000000e+00 : f32
    %add3A_3 = vector.broadcast %add3A : f32 to vector<2560x1xf32>
    %add3A_4 = arith.addf %broadcast_in_dim3A, %add3A_3 : vector<2560x1xf32>
    %rsqrt3A = math.rsqrt %add3A_4 : vector<2560x1xf32>
    %get3A_5 = arith.constant 0 : index
    %get3A_6 = arith.constant 0 : index
    %get3A_7 = arith.constant 0 : index
    %get3A_8 = vector.load %arg1[%get3A_5, %get3A_6, %get3A_7] : memref<2x2560x128xf32, #tpu.memory_space<vmem>>, vector<1x2560x128xf32>
    %get3A_9 = vector.shape_cast %get3A_8 : vector<1x2560x128xf32> to vector<2560x128xf32>
    %get3A_10 = arith.constant 1 : index
    %get3A_11 = arith.constant 0 : index
    %get3A_12 = arith.constant 0 : index
    %get3A_13 = vector.load %arg1[%get3A_10, %get3A_11, %get3A_12] : memref<2x2560x128xf32, #tpu.memory_space<vmem>>, vector<1x2560x128xf32>
    %get3A_14 = vector.shape_cast %get3A_13 : vector<1x2560x128xf32> to vector<2560x128xf32>
    %add3A_15 = arith.addf %get3A_9, %get3A_14 : vector<2560x128xf32>
    %get3A_16 = arith.constant 0 : index
    %get3A_17 = arith.constant 0 : index
    %get3A_18 = vector.load %arg2[%get3A_16, %get3A_17] : memref<2560x128xf32, #tpu.memory_space<vmem>>, vector<2560x128xf32>
    %add3A_19 = arith.addf %add3A_15, %get3A_18 : vector<2560x128xf32>
    %mul3A = vector.broadcast %rsqrt3A : vector<2560x1xf32> to vector<2560x128xf32>
    %mul3A_20 = arith.mulf %add3A_19, %mul3A : vector<2560x128xf32>
    %get3A_21 = arith.constant 0 : index
    %get3A_22 = arith.constant 0 : index
    %get3A_23 = vector.load %arg4[%get3A_21, %get3A_22] : memref<1x128xf32, #tpu.memory_space<vmem>>, vector<1x128xf32>
    %add3A_24 = vector.broadcast %get3A_23 : vector<1x128xf32> to vector<2560x128xf32>
    %add3A_25 = arith.addf %mul3A_20, %add3A_24 : vector<2560x128xf32>
    %max3A = arith.constant 0.000000e+00 : f32
    %max3A_26 = vector.broadcast %max3A : f32 to vector<2560x128xf32>
    %max3A_27 = arith.maximumf %add3A_25, %max3A_26 : vector<2560x128xf32>
    %get3A_28 = arith.constant 0 : index
    %get3A_29 = arith.constant 0 : index
    %get3A_30 = vector.load %arg5[%get3A_28, %get3A_29] : memref<128x128xf32, #tpu.memory_space<vmem>>, vector<128x128xf32>
    %dot_general3A = arith.constant dense<0.000000e+00> : vector<2560x128xf32>
    %dot_general3A_31 = tpu.matmul %max3A_27, %get3A_30, %dot_general3A {dimension_numbers = #tpu.dot_dimension_numbers<[1], [0], [0], [1], [0, 0, 1, 1], [], []>, transpose_lhs_hint = false} : vector<2560x128xf32>, vector<128x128xf32>, vector<2560x128xf32> -> vector<2560x128xf32>
    %mul3A_32 = vector.broadcast %rsqrt3A : vector<2560x1xf32> to vector<2560x128xf32>
    %mul3A_33 = arith.mulf %dot_general3A_31, %mul3A_32 : vector<2560x128xf32>
    %swap3A = arith.constant 0 : index
    %swap3A_34 = arith.constant 0 : index
    %swap3A_35 = vector.load %arg6[%swap3A, %swap3A_34] : memref<2560x128xf32, #tpu.memory_space<vmem>>, vector<2560x128xf32>
    tpu.vector_store %arg6[%swap3A, %swap3A_34], %mul3A_33 {strides = array<i32>} : memref<2560x128xf32, #tpu.memory_space<vmem>>, vector<2560x128xf32>,
    return
  }
  func.func @transform_0(%arg0: i32) -> (i32, i32, i32) {
    %c0_i32 = arith.constant 0 : i32
    %c0_i32_0 = arith.constant 0 : i32
    %c0_i32_1 = arith.constant 0 : i32
    return %c0_i32, %arg0, %c0_i32_0 : i32, i32, i32
  }
  func.func @transform_1(%arg0: i32) -> (i32, i32) {
    %c0_i32 = arith.constant 0 : i32
    %c0_i32_0 = arith.constant 0 : i32
    return %arg0, %c0_i32 : i32, i32
  }
  func.func @transform_2(%arg0: i32) -> (i32, i32) {
    %c0_i32 = arith.constant 0 : i32
    %c0_i32_0 = arith.constant 0 : i32
    return %c0_i32, %arg0 : i32, i32
  }
  func.func @transform_3(%arg0: i32) -> (i32, i32) {
    %c0_i32 = arith.constant 0 : i32
    %c0_i32_0 = arith.constant 0 : i32
    %c0_i32_1 = arith.constant 0 : i32
    return %c0_i32, %c0_i32_0 : i32, i32
  }
  func.func @transform_4(%arg0: i32) -> (i32, i32) {
    %c0_i32 = arith.constant 0 : i32
    %c0_i32_0 = arith.constant 0 : i32
    %c0_i32_1 = arith.constant 0 : i32
    return %c0_i32, %c0_i32_0 : i32, i32
  }
  func.func @transform_5(%arg0: i32) -> (i32, i32) {
    %c0_i32 = arith.constant 0 : i32
    %c0_i32_0 = arith.constant 0 : i32
    return %arg0, %c0_i32 : i32, i32
  }
}

module attributes {stable_mosaic.version = 14 : i64} {
  func.func @_scale_body(%arg0: i32, %arg1: memref<2560x128xf32, #tpu.memory_space<vmem>>, %arg2: memref<32x2560xf32, #tpu.memory_space<vmem>>, %arg3: memref<2560x128xf32, #tpu.memory_space<vmem>>) attributes {dimension_semantics = [#tpu.dimension_semantics<arbitrary>], iteration_bounds = array<i64: 4>, scalar_prefetch = 0 : i64, scratch_operands = 0 : i64, tpu.core_type = #tpu.core_type<tc>, window_params = [{transform_indices = @transform_0, window_bounds = array<i64: 2560, 128>}, {transform_indices = @transform_1, window_bounds = array<i64: 32, 2560>}, {transform_indices = @transform_2, window_bounds = array<i64: 2560, 128>}]} {
    %get3A = arith.constant 0 : index
    %get3A_0 = arith.constant 0 : index
    %get3A_1 = vector.load %arg1[%get3A, %get3A_0] : memref<2560x128xf32, #tpu.memory_space<vmem>>, vector<2560x128xf32>
    %get3A_2 = arith.constant 0 : index
    %get3A_3 = arith.constant 0 : index
    %get3A_4 = vector.load %arg2[%get3A_2, %get3A_3] : memref<32x2560xf32, #tpu.memory_space<vmem>>, vector<32x2560xf32>
    %reduce_sum3A = arith.constant dense<0.000000e+00> : vector<2560xf32>
    %reduce_sum3A_5 = vector.multi_reduction <add>, %get3A_4, %reduce_sum3A [0] : vector<32x2560xf32> to vector<2560xf32>
    %broadcast_in_dim3A = vector.shape_cast %reduce_sum3A_5 : vector<2560xf32> to vector<2560x1xf32>
    %add3A = arith.constant 1.000000e+00 : f32
    %add3A_6 = vector.broadcast %add3A : f32 to vector<2560x1xf32>
    %add3A_7 = arith.addf %broadcast_in_dim3A, %add3A_6 : vector<2560x1xf32>
    %rsqrt3A = math.rsqrt %add3A_7 : vector<2560x1xf32>
    %mul3A = vector.broadcast %rsqrt3A : vector<2560x1xf32> to vector<2560x128xf32>
    %mul3A_8 = arith.mulf %get3A_1, %mul3A : vector<2560x128xf32>
    %swap3A = arith.constant 0 : index
    %swap3A_9 = arith.constant 0 : index
    %swap3A_10 = vector.load %arg3[%swap3A, %swap3A_9] : memref<2560x128xf32, #tpu.memory_space<vmem>>, vector<2560x128xf32>
    tpu.vector_store %arg3[%swap3A, %swap3A_9], %mul3A_8 {strides = array<i32>} : memref<2560x128xf32, #tpu.memory_space<vmem>>, vector<2560x128xf32>,
    return
  }
  func.func @transform_0(%arg0: i32) -> (i32, i32) {
    %c0_i32 = arith.constant 0 : i32
    %c0_i32_0 = arith.constant 0 : i32
    return %arg0, %c0_i32 : i32, i32
  }
  func.func @transform_1(%arg0: i32) -> (i32, i32) {
    %c0_i32 = arith.constant 0 : i32
    %c0_i32_0 = arith.constant 0 : i32
    return %c0_i32, %arg0 : i32, i32
  }
  func.func @transform_2(%arg0: i32) -> (i32, i32) {
    %c0_i32 = arith.constant 0 : i32
    %c0_i32_0 = arith.constant 0 : i32
    return %arg0, %c0_i32 : i32, i32
  }
}

module attributes {stable_mosaic.version = 14 : i64} {
  func.func @_out_body(%arg0: i32, %arg1: memref<2x2560x128xf32, #tpu.memory_space<vmem>>, %arg2: memref<2560x128xf32, #tpu.memory_space<vmem>>, %arg3: memref<32x2560xf32, #tpu.memory_space<vmem>>, %arg4: memref<1x128xf32, #tpu.memory_space<vmem>>, %arg5: memref<128x40xf32, #tpu.memory_space<vmem>>, %arg6: memref<1x40xf32, #tpu.memory_space<vmem>>, %arg7: memref<2560x40xf32, #tpu.memory_space<vmem>>) attributes {dimension_semantics = [#tpu.dimension_semantics<arbitrary>], iteration_bounds = array<i64: 4>, scalar_prefetch = 0 : i64, scratch_operands = 0 : i64, tpu.core_type = #tpu.core_type<tc>, window_params = [{transform_indices = @transform_0, window_bounds = array<i64: 2, 2560, 128>}, {transform_indices = @transform_1, window_bounds = array<i64: 2560, 128>}, {transform_indices = @transform_2, window_bounds = array<i64: 32, 2560>}, {pipeline_mode = #tpu.pipeline_mode<synchronous>, transform_indices = @transform_3, window_bounds = array<i64: 1, 128>}, {pipeline_mode = #tpu.pipeline_mode<synchronous>, transform_indices = @transform_4, window_bounds = array<i64: 128, 40>}, {pipeline_mode = #tpu.pipeline_mode<synchronous>, transform_indices = @transform_5, window_bounds = array<i64: 1, 40>}, {transform_indices = @transform_6, window_bounds = array<i64: 2560, 40>}]} {
    %get3A = arith.constant 0 : index
    %get3A_0 = arith.constant 0 : index
    %get3A_1 = vector.load %arg3[%get3A, %get3A_0] : memref<32x2560xf32, #tpu.memory_space<vmem>>, vector<32x2560xf32>
    %reduce_sum3A = arith.constant dense<0.000000e+00> : vector<2560xf32>
    %reduce_sum3A_2 = vector.multi_reduction <add>, %get3A_1, %reduce_sum3A [0] : vector<32x2560xf32> to vector<2560xf32>
    %broadcast_in_dim3A = vector.shape_cast %reduce_sum3A_2 : vector<2560xf32> to vector<2560x1xf32>
    %add3A = arith.constant 1.000000e+00 : f32
    %add3A_3 = vector.broadcast %add3A : f32 to vector<2560x1xf32>
    %add3A_4 = arith.addf %broadcast_in_dim3A, %add3A_3 : vector<2560x1xf32>
    %rsqrt3A = math.rsqrt %add3A_4 : vector<2560x1xf32>
    %get3A_5 = arith.constant 0 : index
    %get3A_6 = arith.constant 0 : index
    %get3A_7 = arith.constant 0 : index
    %get3A_8 = vector.load %arg1[%get3A_5, %get3A_6, %get3A_7] : memref<2x2560x128xf32, #tpu.memory_space<vmem>>, vector<1x2560x128xf32>
    %get3A_9 = vector.shape_cast %get3A_8 : vector<1x2560x128xf32> to vector<2560x128xf32>
    %get3A_10 = arith.constant 1 : index
    %get3A_11 = arith.constant 0 : index
    %get3A_12 = arith.constant 0 : index
    %get3A_13 = vector.load %arg1[%get3A_10, %get3A_11, %get3A_12] : memref<2x2560x128xf32, #tpu.memory_space<vmem>>, vector<1x2560x128xf32>
    %get3A_14 = vector.shape_cast %get3A_13 : vector<1x2560x128xf32> to vector<2560x128xf32>
    %add3A_15 = arith.addf %get3A_9, %get3A_14 : vector<2560x128xf32>
    %get3A_16 = arith.constant 0 : index
    %get3A_17 = arith.constant 0 : index
    %get3A_18 = vector.load %arg2[%get3A_16, %get3A_17] : memref<2560x128xf32, #tpu.memory_space<vmem>>, vector<2560x128xf32>
    %add3A_19 = arith.addf %add3A_15, %get3A_18 : vector<2560x128xf32>
    %mul3A = vector.broadcast %rsqrt3A : vector<2560x1xf32> to vector<2560x128xf32>
    %mul3A_20 = arith.mulf %add3A_19, %mul3A : vector<2560x128xf32>
    %get3A_21 = arith.constant 0 : index
    %get3A_22 = arith.constant 0 : index
    %get3A_23 = vector.load %arg4[%get3A_21, %get3A_22] : memref<1x128xf32, #tpu.memory_space<vmem>>, vector<1x128xf32>
    %add3A_24 = vector.broadcast %get3A_23 : vector<1x128xf32> to vector<2560x128xf32>
    %add3A_25 = arith.addf %mul3A_20, %add3A_24 : vector<2560x128xf32>
    %get3A_26 = arith.constant 0 : index
    %get3A_27 = arith.constant 0 : index
    %get3A_28 = vector.load %arg5[%get3A_26, %get3A_27] : memref<128x40xf32, #tpu.memory_space<vmem>>, vector<128x40xf32>
    %dot_general3A = arith.constant dense<0.000000e+00> : vector<2560x40xf32>
    %dot_general3A_29 = tpu.matmul %add3A_25, %get3A_28, %dot_general3A {dimension_numbers = #tpu.dot_dimension_numbers<[1], [0], [0], [1], [0, 0, 1, 1], [], []>, transpose_lhs_hint = false} : vector<2560x128xf32>, vector<128x40xf32>, vector<2560x40xf32> -> vector<2560x40xf32>
    %get3A_30 = arith.constant 0 : index
    %get3A_31 = arith.constant 0 : index
    %get3A_32 = vector.load %arg6[%get3A_30, %get3A_31] : memref<1x40xf32, #tpu.memory_space<vmem>>, vector<1x40xf32>
    %add3A_33 = vector.broadcast %get3A_32 : vector<1x40xf32> to vector<2560x40xf32>
    %add3A_34 = arith.addf %dot_general3A_29, %add3A_33 : vector<2560x40xf32>
    %reduce_max3A = arith.constant dense<0xFF800000> : vector<2560xf32>
    %reduce_max3A_35 = vector.multi_reduction <maximumf>, %add3A_34, %reduce_max3A [1] : vector<2560x40xf32> to vector<2560xf32>
    %broadcast_in_dim3A_36 = vector.shape_cast %reduce_max3A_35 : vector<2560xf32> to vector<2560x1xf32>
    %sub3A = vector.broadcast %broadcast_in_dim3A_36 : vector<2560x1xf32> to vector<2560x40xf32>
    %sub3A_37 = arith.subf %add3A_34, %sub3A : vector<2560x40xf32>
    %exp3A = math.exp %sub3A_37 : vector<2560x40xf32>
    %reduce_sum3A_38 = arith.constant dense<0.000000e+00> : vector<2560xf32>
    %reduce_sum3A_39 = vector.multi_reduction <add>, %exp3A, %reduce_sum3A_38 [1] : vector<2560x40xf32> to vector<2560xf32>
    %broadcast_in_dim3A_40 = vector.shape_cast %reduce_sum3A_39 : vector<2560xf32> to vector<2560x1xf32>
    %div3A = vector.broadcast %broadcast_in_dim3A_40 : vector<2560x1xf32> to vector<2560x40xf32>
    %div3A_41 = arith.divf %exp3A, %div3A : vector<2560x40xf32>
    %swap3A = arith.constant 0 : index
    %swap3A_42 = arith.constant 0 : index
    %swap3A_43 = vector.load %arg7[%swap3A, %swap3A_42] : memref<2560x40xf32, #tpu.memory_space<vmem>>, vector<2560x40xf32>
    tpu.vector_store %arg7[%swap3A, %swap3A_42], %div3A_41 {strides = array<i32>} : memref<2560x40xf32, #tpu.memory_space<vmem>>, vector<2560x40xf32>,
    return
  }
  func.func @transform_0(%arg0: i32) -> (i32, i32, i32) {
    %c0_i32 = arith.constant 0 : i32
    %c0_i32_0 = arith.constant 0 : i32
    %c0_i32_1 = arith.constant 0 : i32
    return %c0_i32, %arg0, %c0_i32_0 : i32, i32, i32
  }
  func.func @transform_1(%arg0: i32) -> (i32, i32) {
    %c0_i32 = arith.constant 0 : i32
    %c0_i32_0 = arith.constant 0 : i32
    return %arg0, %c0_i32 : i32, i32
  }
  func.func @transform_2(%arg0: i32) -> (i32, i32) {
    %c0_i32 = arith.constant 0 : i32
    %c0_i32_0 = arith.constant 0 : i32
    return %c0_i32, %arg0 : i32, i32
  }
  func.func @transform_3(%arg0: i32) -> (i32, i32) {
    %c0_i32 = arith.constant 0 : i32
    %c0_i32_0 = arith.constant 0 : i32
    %c0_i32_1 = arith.constant 0 : i32
    return %c0_i32, %c0_i32_0 : i32, i32
  }
  func.func @transform_4(%arg0: i32) -> (i32, i32) {
    %c0_i32 = arith.constant 0 : i32
    %c0_i32_0 = arith.constant 0 : i32
    %c0_i32_1 = arith.constant 0 : i32
    return %c0_i32, %c0_i32_0 : i32, i32
  }
  func.func @transform_5(%arg0: i32) -> (i32, i32) {
    %c0_i32 = arith.constant 0 : i32
    %c0_i32_0 = arith.constant 0 : i32
    %c0_i32_1 = arith.constant 0 : i32
    return %c0_i32, %c0_i32_0 : i32, i32
  }
  func.func @transform_6(%arg0: i32) -> (i32, i32) {
    %c0_i32 = arith.constant 0 : i32
    %c0_i32_0 = arith.constant 0 : i32
    return %arg0, %c0_i32 : i32, i32
  }
}

</mosaic_0001>

<sc_bundles>
// kernel: kernel.12.cloned.1.call-start
scs
__scs_entry_jumppad:
0x0: {  	(pc) =	sbr.rel $0x88, $3  }
0x1: {  	(tag) =	ssettag $0x0;
	lr =	simm.s32 $0x1  }
0x2: {  	[smem:$0x3F99] =	sst lr;
	_ =	strace $0xD0000000  }
0x3: {  	_ = 	snop  }
0x4: {  	_ = 	snop  }
0x5: {  	_ = 	snop  }
0x6: {  	_ = 	snop  }
0x7: {  	_ = 	snop  }
__scs_overlays_trampoline_lowered:
0x8: {  	[smem:$0x3FA8] =	sst s0  }
0x9: {  	[smem:$0x3FA9] =	sst s1  }
0xa: {  	[smem:$0x3FAA] =	sst s2  }
0xb: {  	[smem:$0x3FAB] =	sst s3  }
0xc: {  	[smem:$0x3FAC] =	sst s4  }
0xd: {  	[smem:$0x3FAD] =	sst s5  }
0xe: {  	[smem:$0x3FAE] =	sst s6  }
0xf: {  	[smem:$0x3FAF] =	sst s7  }
0x10: {  	[smem:$0x3FB0] =	sst s8  }
0x11: {  	[smem:$0x3FB1] =	sst s9;
	s0 =	simm.s32 @!p0 $0x0  }
0x12: {  	s1 =	sld [smem:$0x3F97];
	s0 =	simm.s32 @p0 $0x1  }
0x13: {  	[smem:$0x3FB2] =	sst s0;
	s0 =	simm.s32 @!p1 $0x0  }
0x14: {  	s2 =	sld [smem:$0x3F96];
	s0 =	simm.s32 @p1 $0x1  }
0x15: {  	[smem:$0x3FB3] =	sst s0;
	s0 =	simm.s32 @!p2 $0x0  }
0x16: {  	s3 =	sld [smem:$0x3FDB];
	s0 =	simm.s32 @p2 $0x1  }
0x17: {  	s4 =	simm.s32 $0x1BF5;
	[smem:$0x3FB5] =	sst s0  }
0x18: {  	s0 =	sld [smem:$0x3F98];
	_ =	swait.ge [sflag:s4], $0x0  }
0x19: {  	s7 =	sld [smem:$0x3F99]  }
0x1a: {  	s8 =	sadd.s32 $0xFFFFE003, lr  }
0x1b: {  	s9 =	sadd.s32 $0xFFFFFEF7, lr;
	s5 =	simm.s32 $0xFFFFFFFF;
	p2 =	slt.u32 s8, $0xFFFFF086  }
0x1c: {  	p1 =	slt.u32 s9, $0xF7A;
	s5 =	simm.s32 @!p2 $0x0  }
0x1d: {  	s5 =	simm.s32 @p1 $0x1;
	p0 =	seq.s32 s7, s2  }
0x1e: {  	s7 =	smul.u32 @!p0 $0xF7A, s2;
	p2 =	seq.s32 @!p0 s5, $0x0  }
0x1f: {  	s9 =	smul.u32 $0xF7A, s1;
	s8 =	simm.s32 @!p0 $0x1BF5;
	p2 =	por !p2, p0  }
0x20: {  	[sflag:s8] =	ssyncset.s32 @!p0 $0xFFFFF086;
	s6 =	sadd.s32 @!p0 s3, s7;
	s7 =	simm.s32 @!p0 $0x108  }
0x21: {  	s3 =	sadd.s32 s3, s9;
	s6 =	sadd.s32 @!p0 $0x88, s6;
	s7 =	simm.s32 @p2 $0x1082  }
0x22: {  	[simem:s7], [sflag:s8] =	dma.local @!p0 [hbm:s6], $0xF7A  }
0x23: {  	s9 =	sor.u32 $0xD0000000, s2;
	s6 =	simm.s32 $0x108;
	_ =	swait.ge @!p0 [sflag:s8], $0x0  }
0x24: {  	s3 =	sadd.s32 $0x88, s3;
	s6 =	simm.s32 @!p1 $0x1082;
	[sflag:s4] =	ssyncset.s32 $0xFFFFF086  }
0x25: {  	[simem:s6], [sflag:s4] =	dma.local [hbm:s3], $0xF7A  }
0x26: {  	[smem:$0x3F99] =	sst s1;
	(tag) =	ssettag s2;
	_ =	strace s9  }
0x27: {  	s1 =	sld [smem:$0x3FA9]  }
0x28: {  	s2 =	sld [smem:$0x3FAA]  }
0x29: {  	s4 =	sld [smem:$0x3FAC]  }
0x2a: {  	p0 =	seq.s32 s5, $0x0;
	s5 =	sld [smem:$0x3FAD]  }
0x2b: {  	s6 =	sld [smem:$0x3FAE]  }
0x2c: {  	s7 =	sld [smem:$0x3FAF]  }
0x2d: {  	s3 =	simm.s32 $0x108;
	s8 =	sld [smem:$0x3FB0]  }
0x2e: {  	s3 =	simm.s32 @!p0 $0x1082;
	s9 =	sld [smem:$0x3FB1]  }
0x2f: {  	lr =	sadd.s32 s0, s3;
	s0 =	sld [smem:$0x3FA8]  }
0x30: {  	s3 =	sld [smem:$0x3FAB]  }
0x31: {  	[smem:$0x3FB4] =	sst s10  }
0x32: {  	s10 =	sld [smem:$0x3FB2];
	_ =	sdelay $0x3  }
0x33: {  	p0 =	seq.s32 s10, $0x1;
	s10 =	sld [smem:$0x3FB4];
	_ =	sdelay $0x3  }
0x34: {  	[smem:$0x3FB4] =	sst s10  }
0x35: {  	s10 =	sld [smem:$0x3FB3];
	_ =	sdelay $0x3  }
0x36: {  	p1 =	seq.s32 s10, $0x1;
	s10 =	sld [smem:$0x3FB4];
	_ =	sdelay $0x3  }
0x37: {  	[smem:$0x3FB4] =	sst s10  }
0x38: {  	s10 =	sld [smem:$0x3FB5]  }
0x39: {  	_ = 	snop;
	(pc) =	sbr.ind lr, $3  }
0x3a: {  	_ = 	snop  }
0x3b: {  	_ = 	snop  }
0x3c: {  	p2 =	seq.s32 s10, $0x1;
	s10 =	sld [smem:$0x3FB4]  }
0x3d: {  	_ =	shalt  }
0x3e: {  	_ =	shalt  }
0x3f: {  	_ =	shalt  }
0x40: {  	_ =	shalt  }
0x41: {  	_ =	shalt  }
0x42: {  	_ =	shalt  }
0x43: {  	_ =	shalt  }
0x44: {  	_ =	shalt  }
0x45: {  	_ =	shalt  }
0x46: {  	_ =	shalt  }
0x47: {  	_ =	shalt  }
0x48: {  	_ =	shalt  }
0x49: {  	_ =	shalt  }
0x4a: {  	_ =	shalt  }
0x4b: {  	_ =	shalt  }
0x4c: {  	_ =	shalt  }
0x4d: {  	_ =	shalt  }
0x4e: {  	_ =	shalt  }
0x4f: {  	_ =	shalt  }
0x50: {  	_ =	shalt  }
0x51: {  	_ =	shalt  }
0x52: {  	_ =	shalt  }
0x53: {  	_ =	shalt  }
0x54: {  	_ =	shalt  }
0x55: {  	_ =	shalt  }
0x56: {  	_ =	shalt  }
0x57: {  	_ =	shalt  }
0x58: {  	_ =	shalt  }
0x59: {  	_ =	shalt  }
0x5a: {  	_ =	shalt  }
0x5b: {  	_ =	shalt  }
0x5c: {  	_ =	shalt  }
0x5d: {  	_ =	shalt  }
0x5e: {  	_ =	shalt  }
0x5f: {  	_ =	shalt  }
0x60: {  	_ =	shalt  }
0x61: {  	_ =	shalt  }
0x62: {  	_ =	shalt  }
0x63: {  	_ =	shalt  }
0x64: {  	_ =	shalt  }
0x65: {  	_ =	shalt  }
0x66: {  	_ =	shalt  }
0x67: {  	_ =	shalt  }
0x68: {  	_ =	shalt  }
0x69: {  	_ =	shalt  }
0x6a: {  	_ =	shalt  }
0x6b: {  	_ =	shalt  }
0x6c: {  	_ =	shalt  }
0x6d: {  	_ =	shalt  }
0x6e: {  	_ =	shalt  }
0x6f: {  	_ =	shalt  }
0x70: {  	_ =	shalt  }
0x71: {  	_ =	shalt  }
0x72: {  	_ =	shalt  }
0x73: {  	_ =	shalt  }
0x74: {  	_ =	shalt  }
0x75: {  	_ =	shalt  }
0x76: {  	_ =	shalt  }
0x77: {  	_ =	shalt  }
0x78: {  	_ =	shalt  }
0x79: {  	_ =	shalt  }
0x7a: {  	_ =	shalt  }
0x7b: {  	_ =	shalt  }
0x7c: {  	_ =	shalt  }
0x7d: {  	_ =	shalt  }
0x7e: {  	_ =	shalt  }
0x7f: {  	_ =	shalt  }
0x80: {  	_ =	shalt  }
0x81: {  	_ =	shalt  }
0x82: {  	_ =	shalt  }
0x83: {  	_ =	shalt  }
0x84: {  	_ =	shalt  }
0x85: {  	_ =	shalt  }
0x86: {  	_ =	shalt  }
0x87: {  	_ =	shalt  }
.Lfunc_end0:
.L_simem_size_0:
called_computation.1_lowered:
.L_overlay_start_0:
0x88: {  	s2 =	sld [smem:$0x3FD9]  }
0x89: {  	s3 =	sld [smem:$0x3FFE];
	_ =	sdelay $0x1  }
0x8a: {  	s1 =	srdreg.scid  }
0x8b: {  	s0 =	sand.u32 $0x1, s1  }
0x8c: {  	s17 =	sshll.u32 s0, $0xA;
	s2 =	sadd.s32 s3, s2  }
0x8d: {  	s2 =	sadd.s32 s2, s17  }
0x8e: {  	[smem:$0x3FC0] =	sst s2  }
0x8f: {  	_ = 	snop  }
0x90: {  	s2 =	sld [smem:$0x3FD0];
	(tm) =	ssettm $0x1  }
0x91: {  	s18 =	sld [smem:$0x3FFB];
	_ =	sdelay $0x3  }
0x92: {  	_ =	strace s18  }
0x93: {  	s3 =	sld [smem:$0x3FFC];
	_ =	sdelay $0x3  }
0x94: {  	_ =	strace s3  }
0x95: {  	s3 =	sld [smem:$0x3FFD];
	_ =	sdelay $0x3  }
0x96: {  	_ =	strace s3  }
0x97: {  	_ =	strace $0x8FFFFFFF  }
0x98: {  	s19 =	sld [smem:$0x3FDB];
	_ =	sdelay $0x1  }
0x99: {  	s4 =	simm.s32 $_scs_section_size  }
0x9a: {  	s5 =	simm.s32 $_size__tile_overlayer_lowered;
	s6 =	simm.s32 $_tile_overlayer_lowered  }
0x9b: {  	s22 =	simm.s32 $0x1BFF;
	s21 =	sshll.u32 s6, $0x1;
	s3 =	sadd.s32 s4, s19  }
0x9c: {  	s7 =	simm.s32 $0x0;
	s20 =	sshll.u32 s5, $0x1;
	s5 =	sadd.s32 s21, s3  }
0x9d: {  	[timem:s7], [sflag:s22] =	dma.local [hbm:s5], s20  }
0x9e: {  	_ =	swait.ge [sflag:s22], s20  }
0x9f: {  	s4 =	ssub.s32 $0x0, s20;
	[sflag:s22] =	ssyncset.done $0x0  }
0xa0: {  	[sflag:s22] =	ssyncadd.s32 s4;
	_ =	sdelay $0x1  }
0xa1: {  	s23 =	simm.s32 $0x1B8B  }
0xa2: {  	_ =	swait.ge [sflag:s23], $0x1  }
0xa3: {  	[sflag:s23] =	ssyncset.done $0x0  }
0xa4: {  	s25 =	simm.s32 $0x1B8E;
	s24 =	sld [smem:$0x3FFE];
	[sflag:s23] =	ssyncadd.s32 $0xFFFFFFFF  }
0xa5: {  	s26 =	simm.s32 $execute0_lowered;
	[smem:$0x3FD2] =	sst s25  }
0xa6: {  	s5 =	sshll.u32 s26, $0x1;
	_ =	strace $0x80000049;
	[dreg:$0x1] =	wrdreg $0xFFFFFFFF  }
0xa7: {  	s28 =	simm.s32 $_size_execute0_lowered;
	s3 =	sadd.s32 s3, s5;
	[dreg:$0x0] =	wrdreg $0x0  }
0xa8: {  	s5 =	sshll.u32 s28, $0x1;
	[dreg:$0x2] =	wrdreg s3  }
0xa9: {  	[dreg:$0x3] =	wrdreg s5  }
0xaa: {  	[dreg:$0x4] =	wrdreg $0xC0  }
0xab: {  	_ =	task [dreg:s7], $0x5FFFF  }
0xac: {  	[dreg:$0x1] =	wrdreg $0xFFFFFFFF  }
0xad: {  	[dreg:$0x0] =	wrdreg $0x60  }
0xae: {  	[dreg:$0x2] =	wrdreg s24  }
0xaf: {  	[dreg:$0x3] =	wrdreg s2  }
0xb0: {  	[dreg:$0x4] =	wrdreg $0x0  }
0xb1: {  	[dreg:$0x5] =	wrdreg $0x9  }
0xb2: {  	_ =	task.clear_ibuf [dreg:s7], $0x6FFFF;
	_ =	strace $0x90000049  }
0xb3: {  	s29 =	simm.s32 $0x9;
	_ =	strace $0x8000004B  }
0xb4: {  	_ =	swait.ge [sflag:s29], $0x1  }
0xb5: {  	[sflag:s29] =	ssyncadd.s32 $0xFFFFFFFF  }
0xb6: {  	_ =	strace $0x9000004B  }
0xb7: {  	_ =	sfence  }
0xb8: {  	s30 =	sld [smem:$0x0];
	_ =	sdelay $0x2  }
0xb9: {  	s31 =	sshll.u32 s1, $0xD;
	s1 =	sshrl.u32 s1, $0x2  }
0xba: {  	s3 =	sand.u32 $0x4000, s31;
	s1 =	sadd.s32 s1, s30  }
0xbb: {  	s0 =	sor.u32 s3, s0;
	s1 =	sshll.u32 s1, $0x11  }
0xbc: {  	s0 =	sor.u32 s1, s0  }
0xbd: {  	s0 =	sadd.s32 $0x8F2B, s0  }
0xbe: {  	[sflag:s0] =	ssyncadd.remote.s32 $0x1  }
0xbf: {  	_ =	sfence.sel $0xFFFF  }
0xc0: {  	[dreg:$0x0] =	wrdreg $0xFFFFFFFF;
	(pc) =	sbr.abs _section_cstart, $3  }
0xc1: {  	[dreg:$0x1] =	wrdreg $0xFFFFFFFF  }
0xc2: {  	_ =	task.clear_ibuf [dreg:s7], $0x2FFFF;
	_ =	strace $0x9FFFFFFF  }
0xc3: {  	(tm) =	ssettm $0x7FFFFFFF  }
tec
execute0_lowered:
.L_overlay_start_1:
0x0: {  	(tag) =	ssettag $0x1  }
0x1: {  	s0 =	rddreg [dreg:$0x0]  }
0x2: {  	s2 =	rddreg [dreg:$0x1]  }
0x3: {  	s1 =	rddreg [dreg:$0x2]  }
0x4: {  	s3 =	srdreg.scid;
	s9 =	stileid.u32;
	s16 =	simm.s32 $0x16800  }
0x5: {  	s28 =	simm.s32 $0x1;
	s29 =	simm.s32 $0x1A800;
	s30 =	simm.s32 $0x1B800  }
0x6: {  	s31 =	simm.s32 $0x1C800;
	s12 =	simm.s32 $0x16780;
	s5 =	sand.u32 $0x1, s3  }
0x7: {  	s3 =	simm.s32 $0x0;
	s7 =	smul.u32 $0x14000, s9;
	s4 =	sadd.s32 $0xCE00, s0  }
0x8: {  	s8 =	sadd.s32 $0x2E00, s0;
	s17 =	sshll.u32 s9, $0x1;
	s9 =	smul.u32 $0x50000, s9  }
0x9: {  	s6 =	smul.u32 $0x140000, s5;
	[smem:$0x7FF] =	sst s3;
	s10 =	ssub.s32 $0x2, s5  }
0xa: {  	s5 =	sor.u32 s5, s17;
	s17 =	simm.s32 $0x3;
	_ =	strace $0x8000004A  }
0xb: {  	s18 =	sshrl.u32 s10, $0x1;
	s9 =	sshrl.u32 s9, $0x2;
	s11 =	smul.u32 $0x2800, s5  }
0xc: {  	s6 =	sadd.s32 s7, s6;
	s19 =	ssub.s32 s10, s18;
	s5 =	sadd.s32 s9, s1  }
0xd: {  	s18 =	simm.s32 $0x14000;
	s10 =	simm.s32 $0x153E0;
	s20 =	sadd.s32 $0x4000, s5  }
0xe: {  	s6 =	sshrl.u32 s6, $0x3;
	s21 =	sadd.s32 $0x8000, s5;
	[dreg:$0x4] =	wrdreg s20  }
0xf: {  	s22 =	sshrl.u32 s11, $0x3;
	s9 =	sadd.s32 $0xC000, s5;
	[dreg:$0x5] =	wrdreg s21  }
0x10: {  	s23 =	sadd.s32 $0x10000, s5;
	s15 =	smax.u32 s19, $0x1;
	[dreg:$0x6] =	wrdreg s9  }
0x11: {  	s11 =	simm.s32 $0x16700;
	s0 =	sadd.s32 s6, s0;
	[dreg:$0x7] =	wrdreg s23  }
0x12: {  	s24 =	sadd.s32 $0x280, s22;
	s25 =	sadd.s32 s2, s22;
	s7 =	sadd.s32 s8, s22  }
0x13: {  	s20 =	simm.s32 $0x20;
	s21 =	simm.s32 $0x14020;
	s22 =	simm.s32 $0x17800  }
0x14: {  	s23 =	simm.s32 $0x14040;
	s6 =	simm.s32 $0x2;
	[dreg:$0x8] =	wrdreg s25  }
0x15: {  	s9 =	simm.s32 $0x153C0;
	[dreg:$0x9] =	wrdreg s7;
	s2 =	sadd.s32 s2, s24  }
0x16: {  	s26 =	sadd.s32 s8, s24;
	s0 =	sadd.s32 $0x34E00, s0;
	[dreg:$0xa] =	wrdreg s2  }
0x17: {  	s24 =	simm.s32 $0x18800;
	s25 =	simm.s32 $0x14060;
	[dreg:$0xb] =	wrdreg s26  }
0x18: {  	s7 =	simm.s32 $0x15380;
	s8 =	simm.s32 $0x153A0;
	[dreg:$0xc] =	wrdreg s0  }
0x19: {  	v0 =	vimm.f32 $0.0e+00;
	s26 =	simm.s32 $0x19800;
	s0 =	simm.s32 $0x1D800;
	s2 =	simm.s32 $0x80  }
.LBB2_1:
0x1a: {  	s13 =	simm.s32 $0x0;
	s19 =	simm.s32 $0x200  }
.LBB2_2:
0x1b: {  	p0 =	sne.s32 s19, $0xFE00;
	[tilespmem:s13+$0x16870] =	vst v0  }
0x1c: {  	[tilespmem:s13+$0x16800] =	vst v0  }
0x1d: {  	[tilespmem:s13+$0x16810] =	vst v0  }
.Ltmp0:
0x1e: {  	[tilespmem:s13+$0x16820] =	vst v0;
	(pc) =	sbr.rel @p0 .LBB2_2-.Ltmp0, $4  }
0x1f: {  	[tilespmem:s13+$0x16830] =	vst v0  }
0x20: {  	[tilespmem:s13+$0x16840] =	vst v0  }
0x21: {  	[tilespmem:s13+$0x16850] =	vst v0  }
0x22: {  	[tilespmem:s13+$0x16860] =	vst v0;
	s13 =	sshra.s32 s19, $0x2;
	s19 =	sadd.s32 $0x200, s19  }
0x23: {  	[tilespmem:s13+$0x16870] =	vst v0  }
0x24: {  	[tilespmem:s13+$0x16800] =	vst v0  }
0x25: {  	[tilespmem:s13+$0x16810] =	vst v0  }
0x26: {  	[tilespmem:s13+$0x16820] =	vst v0  }
0x27: {  	[tilespmem:s13+$0x16830] =	vst v0  }
0x28: {  	[tilespmem:s13+$0x16840] =	vst v0  }
0x29: {  	[tilespmem:s13+$0x16850] =	vst v0  }
0x2a: {  	[tilespmem:s13+$0x16860] =	vst v0  }
0x2b: {  	[spmem:s5] =	stream.linear.scatter [tilespmem:s16], [sflag:$0x3], $0x4000, $0x38;
	[tilespmem:$0x1E800] =	vst v63  }
0x2c: {  	_ =	swait.ge [sflag:s17], $0x4000  }
0x2d: {  	[sflag:s17] =	ssyncset.done $0x0  }
0x2e: {  	s14 =	rddreg [dreg:$0x4];
	[sflag:s17] =	ssyncadd.s32 $0xFFFFC000  }
0x2f: {  	[spmem:s14] =	stream.linear.scatter [tilespmem:s16], [sflag:$0x3], $0x4000, $0x38;
	[tilespmem:$0x1E800] =	vst v63  }
0x30: {  	_ =	swait.ge [sflag:s17], $0x4000  }
0x31: {  	[sflag:s17] =	ssyncset.done $0x0  }
0x32: {  	s19 =	rddreg [dreg:$0x5];
	[sflag:s17] =	ssyncadd.s32 $0xFFFFC000  }
0x33: {  	[spmem:s19] =	stream.linear.scatter [tilespmem:s16], [sflag:$0x3], $0x4000, $0x38;
	[tilespmem:$0x1E800] =	vst v63  }
0x34: {  	_ =	swait.ge [sflag:s17], $0x4000  }
0x35: {  	[sflag:s17] =	ssyncset.done $0x0  }
0x36: {  	s14 =	rddreg [dreg:$0x6];
	[sflag:s17] =	ssyncadd.s32 $0xFFFFC000  }
0x37: {  	[spmem:s14] =	stream.linear.scatter [tilespmem:s16], [sflag:$0x3], $0x4000, $0x38;
	[tilespmem:$0x1E800] =	vst v63  }
0x38: {  	_ =	swait.ge [sflag:s17], $0x4000  }
0x39: {  	[sflag:s17] =	ssyncset.done $0x0  }
0x3a: {  	s19 =	rddreg [dreg:$0x7];
	[sflag:s17] =	ssyncadd.s32 $0xFFFFC000  }
0x3b: {  	[spmem:s19] =	stream.linear.scatter [tilespmem:s16], [sflag:$0x3], $0x4000, $0x38;
	[tilespmem:$0x1E800] =	vst v63  }
0x3c: {  	_ =	swait.ge [sflag:s17], $0x4000  }
0x3d: {  	[sflag:s17] =	ssyncset.done $0x0  }
0x3e: {  	[sflag:s17] =	ssyncadd.s32 $0xFFFFC000  }
0x3f: {  	[bflag:$0x0] =	sbarrier.arrive $0xFFFF  }
0x40: {  	s13 =	simm.s32 $0x0;
	s14 =	rddreg [dreg:$0x8]  }
0x41: {  	[tilespmem:s18], [sflag:$0x3] =	stream.linear.gather [hbm4b:s14+s13], $0x1400, $0x38;
	[tilespmem:$0x1E800] =	vst v63  }
0x42: {  	_ =	swait.ge [sflag:s17], $0x1400  }
0x43: {  	[sflag:s17] =	ssyncset.done $0x0  }
0x44: {  	s19 =	simm.s32 $0x15400;
	s14 =	rddreg [dreg:$0x9];
	[sflag:s17] =	ssyncadd.s32 $0xFFFFEC00  }
0x45: {  	[tilespmem:s19], [sflag:$0x3] =	stream.linear.gather [hbm4b:s14+s13], $0x1400, $0x38;
	[tilespmem:$0x1E800] =	vst v63  }
0x46: {  	_ =	swait.ge [sflag:s17], $0x1400  }
0x47: {  	[sflag:s17] =	ssyncset.done $0x0  }
0x48: {  	[sflag:s17] =	ssyncadd.s32 $0xFFFFEC00  }
0x49: {  	[tilespmem:s16], [sflag:$0x1] =	stream.indirect.gather [hbm4b:s4+s20], $0x80, s18, s20, $0xb8;
	[tilespmem:$0x1E800] =	vst v63  }
0x4a: {  	_ = 	snop  }
0x4b: {  	[tilespmem:s22], [sflag:$0x1] =	stream.indirect.gather [hbm4b:s4+s20], $0x80, s21, s20, $0xb8;
	[tilespmem:$0x1E800] =	vst v63  }
0x4c: {  	_ = 	snop  }
0x4d: {  	[tilespmem:s24], [sflag:$0x1] =	stream.indirect.gather [hbm4b:s4+s20], $0x80, s23, s20, $0xb8;
	[tilespmem:$0x1E800] =	vst v63  }
0x4e: {  	_ = 	snop  }
0x4f: {  	[tilespmem:s26], [sflag:$0x1] =	stream.indirect.gather [hbm4b:s4+s20], $0x80, s25, s20, $0xb8;
	[tilespmem:$0x1E800] =	vst v63  }
0x50: {  	_ =	swait.ge [sflag:s28], $0x4000  }
0x51: {  	[sflag:s28] =	ssyncset.done $0x0  }
0x52: {  	s14 =	simm.s32 $0x14080;
	[sflag:s28] =	ssyncadd.s32 $0xFFFFC000  }
0x53: {  	[tilespmem:s29], [sflag:$0x2] =	stream.indirect.gather [hbm4b:s4+s20], $0x80, s14, s20, $0xb8;
	[tilespmem:$0x1E800] =	vst v63  }
0x54: {  	s19 =	simm.s32 $0x140A0  }
0x55: {  	[tilespmem:s30], [sflag:$0x2] =	stream.indirect.gather [hbm4b:s4+s20], $0x80, s19, s20, $0xb8;
	[tilespmem:$0x1E800] =	vst v63  }
0x56: {  	s14 =	simm.s32 $0x140C0  }
0x57: {  	[tilespmem:s31], [sflag:$0x2] =	stream.indirect.gather [hbm4b:s4+s20], $0x80, s14, s20, $0xb8;
	[tilespmem:$0x1E800] =	vst v63  }
0x58: {  	s19 =	simm.s32 $0x140E0  }
0x59: {  	[tilespmem:s0], [sflag:$0x2] =	stream.indirect.gather [hbm4b:s4+s20], $0x80, s19, s20, $0xb8;
	[tilespmem:$0x1E800] =	vst v63  }
0x5a: {  	s14 =	simm.s32 $0x15400  }
0x5b: {  	[spmem:s1] =	stream.indirect.scatter.add.f32 [tilespmem:s16], [sflag:$0x3], $0x80, s14, s2, $0xb8;
	[tilespmem:$0x1E800] =	vst v63  }
0x5c: {  	_ =	swait.ge [sflag:s17], $0x4000  }
0x5d: {  	[sflag:s17] =	ssyncset.done $0x0  }
0x5e: {  	[sflag:s17] =	ssyncadd.s32 $0xFFFFC000  }
0x5f: {  	_ =	swait.ge [sflag:s6], $0x4000  }
0x60: {  	[sflag:s6] =	ssyncset.done $0x0  }
0x61: {  	s19 =	simm.s32 $0x14100;
	[sflag:s6] =	ssyncadd.s32 $0xFFFFC000  }
0x62: {  	[tilespmem:s16], [sflag:$0x1] =	stream.indirect.gather [hbm4b:s4+s20], $0x80, s19, s20, $0xb8;
	[tilespmem:$0x1E800] =	vst v63  }
0x63: {  	s14 =	simm.s32 $0x14120  }
0x64: {  	[tilespmem:s22], [sflag:$0x1] =	stream.indirect.gather [hbm4b:s4+s20], $0x80, s14, s20, $0xb8;
	[tilespmem:$0x1E800] =	vst v63  }
0x65: {  	s19 =	simm.s32 $0x14140  }
0x66: {  	[tilespmem:s24], [sflag:$0x1] =	stream.indirect.gather [hbm4b:s4+s20], $0x80, s19, s20, $0xb8;
	[tilespmem:$0x1E800] =	vst v63  }
0x67: {  	s14 =	simm.s32 $0x14160  }
0x68: {  	[tilespmem:s26], [sflag:$0x1] =	stream.indirect.gather [hbm4b:s4+s20], $0x80, s14, s20, $0xb8;
	[tilespmem:$0x1E800] =	vst v63  }
0x69: {  	s19 =	simm.s32 $0x15480  }
0x6a: {  	[spmem:s1] =	stream.indirect.scatter.add.f32 [tilespmem:s29], [sflag:$0x3], $0x80, s19, s2, $0xb8;
	[tilespmem:$0x1E800] =	vst v63  }
0x6b: {  	_ =	swait.ge [sflag:s17], $0x4000  }
0x6c: {  	s13 =	simm.s32 $0x400;
	[sflag:s17] =	ssyncset.done $0x0  }
.LBB2_4:
0x6d: {  	p0 =	sne.s32 s13, $0x4800  }
0x6e: {  	[sflag:s17] =	ssyncadd.s32 $0xFFFFC000;
	s19 =	smov.u32 s13;
	s13 =	sadd.s32 $0x400, s13  }
0x6f: {  	_ = 	snop  }
0x70: {  	_ =	swait.ge [sflag:s28], $0x4000  }
0x71: {  	s19 =	sshra.s32 s19, $0x2;
	[sflag:s28] =	ssyncset.done $0x0  }
0x72: {  	s14 =	sadd.s32 $0x14080, s19;
	[sflag:s28] =	ssyncadd.s32 $0xFFFFC000  }
0x73: {  	[tilespmem:s29], [sflag:$0x2] =	stream.indirect.gather [hbm4b:s4+s20], $0x80, s14, s20, $0xb8;
	[tilespmem:$0x1E800] =	vst v63  }
0x74: {  	s14 =	sadd.s32 $0x140A0, s19  }
0x75: {  	[tilespmem:s30], [sflag:$0x2] =	stream.indirect.gather [hbm4b:s4+s20], $0x80, s14, s20, $0xb8;
	[tilespmem:$0x1E800] =	vst v63  }
0x76: {  	s14 =	sadd.s32 $0x140C0, s19  }
0x77: {  	[tilespmem:s31], [sflag:$0x2] =	stream.indirect.gather [hbm4b:s4+s20], $0x80, s14, s20, $0xb8;
	[tilespmem:$0x1E800] =	vst v63  }
0x78: {  	s14 =	sadd.s32 $0x140E0, s19  }
0x79: {  	[tilespmem:s0], [sflag:$0x2] =	stream.indirect.gather [hbm4b:s4+s20], $0x80, s14, s20, $0xb8;
	[tilespmem:$0x1E800] =	vst v63  }
0x7a: {  	s14 =	sadd.s32 $0x15400, s19  }
0x7b: {  	[spmem:s1] =	stream.indirect.scatter.add.f32 [tilespmem:s16], [sflag:$0x3], $0x80, s14, s2, $0xb8;
	[tilespmem:$0x1E800] =	vst v63  }
0x7c: {  	_ =	swait.ge [sflag:s17], $0x4000  }
0x7d: {  	[sflag:s17] =	ssyncset.done $0x0  }
0x7e: {  	[sflag:s17] =	ssyncadd.s32 $0xFFFFC000  }
0x7f: {  	_ =	swait.ge [sflag:s6], $0x4000  }
0x80: {  	[sflag:s6] =	ssyncset.done $0x0  }
0x81: {  	s14 =	sadd.s32 $0x14100, s19;
	[sflag:s6] =	ssyncadd.s32 $0xFFFFC000  }
0x82: {  	[tilespmem:s16], [sflag:$0x1] =	stream.indirect.gather [hbm4b:s4+s20], $0x80, s14, s20, $0xb8;
	[tilespmem:$0x1E800] =	vst v63  }
0x83: {  	s14 =	sadd.s32 $0x14120, s19  }
0x84: {  	[tilespmem:s22], [sflag:$0x1] =	stream.indirect.gather [hbm4b:s4+s20], $0x80, s14, s20, $0xb8;
	[tilespmem:$0x1E800] =	vst v63  }
0x85: {  	s14 =	sadd.s32 $0x14140, s19  }
0x86: {  	[tilespmem:s24], [sflag:$0x1] =	stream.indirect.gather [hbm4b:s4+s20], $0x80, s14, s20, $0xb8;
	[tilespmem:$0x1E800] =	vst v63  }
0x87: {  	s14 =	sadd.s32 $0x14160, s19  }
0x88: {  	[tilespmem:s26], [sflag:$0x1] =	stream.indirect.gather [hbm4b:s4+s20], $0x80, s14, s20, $0xb8;
	[tilespmem:$0x1E800] =	vst v63  }
.Ltmp1:
0x89: {  	_ = 	snop;
	(pc) =	sbr.rel @p0 .LBB2_4-.Ltmp1, $4  }
0x8a: {  	s14 =	sadd.s32 $0x15480, s19  }
0x8b: {  	[spmem:s1] =	stream.indirect.scatter.add.f32 [tilespmem:s29], [sflag:$0x3], $0x80, s14, s2, $0xb8;
	[tilespmem:$0x1E800] =	vst v63  }
0x8c: {  	_ =	swait.ge [sflag:s17], $0x4000  }
0x8d: {  	[sflag:s17] =	ssyncset.done $0x0  }
0x8e: {  	[sflag:s17] =	ssyncadd.s32 $0xFFFFC000  }
0x8f: {  	_ =	swait.ge [sflag:s28], $0x4000  }
0x90: {  	[sflag:s28] =	ssyncset.done $0x0  }
0x91: {  	[sflag:s28] =	ssyncadd.s32 $0xFFFFC000  }
0x92: {  	[tilespmem:s29], [sflag:$0x2] =	stream.indirect.gather [hbm4b:s4+s20], $0x80, s7, s20, $0xb8;
	[tilespmem:$0x1E800] =	vst v63  }
0x93: {  	_ = 	snop  }
0x94: {  	[tilespmem:s30], [sflag:$0x2] =	stream.indirect.gather [hbm4b:s4+s20], $0x80, s8, s20, $0xb8;
	[tilespmem:$0x1E800] =	vst v63  }
0x95: {  	_ = 	snop  }
0x96: {  	[tilespmem:s31], [sflag:$0x2] =	stream.indirect.gather [hbm4b:s4+s20], $0x80, s9, s20, $0xb8;
	[tilespmem:$0x1E800] =	vst v63  }
0x97: {  	_ = 	snop  }
0x98: {  	[tilespmem:s0], [sflag:$0x2] =	stream.indirect.gather [hbm4b:s4+s20], $0x80, s10, s20, $0xb8;
	[tilespmem:$0x1E800] =	vst v63  }
0x99: {  	_ = 	snop  }
0x9a: {  	[spmem:s1] =	stream.indirect.scatter.add.f32 [tilespmem:s16], [sflag:$0x3], $0x80, s11, s2, $0xb8;
	[tilespmem:$0x1E800] =	vst v63  }
0x9b: {  	_ =	swait.ge [sflag:s17], $0x4000  }
0x9c: {  	[sflag:s17] =	ssyncset.done $0x0  }
0x9d: {  	[sflag:s17] =	ssyncadd.s32 $0xFFFFC000  }
0x9e: {  	_ =	swait.ge [sflag:s6], $0x4000  }
0x9f: {  	[sflag:s6] =	ssyncset.done $0x0  }
0xa0: {  	[sflag:s6] =	ssyncadd.s32 $0xFFFFC000  }
0xa1: {  	[spmem:s1] =	stream.indirect.scatter.add.f32 [tilespmem:s29], [sflag:$0x3], $0x80, s12, s2, $0xb8;
	[tilespmem:$0x1E800] =	vst v63  }
0xa2: {  	_ =	swait.ge [sflag:s17], $0x4000  }
0xa3: {  	[sflag:s17] =	ssyncset.done $0x0  }
0xa4: {  	s13 =	simm.s32 $0x0;
	s14 =	rddreg [dreg:$0xa];
	[sflag:s17] =	ssyncadd.s32 $0xFFFFC000  }
0xa5: {  	[tilespmem:s18], [sflag:$0x3] =	stream.linear.gather [hbm4b:s14+s13], $0x1400, $0x38;
	[tilespmem:$0x1E800] =	vst v63  }
0xa6: {  	_ =	swait.ge [sflag:s17], $0x1400  }
0xa7: {  	[sflag:s17] =	ssyncset.done $0x0  }
0xa8: {  	s19 =	simm.s32 $0x15400;
	s14 =	rddreg [dreg:$0xb];
	[sflag:s17] =	ssyncadd.s32 $0xFFFFEC00  }
0xa9: {  	[tilespmem:s19], [sflag:$0x3] =	stream.linear.gather [hbm4b:s14+s13], $0x1400, $0x38;
	[tilespmem:$0x1E800] =	vst v63  }
0xaa: {  	_ =	swait.ge [sflag:s17], $0x1400  }
0xab: {  	[sflag:s17] =	ssyncset.done $0x0  }
0xac: {  	[sflag:s17] =	ssyncadd.s32 $0xFFFFEC00  }
0xad: {  	[tilespmem:s16], [sflag:$0x1] =	stream.indirect.gather [hbm4b:s4+s20], $0x80, s18, s20, $0xb8;
	[tilespmem:$0x1E800] =	vst v63  }
0xae: {  	_ = 	snop  }
0xaf: {  	[tilespmem:s22], [sflag:$0x1] =	stream.indirect.gather [hbm4b:s4+s20], $0x80, s21, s20, $0xb8;
	[tilespmem:$0x1E800] =	vst v63  }
0xb0: {  	_ = 	snop  }
0xb1: {  	[tilespmem:s24], [sflag:$0x1] =	stream.indirect.gather [hbm4b:s4+s20], $0x80, s23, s20, $0xb8;
	[tilespmem:$0x1E800] =	vst v63  }
0xb2: {  	_ = 	snop  }
0xb3: {  	[tilespmem:s26], [sflag:$0x1] =	stream.indirect.gather [hbm4b:s4+s20], $0x80, s25, s20, $0xb8;
	[tilespmem:$0x1E800] =	vst v63  }
0xb4: {  	_ =	swait.ge [sflag:s28], $0x4000  }
0xb5: {  	[sflag:s28] =	ssyncset.done $0x0  }
0xb6: {  	s14 =	simm.s32 $0x14080;
	[sflag:s28] =	ssyncadd.s32 $0xFFFFC000  }
0xb7: {  	[tilespmem:s29], [sflag:$0x2] =	stream.indirect.gather [hbm4b:s4+s20], $0x80, s14, s20, $0xb8;
	[tilespmem:$0x1E800] =	vst v63  }
0xb8: {  	s19 =	simm.s32 $0x140A0  }
0xb9: {  	[tilespmem:s30], [sflag:$0x2] =	stream.indirect.gather [hbm4b:s4+s20], $0x80, s19, s20, $0xb8;
	[tilespmem:$0x1E800] =	vst v63  }
0xba: {  	s14 =	simm.s32 $0x140C0  }
0xbb: {  	[tilespmem:s31], [sflag:$0x2] =	stream.indirect.gather [hbm4b:s4+s20], $0x80, s14, s20, $0xb8;
	[tilespmem:$0x1E800] =	vst v63  }
0xbc: {  	s19 =	simm.s32 $0x140E0  }
0xbd: {  	[tilespmem:s0], [sflag:$0x2] =	stream.indirect.gather [hbm4b:s4+s20], $0x80, s19, s20, $0xb8;
	[tilespmem:$0x1E800] =	vst v63  }
0xbe: {  	s14 =	simm.s32 $0x15400  }
0xbf: {  	[spmem:s1] =	stream.indirect.scatter.add.f32 [tilespmem:s16], [sflag:$0x3], $0x80, s14, s2, $0xb8;
	[tilespmem:$0x1E800] =	vst v63  }
0xc0: {  	_ =	swait.ge [sflag:s17], $0x4000  }
0xc1: {  	[sflag:s17] =	ssyncset.done $0x0  }
0xc2: {  	[sflag:s17] =	ssyncadd.s32 $0xFFFFC000  }
0xc3: {  	_ =	swait.ge [sflag:s6], $0x4000  }
0xc4: {  	[sflag:s6] =	ssyncset.done $0x0  }
0xc5: {  	s19 =	simm.s32 $0x14100;
	[sflag:s6] =	ssyncadd.s32 $0xFFFFC000  }
0xc6: {  	[tilespmem:s16], [sflag:$0x1] =	stream.indirect.gather [hbm4b:s4+s20], $0x80, s19, s20, $0xb8;
	[tilespmem:$0x1E800] =	vst v63  }
0xc7: {  	s14 =	simm.s32 $0x14120  }
0xc8: {  	[tilespmem:s22], [sflag:$0x1] =	stream.indirect.gather [hbm4b:s4+s20], $0x80, s14, s20, $0xb8;
	[tilespmem:$0x1E800] =	vst v63  }
0xc9: {  	s19 =	simm.s32 $0x14140  }
0xca: {  	[tilespmem:s24], [sflag:$0x1] =	stream.indirect.gather [hbm4b:s4+s20], $0x80, s19, s20, $0xb8;
	[tilespmem:$0x1E800] =	vst v63  }
0xcb: {  	s14 =	simm.s32 $0x14160  }
0xcc: {  	[tilespmem:s26], [sflag:$0x1] =	stream.indirect.gather [hbm4b:s4+s20], $0x80, s14, s20, $0xb8;
	[tilespmem:$0x1E800] =	vst v63  }
0xcd: {  	s19 =	simm.s32 $0x15480  }
0xce: {  	[spmem:s1] =	stream.indirect.scatter.add.f32 [tilespmem:s29], [sflag:$0x3], $0x80, s19, s2, $0xb8;
	[tilespmem:$0x1E800] =	vst v63  }
0xcf: {  	_ =	swait.ge [sflag:s17], $0x4000  }
0xd0: {  	s13 =	simm.s32 $0x400;
	[sflag:s17] =	ssyncset.done $0x0  }
.LBB2_6:
0xd1: {  	p0 =	sne.s32 s13, $0x4800  }
0xd2: {  	[sflag:s17] =	ssyncadd.s32 $0xFFFFC000;
	s14 =	smov.u32 s13;
	s13 =	sadd.s32 $0x400, s13  }
0xd3: {  	_ = 	snop  }
0xd4: {  	_ =	swait.ge [sflag:s28], $0x4000  }
0xd5: {  	s14 =	sshra.s32 s14, $0x2;
	[sflag:s28] =	ssyncset.done $0x0  }
0xd6: {  	s19 =	sadd.s32 $0x14080, s14;
	[sflag:s28] =	ssyncadd.s32 $0xFFFFC000  }
0xd7: {  	[tilespmem:s29], [sflag:$0x2] =	stream.indirect.gather [hbm4b:s4+s20], $0x80, s19, s20, $0xb8;
	[tilespmem:$0x1E800] =	vst v63  }
0xd8: {  	s19 =	sadd.s32 $0x140A0, s14  }
0xd9: {  	[tilespmem:s30], [sflag:$0x2] =	stream.indirect.gather [hbm4b:s4+s20], $0x80, s19, s20, $0xb8;
	[tilespmem:$0x1E800] =	vst v63  }
0xda: {  	s19 =	sadd.s32 $0x140C0, s14  }
0xdb: {  	[tilespmem:s31], [sflag:$0x2] =	stream.indirect.gather [hbm4b:s4+s20], $0x80, s19, s20, $0xb8;
	[tilespmem:$0x1E800] =	vst v63  }
0xdc: {  	s19 =	sadd.s32 $0x140E0, s14  }
0xdd: {  	[tilespmem:s0], [sflag:$0x2] =	stream.indirect.gather [hbm4b:s4+s20], $0x80, s19, s20, $0xb8;
	[tilespmem:$0x1E800] =	vst v63  }
0xde: {  	s19 =	sadd.s32 $0x15400, s14  }
0xdf: {  	[spmem:s1] =	stream.indirect.scatter.add.f32 [tilespmem:s16], [sflag:$0x3], $0x80, s19, s2, $0xb8;
	[tilespmem:$0x1E800] =	vst v63  }
0xe0: {  	_ =	swait.ge [sflag:s17], $0x4000  }
0xe1: {  	[sflag:s17] =	ssyncset.done $0x0  }
0xe2: {  	[sflag:s17] =	ssyncadd.s32 $0xFFFFC000  }
0xe3: {  	_ =	swait.ge [sflag:s6], $0x4000  }
0xe4: {  	[sflag:s6] =	ssyncset.done $0x0  }
0xe5: {  	s19 =	sadd.s32 $0x14100, s14;
	[sflag:s6] =	ssyncadd.s32 $0xFFFFC000  }
0xe6: {  	[tilespmem:s16], [sflag:$0x1] =	stream.indirect.gather [hbm4b:s4+s20], $0x80, s19, s20, $0xb8;
	[tilespmem:$0x1E800] =	vst v63  }
0xe7: {  	s19 =	sadd.s32 $0x14120, s14  }
0xe8: {  	[tilespmem:s22], [sflag:$0x1] =	stream.indirect.gather [hbm4b:s4+s20], $0x80, s19, s20, $0xb8;
	[tilespmem:$0x1E800] =	vst v63  }
0xe9: {  	s19 =	sadd.s32 $0x14140, s14  }
0xea: {  	[tilespmem:s24], [sflag:$0x1] =	stream.indirect.gather [hbm4b:s4+s20], $0x80, s19, s20, $0xb8;
	[tilespmem:$0x1E800] =	vst v63  }
0xeb: {  	s19 =	sadd.s32 $0x14160, s14  }
0xec: {  	[tilespmem:s26], [sflag:$0x1] =	stream.indirect.gather [hbm4b:s4+s20], $0x80, s19, s20, $0xb8;
	[tilespmem:$0x1E800] =	vst v63  }
.Ltmp2:
0xed: {  	_ = 	snop;
	(pc) =	sbr.rel @p0 .LBB2_6-.Ltmp2, $4  }
0xee: {  	s14 =	sadd.s32 $0x15480, s14  }
0xef: {  	[spmem:s1] =	stream.indirect.scatter.add.f32 [tilespmem:s29], [sflag:$0x3], $0x80, s14, s2, $0xb8;
	[tilespmem:$0x1E800] =	vst v63  }
0xf0: {  	_ =	swait.ge [sflag:s17], $0x4000  }
0xf1: {  	[sflag:s17] =	ssyncset.done $0x0  }
0xf2: {  	[sflag:s17] =	ssyncadd.s32 $0xFFFFC000  }
0xf3: {  	_ =	swait.ge [sflag:s28], $0x4000  }
0xf4: {  	[sflag:s28] =	ssyncset.done $0x0  }
0xf5: {  	[sflag:s28] =	ssyncadd.s32 $0xFFFFC000  }
0xf6: {  	[tilespmem:s29], [sflag:$0x2] =	stream.indirect.gather [hbm4b:s4+s20], $0x80, s7, s20, $0xb8;
	[tilespmem:$0x1E800] =	vst v63  }
0xf7: {  	_ = 	snop  }
0xf8: {  	[tilespmem:s30], [sflag:$0x2] =	stream.indirect.gather [hbm4b:s4+s20], $0x80, s8, s20, $0xb8;
	[tilespmem:$0x1E800] =	vst v63  }
0xf9: {  	_ = 	snop  }
0xfa: {  	[tilespmem:s31], [sflag:$0x2] =	stream.indirect.gather [hbm4b:s4+s20], $0x80, s9, s20, $0xb8;
	[tilespmem:$0x1E800] =	vst v63  }
0xfb: {  	_ = 	snop  }
0xfc: {  	[tilespmem:s0], [sflag:$0x2] =	stream.indirect.gather [hbm4b:s4+s20], $0x80, s10, s20, $0xb8;
	[tilespmem:$0x1E800] =	vst v63  }
0xfd: {  	_ = 	snop  }
0xfe: {  	[spmem:s1] =	stream.indirect.scatter.add.f32 [tilespmem:s16], [sflag:$0x3], $0x80, s11, s2, $0xb8;
	[tilespmem:$0x1E800] =	vst v63  }
0xff: {  	_ =	swait.ge [sflag:s17], $0x4000  }
0x100: {  	[sflag:s17] =	ssyncset.done $0x0  }
0x101: {  	[sflag:s17] =	ssyncadd.s32 $0xFFFFC000  }
0x102: {  	_ =	swait.ge [sflag:s6], $0x4000  }
0x103: {  	[sflag:s6] =	ssyncset.done $0x0  }
0x104: {  	[sflag:s6] =	ssyncadd.s32 $0xFFFFC000  }
0x105: {  	[spmem:s1] =	stream.indirect.scatter.add.f32 [tilespmem:s29], [sflag:$0x3], $0x80, s12, s2, $0xb8;
	[tilespmem:$0x1E800] =	vst v63  }
0x106: {  	_ =	swait.ge [sflag:s17], $0x4000  }
0x107: {  	s13 =	stileid.u32;
	[sflag:s17] =	ssyncset.done $0x0  }
0x108: {  	s14 =	sshrl.u32 s5, $0x3;
	s3 =	sadd.s32 $0x1, s3;
	[sflag:s17] =	ssyncadd.s32 $0xFFFFC000  }
0x109: {  	s13 =	sshll.u32 s13, $0x6;
	p0 =	sne.s32 s3, s15;
	[bflag:$0x0] =	sbarrier.arrive $0xFFFF  }
.Ltmp3:
0x10a: {  	s13 =	sor.u32 $0x1C03, s13;
	s19 =	rddreg [dreg:$0xc];
	(pc) =	sbr.rel @p0 .LBB2_1-.Ltmp3, $4  }
0x10b: {  	[hbm:s19], [sflag:s13] =	dma.local [spmem:s14], $0x2800  }
0x10c: {  	_ =	swait.ge [sflag:s17], $0x2800  }
0x10d: {  	[sflag:s17] =	ssyncset.done $0x0  }
0x10e: {  	[sflag:s17] =	ssyncadd.s32 $0xFFFFD800  }
0x10f: {  	_ =	sfence.sel $0x180000  }
0x110: {  	[bflag:$0x0] =	sbarrier.arrive $0xFFFF  }
0x111: {  	_ =	strace $0x9000004A  }
0x112: {  	s0 =	stileid.u32;
	[bflag:$0x2] =	sbarrier.arrive $0xFFFF  }
0x113: {  	p0 =	sne.s32 s0, $0x0;
	s0 =	rddreg [dreg:$0x3]  }
0x114: {  	s0 =	sadd.s32 @!p0 $0x100000, s0  }
0x115: {  	[sflag:s0] =	ssyncadd.tile.s32 @!p0 $0x1;
	_ =	shalt  }
.Lfunc_end2:
_tile_overlayer_lowered:
.L_overlay_start_2:
0x116: {  	(tag) =	ssettag $0x2  }
0x117: {  	s0 =	rddreg [dreg:$0x0];
	s2 =	stileid.u32  }
0x118: {  	s1 =	rddreg [dreg:$0x1];
	p0 =	sne.s32 s2, $0x0  }
0x119: {  	s3 =	rddreg [dreg:$0x2];
	[bflag:$0x3] =	sbarrier.arrive $0xFFFF;
	s2 =	simm.s32 @!p0 $0x1C03  }
0x11a: {  	[timem:s3], [sflag:s2] =	dma.local @!p0 [hbm:s0], s1  }
0x11b: {  	s0 =	simm.s32 @!p0 $0x3  }
0x11c: {  	_ =	swait.ge @!p0 [sflag:s0], s1  }
0x11d: {  	s1 =	ssub.s32 @!p0 $0x0, s1;
	[sflag:s0] =	ssyncset.done @!p0 $0x0  }
0x11e: {  	[sflag:s0] =	ssyncadd.s32 @!p0 s1  }
0x11f: {  	[bflag:$0x3] =	sbarrier.arrive $0xFFFF  }
0x120: {  	_ =	shalt  }

// kernel: kernel.15.cloned.1.call-start
scs
__scs_entry_jumppad:
0x0: {  	(pc) =	sbr.rel $0x88, $3  }
0x1: {  	(tag) =	ssettag $0x0;
	lr =	simm.s32 $0x1  }
0x2: {  	[smem:$0x3F99] =	sst lr;
	_ =	strace $0xD0000000  }
0x3: {  	_ = 	snop  }
0x4: {  	_ = 	snop  }
0x5: {  	_ = 	snop  }
0x6: {  	_ = 	snop  }
0x7: {  	_ = 	snop  }
__scs_overlays_trampoline_lowered:
0x8: {  	[smem:$0x3FA8] =	sst s0  }
0x9: {  	[smem:$0x3FA9] =	sst s1  }
0xa: {  	[smem:$0x3FAA] =	sst s2  }
0xb: {  	[smem:$0x3FAB] =	sst s3  }
0xc: {  	[smem:$0x3FAC] =	sst s4  }
0xd: {  	[smem:$0x3FAD] =	sst s5  }
0xe: {  	[smem:$0x3FAE] =	sst s6  }
0xf: {  	[smem:$0x3FAF] =	sst s7  }
0x10: {  	[smem:$0x3FB0] =	sst s8  }
0x11: {  	[smem:$0x3FB1] =	sst s9;
	s0 =	simm.s32 @!p0 $0x0  }
0x12: {  	s1 =	sld [smem:$0x3F97];
	s0 =	simm.s32 @p0 $0x1  }
0x13: {  	[smem:$0x3FB2] =	sst s0;
	s0 =	simm.s32 @!p1 $0x0  }
0x14: {  	s2 =	sld [smem:$0x3F96];
	s0 =	simm.s32 @p1 $0x1  }
0x15: {  	[smem:$0x3FB3] =	sst s0;
	s0 =	simm.s32 @!p2 $0x0  }
0x16: {  	s3 =	sld [smem:$0x3FDB];
	s0 =	simm.s32 @p2 $0x1  }
0x17: {  	s4 =	simm.s32 $0x1BF5;
	[smem:$0x3FB5] =	sst s0  }
0x18: {  	s0 =	sld [smem:$0x3F98];
	_ =	swait.ge [sflag:s4], $0x0  }
0x19: {  	s7 =	sld [smem:$0x3F99]  }
0x1a: {  	s8 =	sadd.s32 $0xFFFFE003, lr  }
0x1b: {  	s9 =	sadd.s32 $0xFFFFFEF7, lr;
	s5 =	simm.s32 $0xFFFFFFFF;
	p2 =	slt.u32 s8, $0xFFFFF086  }
0x1c: {  	p1 =	slt.u32 s9, $0xF7A;
	s5 =	simm.s32 @!p2 $0x0  }
0x1d: {  	s5 =	simm.s32 @p1 $0x1;
	p0 =	seq.s32 s7, s2  }
0x1e: {  	s7 =	smul.u32 @!p0 $0xF7A, s2;
	p2 =	seq.s32 @!p0 s5, $0x0  }
0x1f: {  	s9 =	smul.u32 $0xF7A, s1;
	s8 =	simm.s32 @!p0 $0x1BF5;
	p2 =	por !p2, p0  }
0x20: {  	[sflag:s8] =	ssyncset.s32 @!p0 $0xFFFFF086;
	s6 =	sadd.s32 @!p0 s3, s7;
	s7 =	simm.s32 @!p0 $0x108  }
0x21: {  	s3 =	sadd.s32 s3, s9;
	s6 =	sadd.s32 @!p0 $0x88, s6;
	s7 =	simm.s32 @p2 $0x1082  }
0x22: {  	[simem:s7], [sflag:s8] =	dma.local @!p0 [hbm:s6], $0xF7A  }
0x23: {  	s9 =	sor.u32 $0xD0000000, s2;
	s6 =	simm.s32 $0x108;
	_ =	swait.ge @!p0 [sflag:s8], $0x0  }
0x24: {  	s3 =	sadd.s32 $0x88, s3;
	s6 =	simm.s32 @!p1 $0x1082;
	[sflag:s4] =	ssyncset.s32 $0xFFFFF086  }
0x25: {  	[simem:s6], [sflag:s4] =	dma.local [hbm:s3], $0xF7A  }
0x26: {  	[smem:$0x3F99] =	sst s1;
	(tag) =	ssettag s2;
	_ =	strace s9  }
0x27: {  	s1 =	sld [smem:$0x3FA9]  }
0x28: {  	s2 =	sld [smem:$0x3FAA]  }
0x29: {  	s4 =	sld [smem:$0x3FAC]  }
0x2a: {  	p0 =	seq.s32 s5, $0x0;
	s5 =	sld [smem:$0x3FAD]  }
0x2b: {  	s6 =	sld [smem:$0x3FAE]  }
0x2c: {  	s7 =	sld [smem:$0x3FAF]  }
0x2d: {  	s3 =	simm.s32 $0x108;
	s8 =	sld [smem:$0x3FB0]  }
0x2e: {  	s3 =	simm.s32 @!p0 $0x1082;
	s9 =	sld [smem:$0x3FB1]  }
0x2f: {  	lr =	sadd.s32 s0, s3;
	s0 =	sld [smem:$0x3FA8]  }
0x30: {  	s3 =	sld [smem:$0x3FAB]  }
0x31: {  	[smem:$0x3FB4] =	sst s10  }
0x32: {  	s10 =	sld [smem:$0x3FB2];
	_ =	sdelay $0x3  }
0x33: {  	p0 =	seq.s32 s10, $0x1;
	s10 =	sld [smem:$0x3FB4];
	_ =	sdelay $0x3  }
0x34: {  	[smem:$0x3FB4] =	sst s10  }
0x35: {  	s10 =	sld [smem:$0x3FB3];
	_ =	sdelay $0x3  }
0x36: {  	p1 =	seq.s32 s10, $0x1;
	s10 =	sld [smem:$0x3FB4];
	_ =	sdelay $0x3  }
0x37: {  	[smem:$0x3FB4] =	sst s10  }
0x38: {  	s10 =	sld [smem:$0x3FB5]  }
0x39: {  	_ = 	snop;
	(pc) =	sbr.ind lr, $3  }
0x3a: {  	_ = 	snop  }
0x3b: {  	_ = 	snop  }
0x3c: {  	p2 =	seq.s32 s10, $0x1;
	s10 =	sld [smem:$0x3FB4]  }
0x3d: {  	_ =	shalt  }
0x3e: {  	_ =	shalt  }
0x3f: {  	_ =	shalt  }
0x40: {  	_ =	shalt  }
0x41: {  	_ =	shalt  }
0x42: {  	_ =	shalt  }
0x43: {  	_ =	shalt  }
0x44: {  	_ =	shalt  }
0x45: {  	_ =	shalt  }
0x46: {  	_ =	shalt  }
0x47: {  	_ =	shalt  }
0x48: {  	_ =	shalt  }
0x49: {  	_ =	shalt  }
0x4a: {  	_ =	shalt  }
0x4b: {  	_ =	shalt  }
0x4c: {  	_ =	shalt  }
0x4d: {  	_ =	shalt  }
0x4e: {  	_ =	shalt  }
0x4f: {  	_ =	shalt  }
0x50: {  	_ =	shalt  }
0x51: {  	_ =	shalt  }
0x52: {  	_ =	shalt  }
0x53: {  	_ =	shalt  }
0x54: {  	_ =	shalt  }
0x55: {  	_ =	shalt  }
0x56: {  	_ =	shalt  }
0x57: {  	_ =	shalt  }
0x58: {  	_ =	shalt  }
0x59: {  	_ =	shalt  }
0x5a: {  	_ =	shalt  }
0x5b: {  	_ =	shalt  }
0x5c: {  	_ =	shalt  }
0x5d: {  	_ =	shalt  }
0x5e: {  	_ =	shalt  }
0x5f: {  	_ =	shalt  }
0x60: {  	_ =	shalt  }
0x61: {  	_ =	shalt  }
0x62: {  	_ =	shalt  }
0x63: {  	_ =	shalt  }
0x64: {  	_ =	shalt  }
0x65: {  	_ =	shalt  }
0x66: {  	_ =	shalt  }
0x67: {  	_ =	shalt  }
0x68: {  	_ =	shalt  }
0x69: {  	_ =	shalt  }
0x6a: {  	_ =	shalt  }
0x6b: {  	_ =	shalt  }
0x6c: {  	_ =	shalt  }
0x6d: {  	_ =	shalt  }
0x6e: {  	_ =	shalt  }
0x6f: {  	_ =	shalt  }
0x70: {  	_ =	shalt  }
0x71: {  	_ =	shalt  }
0x72: {  	_ =	shalt  }
0x73: {  	_ =	shalt  }
0x74: {  	_ =	shalt  }
0x75: {  	_ =	shalt  }
0x76: {  	_ =	shalt  }
0x77: {  	_ =	shalt  }
0x78: {  	_ =	shalt  }
0x79: {  	_ =	shalt  }
0x7a: {  	_ =	shalt  }
0x7b: {  	_ =	shalt  }
0x7c: {  	_ =	shalt  }
0x7d: {  	_ =	shalt  }
0x7e: {  	_ =	shalt  }
0x7f: {  	_ =	shalt  }
0x80: {  	_ =	shalt  }
0x81: {  	_ =	shalt  }
0x82: {  	_ =	shalt  }
0x83: {  	_ =	shalt  }
0x84: {  	_ =	shalt  }
0x85: {  	_ =	shalt  }
0x86: {  	_ =	shalt  }
0x87: {  	_ =	shalt  }
.Lfunc_end0:
.L_simem_size_0:
called_computation.2_lowered:
.L_overlay_start_0:
0x88: {  	s2 =	sld [smem:$0x3FD9]  }
0x89: {  	s3 =	sld [smem:$0x3FFE];
	_ =	sdelay $0x1  }
0x8a: {  	s1 =	srdreg.scid  }
0x8b: {  	s0 =	sand.u32 $0x1, s1  }
0x8c: {  	s17 =	sshll.u32 s0, $0xA;
	s2 =	sadd.s32 s3, s2  }
0x8d: {  	s2 =	sadd.s32 s2, s17  }
0x8e: {  	[smem:$0x3FC0] =	sst s2  }
0x8f: {  	_ = 	snop  }
0x90: {  	s2 =	sld [smem:$0x3FD0];
	(tm) =	ssettm $0x1  }
0x91: {  	s18 =	sld [smem:$0x3FFB];
	_ =	sdelay $0x3  }
0x92: {  	_ =	strace s18  }
0x93: {  	s3 =	sld [smem:$0x3FFC];
	_ =	sdelay $0x3  }
0x94: {  	_ =	strace s3  }
0x95: {  	s3 =	sld [smem:$0x3FFD];
	_ =	sdelay $0x3  }
0x96: {  	_ =	strace s3  }
0x97: {  	_ =	strace $0x8FFFFFFF  }
0x98: {  	s19 =	sld [smem:$0x3FDB];
	_ =	sdelay $0x1  }
0x99: {  	s4 =	simm.s32 $_scs_section_size  }
0x9a: {  	s5 =	simm.s32 $_size__tile_overlayer_lowered;
	s6 =	simm.s32 $_tile_overlayer_lowered  }
0x9b: {  	s22 =	simm.s32 $0x1BFF;
	s21 =	sshll.u32 s6, $0x1;
	s3 =	sadd.s32 s4, s19  }
0x9c: {  	s7 =	simm.s32 $0x0;
	s20 =	sshll.u32 s5, $0x1;
	s5 =	sadd.s32 s21, s3  }
0x9d: {  	[timem:s7], [sflag:s22] =	dma.local [hbm:s5], s20  }
0x9e: {  	_ =	swait.ge [sflag:s22], s20  }
0x9f: {  	s4 =	ssub.s32 $0x0, s20;
	[sflag:s22] =	ssyncset.done $0x0  }
0xa0: {  	[sflag:s22] =	ssyncadd.s32 s4;
	_ =	sdelay $0x1  }
0xa1: {  	s23 =	simm.s32 $0x1B8B  }
0xa2: {  	_ =	swait.ge [sflag:s23], $0x1  }
0xa3: {  	[sflag:s23] =	ssyncset.done $0x0  }
0xa4: {  	s25 =	simm.s32 $0x1B8E;
	s24 =	sld [smem:$0x3FFE];
	[sflag:s23] =	ssyncadd.s32 $0xFFFFFFFF  }
0xa5: {  	s26 =	simm.s32 $execute0_lowered;
	[smem:$0x3FD2] =	sst s25  }
0xa6: {  	s5 =	sshll.u32 s26, $0x1;
	_ =	strace $0x8000004C;
	[dreg:$0x1] =	wrdreg $0xFFFFFFFF  }
0xa7: {  	s28 =	simm.s32 $_size_execute0_lowered;
	s3 =	sadd.s32 s3, s5;
	[dreg:$0x0] =	wrdreg $0x0  }
0xa8: {  	s5 =	sshll.u32 s28, $0x1;
	[dreg:$0x2] =	wrdreg s3  }
0xa9: {  	[dreg:$0x3] =	wrdreg s5  }
0xaa: {  	[dreg:$0x4] =	wrdreg $0xC0  }
0xab: {  	_ =	task [dreg:s7], $0x5FFFF  }
0xac: {  	[dreg:$0x1] =	wrdreg $0xFFFFFFFF  }
0xad: {  	[dreg:$0x0] =	wrdreg $0x60  }
0xae: {  	[dreg:$0x2] =	wrdreg s24  }
0xaf: {  	[dreg:$0x3] =	wrdreg s2  }
0xb0: {  	[dreg:$0x4] =	wrdreg $0x0  }
0xb1: {  	[dreg:$0x5] =	wrdreg $0x9  }
0xb2: {  	_ =	task.clear_ibuf [dreg:s7], $0x6FFFF;
	_ =	strace $0x9000004C  }
0xb3: {  	s29 =	simm.s32 $0x9;
	_ =	strace $0x8000004E  }
0xb4: {  	_ =	swait.ge [sflag:s29], $0x1  }
0xb5: {  	[sflag:s29] =	ssyncadd.s32 $0xFFFFFFFF  }
0xb6: {  	_ =	strace $0x9000004E  }
0xb7: {  	_ =	sfence  }
0xb8: {  	s30 =	sld [smem:$0x0];
	_ =	sdelay $0x2  }
0xb9: {  	s31 =	sshll.u32 s1, $0xD;
	s1 =	sshrl.u32 s1, $0x2  }
0xba: {  	s3 =	sand.u32 $0x4000, s31;
	s1 =	sadd.s32 s1, s30  }
0xbb: {  	s0 =	sor.u32 s3, s0;
	s1 =	sshll.u32 s1, $0x11  }
0xbc: {  	s0 =	sor.u32 s1, s0  }
0xbd: {  	s0 =	sadd.s32 $0x8F2B, s0  }
0xbe: {  	[sflag:s0] =	ssyncadd.remote.s32 $0x1  }
0xbf: {  	_ =	sfence.sel $0xFFFF  }
0xc0: {  	[dreg:$0x0] =	wrdreg $0xFFFFFFFF;
	(pc) =	sbr.abs _section_cstart, $3  }
0xc1: {  	[dreg:$0x1] =	wrdreg $0xFFFFFFFF  }
0xc2: {  	_ =	task.clear_ibuf [dreg:s7], $0x2FFFF;
	_ =	strace $0x9FFFFFFF  }
0xc3: {  	(tm) =	ssettm $0x7FFFFFFF  }
tec
execute0_lowered:
.L_overlay_start_1:
0x0: {  	(tag) =	ssettag $0x1  }
0x1: {  	s0 =	rddreg [dreg:$0x0]  }
0x2: {  	s2 =	rddreg [dreg:$0x1]  }
0x3: {  	s1 =	rddreg [dreg:$0x2]  }
0x4: {  	s3 =	srdreg.scid;
	s9 =	stileid.u32;
	s16 =	simm.s32 $0x16800  }
0x5: {  	s28 =	simm.s32 $0x1;
	s29 =	simm.s32 $0x1A800;
	s30 =	simm.s32 $0x1B800  }
0x6: {  	s31 =	simm.s32 $0x1C800;
	s12 =	simm.s32 $0x16780;
	s5 =	sand.u32 $0x1, s3  }
0x7: {  	s3 =	simm.s32 $0x0;
	s7 =	smul.u32 $0x14000, s9;
	s4 =	sadd.s32 $0xCE00, s0  }
0x8: {  	s8 =	sadd.s32 $0x2E00, s0;
	s17 =	sshll.u32 s9, $0x1;
	s9 =	smul.u32 $0x50000, s9  }
0x9: {  	s6 =	smul.u32 $0x140000, s5;
	[smem:$0x7FF] =	sst s3;
	s10 =	ssub.s32 $0x2, s5  }
0xa: {  	s5 =	sor.u32 s5, s17;
	s17 =	simm.s32 $0x3;
	_ =	strace $0x8000004D  }
0xb: {  	s18 =	sshrl.u32 s10, $0x1;
	s9 =	sshrl.u32 s9, $0x2;
	s11 =	smul.u32 $0x2800, s5  }
0xc: {  	s6 =	sadd.s32 s7, s6;
	s19 =	ssub.s32 s10, s18;
	s5 =	sadd.s32 s9, s1  }
0xd: {  	s18 =	simm.s32 $0x14000;
	s10 =	simm.s32 $0x153E0;
	s20 =	sadd.s32 $0x4000, s5  }
0xe: {  	s6 =	sshrl.u32 s6, $0x3;
	s21 =	sadd.s32 $0x8000, s5;
	[dreg:$0x4] =	wrdreg s20  }
0xf: {  	s22 =	sshrl.u32 s11, $0x3;
	s9 =	sadd.s32 $0xC000, s5;
	[dreg:$0x5] =	wrdreg s21  }
0x10: {  	s23 =	sadd.s32 $0x10000, s5;
	s15 =	smax.u32 s19, $0x1;
	[dreg:$0x6] =	wrdreg s9  }
0x11: {  	s11 =	simm.s32 $0x16700;
	s0 =	sadd.s32 s6, s0;
	[dreg:$0x7] =	wrdreg s23  }
0x12: {  	s24 =	sadd.s32 $0x280, s22;
	s25 =	sadd.s32 s2, s22;
	s7 =	sadd.s32 s8, s22  }
0x13: {  	s20 =	simm.s32 $0x20;
	s21 =	simm.s32 $0x14020;
	s22 =	simm.s32 $0x17800  }
0x14: {  	s23 =	simm.s32 $0x14040;
	s6 =	simm.s32 $0x2;
	[dreg:$0x8] =	wrdreg s25  }
0x15: {  	s9 =	simm.s32 $0x153C0;
	[dreg:$0x9] =	wrdreg s7;
	s2 =	sadd.s32 s2, s24  }
0x16: {  	s26 =	sadd.s32 s8, s24;
	s0 =	sadd.s32 $0x34E00, s0;
	[dreg:$0xa] =	wrdreg s2  }
0x17: {  	s24 =	simm.s32 $0x18800;
	s25 =	simm.s32 $0x14060;
	[dreg:$0xb] =	wrdreg s26  }
0x18: {  	s7 =	simm.s32 $0x15380;
	s8 =	simm.s32 $0x153A0;
	[dreg:$0xc] =	wrdreg s0  }
0x19: {  	v0 =	vimm.f32 $0.0e+00;
	s26 =	simm.s32 $0x19800;
	s0 =	simm.s32 $0x1D800;
	s2 =	simm.s32 $0x80  }
.LBB2_1:
0x1a: {  	s13 =	simm.s32 $0x0;
	s19 =	simm.s32 $0x200  }
.LBB2_2:
0x1b: {  	p0 =	sne.s32 s19, $0xFE00;
	[tilespmem:s13+$0x16870] =	vst v0  }
0x1c: {  	[tilespmem:s13+$0x16800] =	vst v0  }
0x1d: {  	[tilespmem:s13+$0x16810] =	vst v0  }
.Ltmp0:
0x1e: {  	[tilespmem:s13+$0x16820] =	vst v0;
	(pc) =	sbr.rel @p0 .LBB2_2-.Ltmp0, $4  }
0x1f: {  	[tilespmem:s13+$0x16830] =	vst v0  }
0x20: {  	[tilespmem:s13+$0x16840] =	vst v0  }
0x21: {  	[tilespmem:s13+$0x16850] =	vst v0  }
0x22: {  	[tilespmem:s13+$0x16860] =	vst v0;
	s13 =	sshra.s32 s19, $0x2;
	s19 =	sadd.s32 $0x200, s19  }
0x23: {  	[tilespmem:s13+$0x16870] =	vst v0  }
0x24: {  	[tilespmem:s13+$0x16800] =	vst v0  }
0x25: {  	[tilespmem:s13+$0x16810] =	vst v0  }
0x26: {  	[tilespmem:s13+$0x16820] =	vst v0  }
0x27: {  	[tilespmem:s13+$0x16830] =	vst v0  }
0x28: {  	[tilespmem:s13+$0x16840] =	vst v0  }
0x29: {  	[tilespmem:s13+$0x16850] =	vst v0  }
0x2a: {  	[tilespmem:s13+$0x16860] =	vst v0  }
0x2b: {  	[spmem:s5] =	stream.linear.scatter [tilespmem:s16], [sflag:$0x3], $0x4000, $0x38;
	[tilespmem:$0x1E800] =	vst v63  }
0x2c: {  	_ =	swait.ge [sflag:s17], $0x4000  }
0x2d: {  	[sflag:s17] =	ssyncset.done $0x0  }
0x2e: {  	s14 =	rddreg [dreg:$0x4];
	[sflag:s17] =	ssyncadd.s32 $0xFFFFC000  }
0x2f: {  	[spmem:s14] =	stream.linear.scatter [tilespmem:s16], [sflag:$0x3], $0x4000, $0x38;
	[tilespmem:$0x1E800] =	vst v63  }
0x30: {  	_ =	swait.ge [sflag:s17], $0x4000  }
0x31: {  	[sflag:s17] =	ssyncset.done $0x0  }
0x32: {  	s19 =	rddreg [dreg:$0x5];
	[sflag:s17] =	ssyncadd.s32 $0xFFFFC000  }
0x33: {  	[spmem:s19] =	stream.linear.scatter [tilespmem:s16], [sflag:$0x3], $0x4000, $0x38;
	[tilespmem:$0x1E800] =	vst v63  }
0x34: {  	_ =	swait.ge [sflag:s17], $0x4000  }
0x35: {  	[sflag:s17] =	ssyncset.done $0x0  }
0x36: {  	s14 =	rddreg [dreg:$0x6];
	[sflag:s17] =	ssyncadd.s32 $0xFFFFC000  }
0x37: {  	[spmem:s14] =	stream.linear.scatter [tilespmem:s16], [sflag:$0x3], $0x4000, $0x38;
	[tilespmem:$0x1E800] =	vst v63  }
0x38: {  	_ =	swait.ge [sflag:s17], $0x4000  }
0x39: {  	[sflag:s17] =	ssyncset.done $0x0  }
0x3a: {  	s19 =	rddreg [dreg:$0x7];
	[sflag:s17] =	ssyncadd.s32 $0xFFFFC000  }
0x3b: {  	[spmem:s19] =	stream.linear.scatter [tilespmem:s16], [sflag:$0x3], $0x4000, $0x38;
	[tilespmem:$0x1E800] =	vst v63  }
0x3c: {  	_ =	swait.ge [sflag:s17], $0x4000  }
0x3d: {  	[sflag:s17] =	ssyncset.done $0x0  }
0x3e: {  	[sflag:s17] =	ssyncadd.s32 $0xFFFFC000  }
0x3f: {  	[bflag:$0x0] =	sbarrier.arrive $0xFFFF  }
0x40: {  	s13 =	simm.s32 $0x0;
	s14 =	rddreg [dreg:$0x8]  }
0x41: {  	[tilespmem:s18], [sflag:$0x3] =	stream.linear.gather [hbm4b:s14+s13], $0x1400, $0x38;
	[tilespmem:$0x1E800] =	vst v63  }
0x42: {  	_ =	swait.ge [sflag:s17], $0x1400  }
0x43: {  	[sflag:s17] =	ssyncset.done $0x0  }
0x44: {  	s19 =	simm.s32 $0x15400;
	s14 =	rddreg [dreg:$0x9];
	[sflag:s17] =	ssyncadd.s32 $0xFFFFEC00  }
0x45: {  	[tilespmem:s19], [sflag:$0x3] =	stream.linear.gather [hbm4b:s14+s13], $0x1400, $0x38;
	[tilespmem:$0x1E800] =	vst v63  }
0x46: {  	_ =	swait.ge [sflag:s17], $0x1400  }
0x47: {  	[sflag:s17] =	ssyncset.done $0x0  }
0x48: {  	[sflag:s17] =	ssyncadd.s32 $0xFFFFEC00  }
0x49: {  	[tilespmem:s16], [sflag:$0x1] =	stream.indirect.gather [hbm4b:s4+s20], $0x80, s18, s20, $0xb8;
	[tilespmem:$0x1E800] =	vst v63  }
0x4a: {  	_ = 	snop  }
0x4b: {  	[tilespmem:s22], [sflag:$0x1] =	stream.indirect.gather [hbm4b:s4+s20], $0x80, s21, s20, $0xb8;
	[tilespmem:$0x1E800] =	vst v63  }
0x4c: {  	_ = 	snop  }
0x4d: {  	[tilespmem:s24], [sflag:$0x1] =	stream.indirect.gather [hbm4b:s4+s20], $0x80, s23, s20, $0xb8;
	[tilespmem:$0x1E800] =	vst v63  }
0x4e: {  	_ = 	snop  }
0x4f: {  	[tilespmem:s26], [sflag:$0x1] =	stream.indirect.gather [hbm4b:s4+s20], $0x80, s25, s20, $0xb8;
	[tilespmem:$0x1E800] =	vst v63  }
0x50: {  	_ =	swait.ge [sflag:s28], $0x4000  }
0x51: {  	[sflag:s28] =	ssyncset.done $0x0  }
0x52: {  	s14 =	simm.s32 $0x14080;
	[sflag:s28] =	ssyncadd.s32 $0xFFFFC000  }
0x53: {  	[tilespmem:s29], [sflag:$0x2] =	stream.indirect.gather [hbm4b:s4+s20], $0x80, s14, s20, $0xb8;
	[tilespmem:$0x1E800] =	vst v63  }
0x54: {  	s19 =	simm.s32 $0x140A0  }
0x55: {  	[tilespmem:s30], [sflag:$0x2] =	stream.indirect.gather [hbm4b:s4+s20], $0x80, s19, s20, $0xb8;
	[tilespmem:$0x1E800] =	vst v63  }
0x56: {  	s14 =	simm.s32 $0x140C0  }
0x57: {  	[tilespmem:s31], [sflag:$0x2] =	stream.indirect.gather [hbm4b:s4+s20], $0x80, s14, s20, $0xb8;
	[tilespmem:$0x1E800] =	vst v63  }
0x58: {  	s19 =	simm.s32 $0x140E0  }
0x59: {  	[tilespmem:s0], [sflag:$0x2] =	stream.indirect.gather [hbm4b:s4+s20], $0x80, s19, s20, $0xb8;
	[tilespmem:$0x1E800] =	vst v63  }
0x5a: {  	s14 =	simm.s32 $0x15400  }
0x5b: {  	[spmem:s1] =	stream.indirect.scatter.add.f32 [tilespmem:s16], [sflag:$0x3], $0x80, s14, s2, $0xb8;
	[tilespmem:$0x1E800] =	vst v63  }
0x5c: {  	_ =	swait.ge [sflag:s17], $0x4000  }
0x5d: {  	[sflag:s17] =	ssyncset.done $0x0  }
0x5e: {  	[sflag:s17] =	ssyncadd.s32 $0xFFFFC000  }
0x5f: {  	_ =	swait.ge [sflag:s6], $0x4000  }
0x60: {  	[sflag:s6] =	ssyncset.done $0x0  }
0x61: {  	s19 =	simm.s32 $0x14100;
	[sflag:s6] =	ssyncadd.s32 $0xFFFFC000  }
0x62: {  	[tilespmem:s16], [sflag:$0x1] =	stream.indirect.gather [hbm4b:s4+s20], $0x80, s19, s20, $0xb8;
	[tilespmem:$0x1E800] =	vst v63  }
0x63: {  	s14 =	simm.s32 $0x14120  }
0x64: {  	[tilespmem:s22], [sflag:$0x1] =	stream.indirect.gather [hbm4b:s4+s20], $0x80, s14, s20, $0xb8;
	[tilespmem:$0x1E800] =	vst v63  }
0x65: {  	s19 =	simm.s32 $0x14140  }
0x66: {  	[tilespmem:s24], [sflag:$0x1] =	stream.indirect.gather [hbm4b:s4+s20], $0x80, s19, s20, $0xb8;
	[tilespmem:$0x1E800] =	vst v63  }
0x67: {  	s14 =	simm.s32 $0x14160  }
0x68: {  	[tilespmem:s26], [sflag:$0x1] =	stream.indirect.gather [hbm4b:s4+s20], $0x80, s14, s20, $0xb8;
	[tilespmem:$0x1E800] =	vst v63  }
0x69: {  	s19 =	simm.s32 $0x15480  }
0x6a: {  	[spmem:s1] =	stream.indirect.scatter.add.f32 [tilespmem:s29], [sflag:$0x3], $0x80, s19, s2, $0xb8;
	[tilespmem:$0x1E800] =	vst v63  }
0x6b: {  	_ =	swait.ge [sflag:s17], $0x4000  }
0x6c: {  	s13 =	simm.s32 $0x400;
	[sflag:s17] =	ssyncset.done $0x0  }
.LBB2_4:
0x6d: {  	p0 =	sne.s32 s13, $0x4800  }
0x6e: {  	[sflag:s17] =	ssyncadd.s32 $0xFFFFC000;
	s19 =	smov.u32 s13;
	s13 =	sadd.s32 $0x400, s13  }
0x6f: {  	_ = 	snop  }
0x70: {  	_ =	swait.ge [sflag:s28], $0x4000  }
0x71: {  	s19 =	sshra.s32 s19, $0x2;
	[sflag:s28] =	ssyncset.done $0x0  }
0x72: {  	s14 =	sadd.s32 $0x14080, s19;
	[sflag:s28] =	ssyncadd.s32 $0xFFFFC000  }
0x73: {  	[tilespmem:s29], [sflag:$0x2] =	stream.indirect.gather [hbm4b:s4+s20], $0x80, s14, s20, $0xb8;
	[tilespmem:$0x1E800] =	vst v63  }
0x74: {  	s14 =	sadd.s32 $0x140A0, s19  }
0x75: {  	[tilespmem:s30], [sflag:$0x2] =	stream.indirect.gather [hbm4b:s4+s20], $0x80, s14, s20, $0xb8;
	[tilespmem:$0x1E800] =	vst v63  }
0x76: {  	s14 =	sadd.s32 $0x140C0, s19  }
0x77: {  	[tilespmem:s31], [sflag:$0x2] =	stream.indirect.gather [hbm4b:s4+s20], $0x80, s14, s20, $0xb8;
	[tilespmem:$0x1E800] =	vst v63  }
0x78: {  	s14 =	sadd.s32 $0x140E0, s19  }
0x79: {  	[tilespmem:s0], [sflag:$0x2] =	stream.indirect.gather [hbm4b:s4+s20], $0x80, s14, s20, $0xb8;
	[tilespmem:$0x1E800] =	vst v63  }
0x7a: {  	s14 =	sadd.s32 $0x15400, s19  }
0x7b: {  	[spmem:s1] =	stream.indirect.scatter.add.f32 [tilespmem:s16], [sflag:$0x3], $0x80, s14, s2, $0xb8;
	[tilespmem:$0x1E800] =	vst v63  }
0x7c: {  	_ =	swait.ge [sflag:s17], $0x4000  }
0x7d: {  	[sflag:s17] =	ssyncset.done $0x0  }
0x7e: {  	[sflag:s17] =	ssyncadd.s32 $0xFFFFC000  }
0x7f: {  	_ =	swait.ge [sflag:s6], $0x4000  }
0x80: {  	[sflag:s6] =	ssyncset.done $0x0  }
0x81: {  	s14 =	sadd.s32 $0x14100, s19;
	[sflag:s6] =	ssyncadd.s32 $0xFFFFC000  }
0x82: {  	[tilespmem:s16], [sflag:$0x1] =	stream.indirect.gather [hbm4b:s4+s20], $0x80, s14, s20, $0xb8;
	[tilespmem:$0x1E800] =	vst v63  }
0x83: {  	s14 =	sadd.s32 $0x14120, s19  }
0x84: {  	[tilespmem:s22], [sflag:$0x1] =	stream.indirect.gather [hbm4b:s4+s20], $0x80, s14, s20, $0xb8;
	[tilespmem:$0x1E800] =	vst v63  }
0x85: {  	s14 =	sadd.s32 $0x14140, s19  }
0x86: {  	[tilespmem:s24], [sflag:$0x1] =	stream.indirect.gather [hbm4b:s4+s20], $0x80, s14, s20, $0xb8;
	[tilespmem:$0x1E800] =	vst v63  }
0x87: {  	s14 =	sadd.s32 $0x14160, s19  }
0x88: {  	[tilespmem:s26], [sflag:$0x1] =	stream.indirect.gather [hbm4b:s4+s20], $0x80, s14, s20, $0xb8;
	[tilespmem:$0x1E800] =	vst v63  }
.Ltmp1:
0x89: {  	_ = 	snop;
	(pc) =	sbr.rel @p0 .LBB2_4-.Ltmp1, $4  }
0x8a: {  	s14 =	sadd.s32 $0x15480, s19  }
0x8b: {  	[spmem:s1] =	stream.indirect.scatter.add.f32 [tilespmem:s29], [sflag:$0x3], $0x80, s14, s2, $0xb8;
	[tilespmem:$0x1E800] =	vst v63  }
0x8c: {  	_ =	swait.ge [sflag:s17], $0x4000  }
0x8d: {  	[sflag:s17] =	ssyncset.done $0x0  }
0x8e: {  	[sflag:s17] =	ssyncadd.s32 $0xFFFFC000  }
0x8f: {  	_ =	swait.ge [sflag:s28], $0x4000  }
0x90: {  	[sflag:s28] =	ssyncset.done $0x0  }
0x91: {  	[sflag:s28] =	ssyncadd.s32 $0xFFFFC000  }
0x92: {  	[tilespmem:s29], [sflag:$0x2] =	stream.indirect.gather [hbm4b:s4+s20], $0x80, s7, s20, $0xb8;
	[tilespmem:$0x1E800] =	vst v63  }
0x93: {  	_ = 	snop  }
0x94: {  	[tilespmem:s30], [sflag:$0x2] =	stream.indirect.gather [hbm4b:s4+s20], $0x80, s8, s20, $0xb8;
	[tilespmem:$0x1E800] =	vst v63  }
0x95: {  	_ = 	snop  }
0x96: {  	[tilespmem:s31], [sflag:$0x2] =	stream.indirect.gather [hbm4b:s4+s20], $0x80, s9, s20, $0xb8;
	[tilespmem:$0x1E800] =	vst v63  }
0x97: {  	_ = 	snop  }
0x98: {  	[tilespmem:s0], [sflag:$0x2] =	stream.indirect.gather [hbm4b:s4+s20], $0x80, s10, s20, $0xb8;
	[tilespmem:$0x1E800] =	vst v63  }
0x99: {  	_ = 	snop  }
0x9a: {  	[spmem:s1] =	stream.indirect.scatter.add.f32 [tilespmem:s16], [sflag:$0x3], $0x80, s11, s2, $0xb8;
	[tilespmem:$0x1E800] =	vst v63  }
0x9b: {  	_ =	swait.ge [sflag:s17], $0x4000  }
0x9c: {  	[sflag:s17] =	ssyncset.done $0x0  }
0x9d: {  	[sflag:s17] =	ssyncadd.s32 $0xFFFFC000  }
0x9e: {  	_ =	swait.ge [sflag:s6], $0x4000  }
0x9f: {  	[sflag:s6] =	ssyncset.done $0x0  }
0xa0: {  	[sflag:s6] =	ssyncadd.s32 $0xFFFFC000  }
0xa1: {  	[spmem:s1] =	stream.indirect.scatter.add.f32 [tilespmem:s29], [sflag:$0x3], $0x80, s12, s2, $0xb8;
	[tilespmem:$0x1E800] =	vst v63  }
0xa2: {  	_ =	swait.ge [sflag:s17], $0x4000  }
0xa3: {  	[sflag:s17] =	ssyncset.done $0x0  }
0xa4: {  	s13 =	simm.s32 $0x0;
	s14 =	rddreg [dreg:$0xa];
	[sflag:s17] =	ssyncadd.s32 $0xFFFFC000  }
0xa5: {  	[tilespmem:s18], [sflag:$0x3] =	stream.linear.gather [hbm4b:s14+s13], $0x1400, $0x38;
	[tilespmem:$0x1E800] =	vst v63  }
0xa6: {  	_ =	swait.ge [sflag:s17], $0x1400  }
0xa7: {  	[sflag:s17] =	ssyncset.done $0x0  }
0xa8: {  	s19 =	simm.s32 $0x15400;
	s14 =	rddreg [dreg:$0xb];
	[sflag:s17] =	ssyncadd.s32 $0xFFFFEC00  }
0xa9: {  	[tilespmem:s19], [sflag:$0x3] =	stream.linear.gather [hbm4b:s14+s13], $0x1400, $0x38;
	[tilespmem:$0x1E800] =	vst v63  }
0xaa: {  	_ =	swait.ge [sflag:s17], $0x1400  }
0xab: {  	[sflag:s17] =	ssyncset.done $0x0  }
0xac: {  	[sflag:s17] =	ssyncadd.s32 $0xFFFFEC00  }
0xad: {  	[tilespmem:s16], [sflag:$0x1] =	stream.indirect.gather [hbm4b:s4+s20], $0x80, s18, s20, $0xb8;
	[tilespmem:$0x1E800] =	vst v63  }
0xae: {  	_ = 	snop  }
0xaf: {  	[tilespmem:s22], [sflag:$0x1] =	stream.indirect.gather [hbm4b:s4+s20], $0x80, s21, s20, $0xb8;
	[tilespmem:$0x1E800] =	vst v63  }
0xb0: {  	_ = 	snop  }
0xb1: {  	[tilespmem:s24], [sflag:$0x1] =	stream.indirect.gather [hbm4b:s4+s20], $0x80, s23, s20, $0xb8;
	[tilespmem:$0x1E800] =	vst v63  }
0xb2: {  	_ = 	snop  }
0xb3: {  	[tilespmem:s26], [sflag:$0x1] =	stream.indirect.gather [hbm4b:s4+s20], $0x80, s25, s20, $0xb8;
	[tilespmem:$0x1E800] =	vst v63  }
0xb4: {  	_ =	swait.ge [sflag:s28], $0x4000  }
0xb5: {  	[sflag:s28] =	ssyncset.done $0x0  }
0xb6: {  	s14 =	simm.s32 $0x14080;
	[sflag:s28] =	ssyncadd.s32 $0xFFFFC000  }
0xb7: {  	[tilespmem:s29], [sflag:$0x2] =	stream.indirect.gather [hbm4b:s4+s20], $0x80, s14, s20, $0xb8;
	[tilespmem:$0x1E800] =	vst v63  }
0xb8: {  	s19 =	simm.s32 $0x140A0  }
0xb9: {  	[tilespmem:s30], [sflag:$0x2] =	stream.indirect.gather [hbm4b:s4+s20], $0x80, s19, s20, $0xb8;
	[tilespmem:$0x1E800] =	vst v63  }
0xba: {  	s14 =	simm.s32 $0x140C0  }
0xbb: {  	[tilespmem:s31], [sflag:$0x2] =	stream.indirect.gather [hbm4b:s4+s20], $0x80, s14, s20, $0xb8;
	[tilespmem:$0x1E800] =	vst v63  }
0xbc: {  	s19 =	simm.s32 $0x140E0  }
0xbd: {  	[tilespmem:s0], [sflag:$0x2] =	stream.indirect.gather [hbm4b:s4+s20], $0x80, s19, s20, $0xb8;
	[tilespmem:$0x1E800] =	vst v63  }
0xbe: {  	s14 =	simm.s32 $0x15400  }
0xbf: {  	[spmem:s1] =	stream.indirect.scatter.add.f32 [tilespmem:s16], [sflag:$0x3], $0x80, s14, s2, $0xb8;
	[tilespmem:$0x1E800] =	vst v63  }
0xc0: {  	_ =	swait.ge [sflag:s17], $0x4000  }
0xc1: {  	[sflag:s17] =	ssyncset.done $0x0  }
0xc2: {  	[sflag:s17] =	ssyncadd.s32 $0xFFFFC000  }
0xc3: {  	_ =	swait.ge [sflag:s6], $0x4000  }
0xc4: {  	[sflag:s6] =	ssyncset.done $0x0  }
0xc5: {  	s19 =	simm.s32 $0x14100;
	[sflag:s6] =	ssyncadd.s32 $0xFFFFC000  }
0xc6: {  	[tilespmem:s16], [sflag:$0x1] =	stream.indirect.gather [hbm4b:s4+s20], $0x80, s19, s20, $0xb8;
	[tilespmem:$0x1E800] =	vst v63  }
0xc7: {  	s14 =	simm.s32 $0x14120  }
0xc8: {  	[tilespmem:s22], [sflag:$0x1] =	stream.indirect.gather [hbm4b:s4+s20], $0x80, s14, s20, $0xb8;
	[tilespmem:$0x1E800] =	vst v63  }
0xc9: {  	s19 =	simm.s32 $0x14140  }
0xca: {  	[tilespmem:s24], [sflag:$0x1] =	stream.indirect.gather [hbm4b:s4+s20], $0x80, s19, s20, $0xb8;
	[tilespmem:$0x1E800] =	vst v63  }
0xcb: {  	s14 =	simm.s32 $0x14160  }
0xcc: {  	[tilespmem:s26], [sflag:$0x1] =	stream.indirect.gather [hbm4b:s4+s20], $0x80, s14, s20, $0xb8;
	[tilespmem:$0x1E800] =	vst v63  }
0xcd: {  	s19 =	simm.s32 $0x15480  }
0xce: {  	[spmem:s1] =	stream.indirect.scatter.add.f32 [tilespmem:s29], [sflag:$0x3], $0x80, s19, s2, $0xb8;
	[tilespmem:$0x1E800] =	vst v63  }
0xcf: {  	_ =	swait.ge [sflag:s17], $0x4000  }
0xd0: {  	s13 =	simm.s32 $0x400;
	[sflag:s17] =	ssyncset.done $0x0  }
.LBB2_6:
0xd1: {  	p0 =	sne.s32 s13, $0x4800  }
0xd2: {  	[sflag:s17] =	ssyncadd.s32 $0xFFFFC000;
	s14 =	smov.u32 s13;
	s13 =	sadd.s32 $0x400, s13  }
0xd3: {  	_ = 	snop  }
0xd4: {  	_ =	swait.ge [sflag:s28], $0x4000  }
0xd5: {  	s14 =	sshra.s32 s14, $0x2;
	[sflag:s28] =	ssyncset.done $0x0  }
0xd6: {  	s19 =	sadd.s32 $0x14080, s14;
	[sflag:s28] =	ssyncadd.s32 $0xFFFFC000  }
0xd7: {  	[tilespmem:s29], [sflag:$0x2] =	stream.indirect.gather [hbm4b:s4+s20], $0x80, s19, s20, $0xb8;
	[tilespmem:$0x1E800] =	vst v63  }
0xd8: {  	s19 =	sadd.s32 $0x140A0, s14  }
0xd9: {  	[tilespmem:s30], [sflag:$0x2] =	stream.indirect.gather [hbm4b:s4+s20], $0x80, s19, s20, $0xb8;
	[tilespmem:$0x1E800] =	vst v63  }
0xda: {  	s19 =	sadd.s32 $0x140C0, s14  }
0xdb: {  	[tilespmem:s31], [sflag:$0x2] =	stream.indirect.gather [hbm4b:s4+s20], $0x80, s19, s20, $0xb8;
	[tilespmem:$0x1E800] =	vst v63  }
0xdc: {  	s19 =	sadd.s32 $0x140E0, s14  }
0xdd: {  	[tilespmem:s0], [sflag:$0x2] =	stream.indirect.gather [hbm4b:s4+s20], $0x80, s19, s20, $0xb8;
	[tilespmem:$0x1E800] =	vst v63  }
0xde: {  	s19 =	sadd.s32 $0x15400, s14  }
0xdf: {  	[spmem:s1] =	stream.indirect.scatter.add.f32 [tilespmem:s16], [sflag:$0x3], $0x80, s19, s2, $0xb8;
	[tilespmem:$0x1E800] =	vst v63  }
0xe0: {  	_ =	swait.ge [sflag:s17], $0x4000  }
0xe1: {  	[sflag:s17] =	ssyncset.done $0x0  }
0xe2: {  	[sflag:s17] =	ssyncadd.s32 $0xFFFFC000  }
0xe3: {  	_ =	swait.ge [sflag:s6], $0x4000  }
0xe4: {  	[sflag:s6] =	ssyncset.done $0x0  }
0xe5: {  	s19 =	sadd.s32 $0x14100, s14;
	[sflag:s6] =	ssyncadd.s32 $0xFFFFC000  }
0xe6: {  	[tilespmem:s16], [sflag:$0x1] =	stream.indirect.gather [hbm4b:s4+s20], $0x80, s19, s20, $0xb8;
	[tilespmem:$0x1E800] =	vst v63  }
0xe7: {  	s19 =	sadd.s32 $0x14120, s14  }
0xe8: {  	[tilespmem:s22], [sflag:$0x1] =	stream.indirect.gather [hbm4b:s4+s20], $0x80, s19, s20, $0xb8;
	[tilespmem:$0x1E800] =	vst v63  }
0xe9: {  	s19 =	sadd.s32 $0x14140, s14  }
0xea: {  	[tilespmem:s24], [sflag:$0x1] =	stream.indirect.gather [hbm4b:s4+s20], $0x80, s19, s20, $0xb8;
	[tilespmem:$0x1E800] =	vst v63  }
0xeb: {  	s19 =	sadd.s32 $0x14160, s14  }
0xec: {  	[tilespmem:s26], [sflag:$0x1] =	stream.indirect.gather [hbm4b:s4+s20], $0x80, s19, s20, $0xb8;
	[tilespmem:$0x1E800] =	vst v63  }
.Ltmp2:
0xed: {  	_ = 	snop;
	(pc) =	sbr.rel @p0 .LBB2_6-.Ltmp2, $4  }
0xee: {  	s14 =	sadd.s32 $0x15480, s14  }
0xef: {  	[spmem:s1] =	stream.indirect.scatter.add.f32 [tilespmem:s29], [sflag:$0x3], $0x80, s14, s2, $0xb8;
	[tilespmem:$0x1E800] =	vst v63  }
0xf0: {  	_ =	swait.ge [sflag:s17], $0x4000  }
0xf1: {  	[sflag:s17] =	ssyncset.done $0x0  }
0xf2: {  	[sflag:s17] =	ssyncadd.s32 $0xFFFFC000  }
0xf3: {  	_ =	swait.ge [sflag:s28], $0x4000  }
0xf4: {  	[sflag:s28] =	ssyncset.done $0x0  }
0xf5: {  	[sflag:s28] =	ssyncadd.s32 $0xFFFFC000  }
0xf6: {  	[tilespmem:s29], [sflag:$0x2] =	stream.indirect.gather [hbm4b:s4+s20], $0x80, s7, s20, $0xb8;
	[tilespmem:$0x1E800] =	vst v63  }
0xf7: {  	_ = 	snop  }
0xf8: {  	[tilespmem:s30], [sflag:$0x2] =	stream.indirect.gather [hbm4b:s4+s20], $0x80, s8, s20, $0xb8;
	[tilespmem:$0x1E800] =	vst v63  }
0xf9: {  	_ = 	snop  }
0xfa: {  	[tilespmem:s31], [sflag:$0x2] =	stream.indirect.gather [hbm4b:s4+s20], $0x80, s9, s20, $0xb8;
	[tilespmem:$0x1E800] =	vst v63  }
0xfb: {  	_ = 	snop  }
0xfc: {  	[tilespmem:s0], [sflag:$0x2] =	stream.indirect.gather [hbm4b:s4+s20], $0x80, s10, s20, $0xb8;
	[tilespmem:$0x1E800] =	vst v63  }
0xfd: {  	_ = 	snop  }
0xfe: {  	[spmem:s1] =	stream.indirect.scatter.add.f32 [tilespmem:s16], [sflag:$0x3], $0x80, s11, s2, $0xb8;
	[tilespmem:$0x1E800] =	vst v63  }
0xff: {  	_ =	swait.ge [sflag:s17], $0x4000  }
0x100: {  	[sflag:s17] =	ssyncset.done $0x0  }
0x101: {  	[sflag:s17] =	ssyncadd.s32 $0xFFFFC000  }
0x102: {  	_ =	swait.ge [sflag:s6], $0x4000  }
0x103: {  	[sflag:s6] =	ssyncset.done $0x0  }
0x104: {  	[sflag:s6] =	ssyncadd.s32 $0xFFFFC000  }
0x105: {  	[spmem:s1] =	stream.indirect.scatter.add.f32 [tilespmem:s29], [sflag:$0x3], $0x80, s12, s2, $0xb8;
	[tilespmem:$0x1E800] =	vst v63  }
0x106: {  	_ =	swait.ge [sflag:s17], $0x4000  }
0x107: {  	s13 =	stileid.u32;
	[sflag:s17] =	ssyncset.done $0x0  }
0x108: {  	s14 =	sshrl.u32 s5, $0x3;
	s3 =	sadd.s32 $0x1, s3;
	[sflag:s17] =	ssyncadd.s32 $0xFFFFC000  }
0x109: {  	s13 =	sshll.u32 s13, $0x6;
	p0 =	sne.s32 s3, s15;
	[bflag:$0x0] =	sbarrier.arrive $0xFFFF  }
.Ltmp3:
0x10a: {  	s13 =	sor.u32 $0x1C03, s13;
	s19 =	rddreg [dreg:$0xc];
	(pc) =	sbr.rel @p0 .LBB2_1-.Ltmp3, $4  }
0x10b: {  	[hbm:s19], [sflag:s13] =	dma.local [spmem:s14], $0x2800  }
0x10c: {  	_ =	swait.ge [sflag:s17], $0x2800  }
0x10d: {  	[sflag:s17] =	ssyncset.done $0x0  }
0x10e: {  	[sflag:s17] =	ssyncadd.s32 $0xFFFFD800  }
0x10f: {  	_ =	sfence.sel $0x180000  }
0x110: {  	[bflag:$0x0] =	sbarrier.arrive $0xFFFF  }
0x111: {  	_ =	strace $0x9000004D  }
0x112: {  	s0 =	stileid.u32;
	[bflag:$0x2] =	sbarrier.arrive $0xFFFF  }
0x113: {  	p0 =	sne.s32 s0, $0x0;
	s0 =	rddreg [dreg:$0x3]  }
0x114: {  	s0 =	sadd.s32 @!p0 $0x100000, s0  }
0x115: {  	[sflag:s0] =	ssyncadd.tile.s32 @!p0 $0x1;
	_ =	shalt  }
.Lfunc_end2:
_tile_overlayer_lowered:
.L_overlay_start_2:
0x116: {  	(tag) =	ssettag $0x2  }
0x117: {  	s0 =	rddreg [dreg:$0x0];
	s2 =	stileid.u32  }
0x118: {  	s1 =	rddreg [dreg:$0x1];
	p0 =	sne.s32 s2, $0x0  }
0x119: {  	s3 =	rddreg [dreg:$0x2];
	[bflag:$0x3] =	sbarrier.arrive $0xFFFF;
	s2 =	simm.s32 @!p0 $0x1C03  }
0x11a: {  	[timem:s3], [sflag:s2] =	dma.local @!p0 [hbm:s0], s1  }
0x11b: {  	s0 =	simm.s32 @!p0 $0x3  }
0x11c: {  	_ =	swait.ge @!p0 [sflag:s0], s1  }
0x11d: {  	s1 =	ssub.s32 @!p0 $0x0, s1;
	[sflag:s0] =	ssyncset.done @!p0 $0x0  }
0x11e: {  	[sflag:s0] =	ssyncadd.s32 @!p0 s1  }
0x11f: {  	[bflag:$0x3] =	sbarrier.arrive $0xFFFF  }
0x120: {  	_ =	shalt  }

// kernel: kernel.9.cloned.1.call-start
scs
__scs_entry_jumppad:
0x0: {  	(pc) =	sbr.rel $0x88, $3  }
0x1: {  	(tag) =	ssettag $0x0;
	lr =	simm.s32 $0x1  }
0x2: {  	[smem:$0x3F99] =	sst lr;
	_ =	strace $0xD0000000  }
0x3: {  	_ = 	snop  }
0x4: {  	_ = 	snop  }
0x5: {  	_ = 	snop  }
0x6: {  	_ = 	snop  }
0x7: {  	_ = 	snop  }
__scs_overlays_trampoline_lowered:
0x8: {  	[smem:$0x3FA8] =	sst s0  }
0x9: {  	[smem:$0x3FA9] =	sst s1  }
0xa: {  	[smem:$0x3FAA] =	sst s2  }
0xb: {  	[smem:$0x3FAB] =	sst s3  }
0xc: {  	[smem:$0x3FAC] =	sst s4  }
0xd: {  	[smem:$0x3FAD] =	sst s5  }
0xe: {  	[smem:$0x3FAE] =	sst s6  }
0xf: {  	[smem:$0x3FAF] =	sst s7  }
0x10: {  	[smem:$0x3FB0] =	sst s8  }
0x11: {  	[smem:$0x3FB1] =	sst s9;
	s0 =	simm.s32 @!p0 $0x0  }
0x12: {  	s1 =	sld [smem:$0x3F97];
	s0 =	simm.s32 @p0 $0x1  }
0x13: {  	[smem:$0x3FB2] =	sst s0;
	s0 =	simm.s32 @!p1 $0x0  }
0x14: {  	s2 =	sld [smem:$0x3F96];
	s0 =	simm.s32 @p1 $0x1  }
0x15: {  	[smem:$0x3FB3] =	sst s0;
	s0 =	simm.s32 @!p2 $0x0  }
0x16: {  	s3 =	sld [smem:$0x3FDB];
	s0 =	simm.s32 @p2 $0x1  }
0x17: {  	s4 =	simm.s32 $0x1BF5;
	[smem:$0x3FB5] =	sst s0  }
0x18: {  	s0 =	sld [smem:$0x3F98];
	_ =	swait.ge [sflag:s4], $0x0  }
0x19: {  	s7 =	sld [smem:$0x3F99]  }
0x1a: {  	s8 =	sadd.s32 $0xFFFFE003, lr  }
0x1b: {  	s9 =	sadd.s32 $0xFFFFFEF7, lr;
	s5 =	simm.s32 $0xFFFFFFFF;
	p2 =	slt.u32 s8, $0xFFFFF086  }
0x1c: {  	p1 =	slt.u32 s9, $0xF7A;
	s5 =	simm.s32 @!p2 $0x0  }
0x1d: {  	s5 =	simm.s32 @p1 $0x1;
	p0 =	seq.s32 s7, s2  }
0x1e: {  	s7 =	smul.u32 @!p0 $0xF7A, s2;
	p2 =	seq.s32 @!p0 s5, $0x0  }
0x1f: {  	s9 =	smul.u32 $0xF7A, s1;
	s8 =	simm.s32 @!p0 $0x1BF5;
	p2 =	por !p2, p0  }
0x20: {  	[sflag:s8] =	ssyncset.s32 @!p0 $0xFFFFF086;
	s6 =	sadd.s32 @!p0 s3, s7;
	s7 =	simm.s32 @!p0 $0x108  }
0x21: {  	s3 =	sadd.s32 s3, s9;
	s6 =	sadd.s32 @!p0 $0x88, s6;
	s7 =	simm.s32 @p2 $0x1082  }
0x22: {  	[simem:s7], [sflag:s8] =	dma.local @!p0 [hbm:s6], $0xF7A  }
0x23: {  	s9 =	sor.u32 $0xD0000000, s2;
	s6 =	simm.s32 $0x108;
	_ =	swait.ge @!p0 [sflag:s8], $0x0  }
0x24: {  	s3 =	sadd.s32 $0x88, s3;
	s6 =	simm.s32 @!p1 $0x1082;
	[sflag:s4] =	ssyncset.s32 $0xFFFFF086  }
0x25: {  	[simem:s6], [sflag:s4] =	dma.local [hbm:s3], $0xF7A  }
0x26: {  	[smem:$0x3F99] =	sst s1;
	(tag) =	ssettag s2;
	_ =	strace s9  }
0x27: {  	s1 =	sld [smem:$0x3FA9]  }
0x28: {  	s2 =	sld [smem:$0x3FAA]  }
0x29: {  	s4 =	sld [smem:$0x3FAC]  }
0x2a: {  	p0 =	seq.s32 s5, $0x0;
	s5 =	sld [smem:$0x3FAD]  }
0x2b: {  	s6 =	sld [smem:$0x3FAE]  }
0x2c: {  	s7 =	sld [smem:$0x3FAF]  }
0x2d: {  	s3 =	simm.s32 $0x108;
	s8 =	sld [smem:$0x3FB0]  }
0x2e: {  	s3 =	simm.s32 @!p0 $0x1082;
	s9 =	sld [smem:$0x3FB1]  }
0x2f: {  	lr =	sadd.s32 s0, s3;
	s0 =	sld [smem:$0x3FA8]  }
0x30: {  	s3 =	sld [smem:$0x3FAB]  }
0x31: {  	[smem:$0x3FB4] =	sst s10  }
0x32: {  	s10 =	sld [smem:$0x3FB2];
	_ =	sdelay $0x3  }
0x33: {  	p0 =	seq.s32 s10, $0x1;
	s10 =	sld [smem:$0x3FB4];
	_ =	sdelay $0x3  }
0x34: {  	[smem:$0x3FB4] =	sst s10  }
0x35: {  	s10 =	sld [smem:$0x3FB3];
	_ =	sdelay $0x3  }
0x36: {  	p1 =	seq.s32 s10, $0x1;
	s10 =	sld [smem:$0x3FB4];
	_ =	sdelay $0x3  }
0x37: {  	[smem:$0x3FB4] =	sst s10  }
0x38: {  	s10 =	sld [smem:$0x3FB5]  }
0x39: {  	_ = 	snop;
	(pc) =	sbr.ind lr, $3  }
0x3a: {  	_ = 	snop  }
0x3b: {  	_ = 	snop  }
0x3c: {  	p2 =	seq.s32 s10, $0x1;
	s10 =	sld [smem:$0x3FB4]  }
0x3d: {  	_ =	shalt  }
0x3e: {  	_ =	shalt  }
0x3f: {  	_ =	shalt  }
0x40: {  	_ =	shalt  }
0x41: {  	_ =	shalt  }
0x42: {  	_ =	shalt  }
0x43: {  	_ =	shalt  }
0x44: {  	_ =	shalt  }
0x45: {  	_ =	shalt  }
0x46: {  	_ =	shalt  }
0x47: {  	_ =	shalt  }
0x48: {  	_ =	shalt  }
0x49: {  	_ =	shalt  }
0x4a: {  	_ =	shalt  }
0x4b: {  	_ =	shalt  }
0x4c: {  	_ =	shalt  }
0x4d: {  	_ =	shalt  }
0x4e: {  	_ =	shalt  }
0x4f: {  	_ =	shalt  }
0x50: {  	_ =	shalt  }
0x51: {  	_ =	shalt  }
0x52: {  	_ =	shalt  }
0x53: {  	_ =	shalt  }
0x54: {  	_ =	shalt  }
0x55: {  	_ =	shalt  }
0x56: {  	_ =	shalt  }
0x57: {  	_ =	shalt  }
0x58: {  	_ =	shalt  }
0x59: {  	_ =	shalt  }
0x5a: {  	_ =	shalt  }
0x5b: {  	_ =	shalt  }
0x5c: {  	_ =	shalt  }
0x5d: {  	_ =	shalt  }
0x5e: {  	_ =	shalt  }
0x5f: {  	_ =	shalt  }
0x60: {  	_ =	shalt  }
0x61: {  	_ =	shalt  }
0x62: {  	_ =	shalt  }
0x63: {  	_ =	shalt  }
0x64: {  	_ =	shalt  }
0x65: {  	_ =	shalt  }
0x66: {  	_ =	shalt  }
0x67: {  	_ =	shalt  }
0x68: {  	_ =	shalt  }
0x69: {  	_ =	shalt  }
0x6a: {  	_ =	shalt  }
0x6b: {  	_ =	shalt  }
0x6c: {  	_ =	shalt  }
0x6d: {  	_ =	shalt  }
0x6e: {  	_ =	shalt  }
0x6f: {  	_ =	shalt  }
0x70: {  	_ =	shalt  }
0x71: {  	_ =	shalt  }
0x72: {  	_ =	shalt  }
0x73: {  	_ =	shalt  }
0x74: {  	_ =	shalt  }
0x75: {  	_ =	shalt  }
0x76: {  	_ =	shalt  }
0x77: {  	_ =	shalt  }
0x78: {  	_ =	shalt  }
0x79: {  	_ =	shalt  }
0x7a: {  	_ =	shalt  }
0x7b: {  	_ =	shalt  }
0x7c: {  	_ =	shalt  }
0x7d: {  	_ =	shalt  }
0x7e: {  	_ =	shalt  }
0x7f: {  	_ =	shalt  }
0x80: {  	_ =	shalt  }
0x81: {  	_ =	shalt  }
0x82: {  	_ =	shalt  }
0x83: {  	_ =	shalt  }
0x84: {  	_ =	shalt  }
0x85: {  	_ =	shalt  }
0x86: {  	_ =	shalt  }
0x87: {  	_ =	shalt  }
.Lfunc_end0:
.L_simem_size_0:
called_computation_lowered:
.L_overlay_start_0:
0x88: {  	s2 =	sld [smem:$0x3FD9]  }
0x89: {  	s3 =	sld [smem:$0x3FFE];
	_ =	sdelay $0x1  }
0x8a: {  	s1 =	srdreg.scid  }
0x8b: {  	s0 =	sand.u32 $0x1, s1  }
0x8c: {  	s16 =	sshll.u32 s0, $0xA;
	s2 =	sadd.s32 s3, s2  }
0x8d: {  	s2 =	sadd.s32 s2, s16  }
0x8e: {  	[smem:$0x3FC0] =	sst s2  }
0x8f: {  	_ = 	snop  }
0x90: {  	(tm) =	ssettm $0x1  }
0x91: {  	s17 =	sld [smem:$0x3FFB];
	_ =	sdelay $0x3  }
0x92: {  	_ =	strace s17  }
0x93: {  	s2 =	sld [smem:$0x3FFC];
	_ =	sdelay $0x3  }
0x94: {  	_ =	strace s2  }
0x95: {  	s2 =	sld [smem:$0x3FFD];
	_ =	sdelay $0x3  }
0x96: {  	_ =	strace s2  }
0x97: {  	_ =	strace $0x8FFFFFFF  }
0x98: {  	s18 =	sld [smem:$0x3FDB];
	_ =	sdelay $0x1  }
0x99: {  	s19 =	simm.s32 $_scs_section_size  }
0x9a: {  	s4 =	simm.s32 $_size__tile_overlayer_lowered;
	s5 =	simm.s32 $_tile_overlayer_lowered  }
0x9b: {  	s22 =	simm.s32 $0x1BFF;
	s21 =	sshll.u32 s5, $0x1;
	s2 =	sadd.s32 s19, s18  }
0x9c: {  	s6 =	simm.s32 $0x0;
	s20 =	sshll.u32 s4, $0x1;
	s4 =	sadd.s32 s21, s2  }
0x9d: {  	[timem:s6], [sflag:s22] =	dma.local [hbm:s4], s20  }
0x9e: {  	_ =	swait.ge [sflag:s22], s20  }
0x9f: {  	s3 =	ssub.s32 $0x0, s20;
	[sflag:s22] =	ssyncset.done $0x0  }
0xa0: {  	[sflag:s22] =	ssyncadd.s32 s3;
	_ =	sdelay $0x1  }
0xa1: {  	s23 =	simm.s32 $0x1B8B  }
0xa2: {  	_ =	swait.ge [sflag:s23], $0x1  }
0xa3: {  	[sflag:s23] =	ssyncset.done $0x0  }
0xa4: {  	s25 =	simm.s32 $0x1B8E;
	s24 =	sld [smem:$0x3FFE];
	[sflag:s23] =	ssyncadd.s32 $0xFFFFFFFF  }
0xa5: {  	s26 =	simm.s32 $execute0_lowered;
	[smem:$0x3FD2] =	sst s25  }
0xa6: {  	s4 =	sshll.u32 s26, $0x1;
	_ =	strace $0x80000046;
	[dreg:$0x1] =	wrdreg $0xFFFFFFFF  }
0xa7: {  	s28 =	simm.s32 $_size_execute0_lowered;
	s2 =	sadd.s32 s2, s4;
	[dreg:$0x0] =	wrdreg $0x0  }
0xa8: {  	s4 =	sshll.u32 s28, $0x1;
	[dreg:$0x2] =	wrdreg s2  }
0xa9: {  	[dreg:$0x3] =	wrdreg s4  }
0xaa: {  	[dreg:$0x4] =	wrdreg $0xC0  }
0xab: {  	_ =	task [dreg:s6], $0x5FFFF  }
0xac: {  	[dreg:$0x1] =	wrdreg $0xFFFFFFFF  }
0xad: {  	[dreg:$0x0] =	wrdreg $0x60  }
0xae: {  	[dreg:$0x2] =	wrdreg s24  }
0xaf: {  	[dreg:$0x3] =	wrdreg $0x9  }
0xb0: {  	_ =	task.clear_ibuf [dreg:s6], $0x4FFFF;
	_ =	strace $0x90000046  }
0xb1: {  	s29 =	simm.s32 $0x9;
	_ =	strace $0x80000048  }
0xb2: {  	_ =	swait.ge [sflag:s29], $0x1  }
0xb3: {  	[sflag:s29] =	ssyncadd.s32 $0xFFFFFFFF  }
0xb4: {  	_ =	strace $0x90000048  }
0xb5: {  	_ =	sfence  }
0xb6: {  	s30 =	sld [smem:$0x0];
	_ =	sdelay $0x2  }
0xb7: {  	s31 =	sshll.u32 s1, $0xD;
	s1 =	sshrl.u32 s1, $0x2  }
0xb8: {  	s3 =	sand.u32 $0x4000, s31;
	s1 =	sadd.s32 s1, s30  }
0xb9: {  	s0 =	sor.u32 s3, s0;
	s1 =	sshll.u32 s1, $0x11  }
0xba: {  	s0 =	sor.u32 s1, s0  }
0xbb: {  	s0 =	sadd.s32 $0x8F2B, s0  }
0xbc: {  	[sflag:s0] =	ssyncadd.remote.s32 $0x1  }
0xbd: {  	_ =	sfence.sel $0xFFFF  }
0xbe: {  	[dreg:$0x0] =	wrdreg $0xFFFFFFFF;
	(pc) =	sbr.abs _section_cstart, $3  }
0xbf: {  	[dreg:$0x1] =	wrdreg $0xFFFFFFFF  }
0xc0: {  	_ =	task.clear_ibuf [dreg:s6], $0x2FFFF;
	_ =	strace $0x9FFFFFFF  }
0xc1: {  	(tm) =	ssettm $0x7FFFFFFF  }
tec
execute0_lowered:
.L_overlay_start_1:
0x0: {  	(tag) =	ssettag $0x1  }
0x1: {  	s1 =	srdreg.scid  }
0x2: {  	s0 =	stileid.u32;
	s5 =	rddreg [dreg:$0x0]  }
0x3: {  	s2 =	simm.s32 $0x0;
	s8 =	simm.s32 $0x80;
	s9 =	simm.s32 $0x400  }
0x4: {  	s10 =	simm.s32 $0x0;
	s3 =	sand.u32 $0x1, s1;
	s29 =	sshll.u32 s0, $0x1  }
0x5: {  	s30 =	sshrl.u32 s0, $0x2;
	s1 =	rddreg [dreg:$0x1];
	s4 =	sor.u32 s3, s29  }
0x6: {  	[smem:$0x7FF] =	sst s2;
	s6 =	smul.u32 $0x14000, s30;
	s7 =	sshll.u32 s4, $0x7  }
0x7: {  	s3 =	ssub.s32 $0x2, s3;
	s4 =	smul.u32 $0x500, s4;
	s7 =	sand.u32 $0x380, s7  }
0x8: {  	_ =	strace $0x80000047;
	s31 =	sshrl.u32 s3, $0x1;
	s6 =	sor.u32 s6, s7  }
0x9: {  	s4 =	sadd.s32 s4, s5;
	s7 =	simm.s32 $0x1;
	s6 =	sshrl.u32 s6, $0x3  }
0xa: {  	s5 =	sadd.s32 s6, s5;
	s6 =	ssub.s32 s3, s31;
	s3 =	sadd.s32 $0x2E00, s4  }
0xb: {  	v0 =	vimm.f32 $0.0e+00;
	v1 =	vimm.f32 $1.000000000e+00;
	s4 =	sadd.s32 $0xCE00, s5;
	s5 =	smax.u32 s6, $0x1;
	s6 =	simm.s32 $0x2800  }
.LBB2_1:
0xc: {  	[tilespmem:s6], [sflag:$0x1] =	stream.linear.gather [hbm4b:s3+s2], $0x2800, $0x38;
	[tilespmem:$0x5000] =	vst v63  }
0xd: {  	_ =	swait.ge [sflag:s7], $0x2800  }
0xe: {  	[sflag:s7] =	ssyncset.done $0x0  }
0xf: {  	s11 =	simm.s32 $0x0;
	[sflag:s7] =	ssyncadd.s32 $0xFFFFD800  }
.LBB2_2:
0x10: {  	p0 =	sne.s32 s11, $0x9FC0  }
.Ltmp0:
0x11: {  	_ = 	snop;
	(pc) =	sbr.rel @p0 .LBB2_2-.Ltmp0, $3  }
0x12: {  	_ =	sdelay $0x1  }
0x13: {  	s12 =	sshra.s32 s11, $0x2  }
0x14: {  	s11 =	sadd.s32 $0x40, s11;
	[tilespmem:s12+$0x0] =	vst v0  }
0x15: {  	s11 =	simm.s32 $0x0  }
.LBB2_4:
0x16: {  	s12 =	sshra.s32 s11, $0x2  }
0x17: {  	v2 =	vld [tilespmem:s12+$0x2800];
	_ =	sdelay $0x7  }
0x18: {  	[tilespmem:v2+s2+$0x0] =	vst.idx.add.f32.msk $0xffff, v1  }
0x19: {  	v2 =	vld [tilespmem:s12+$0x2810];
	_ =	sdelay $0x7  }
0x1a: {  	[tilespmem:v2+s2+$0x0] =	vst.idx.add.f32.msk $0xffff, v1  }
0x1b: {  	v2 =	vld [tilespmem:s12+$0x2820];
	_ =	sdelay $0x7  }
0x1c: {  	[tilespmem:v2+s2+$0x0] =	vst.idx.add.f32.msk $0xffff, v1  }
0x1d: {  	v2 =	vld [tilespmem:s12+$0x2830];
	_ =	sdelay $0x7  }
0x1e: {  	[tilespmem:v2+s2+$0x0] =	vst.idx.add.f32.msk $0xffff, v1  }
0x1f: {  	v2 =	vld [tilespmem:s12+$0x2840];
	_ =	sdelay $0x7  }
0x20: {  	[tilespmem:v2+s2+$0x0] =	vst.idx.add.f32.msk $0xffff, v1  }
0x21: {  	v2 =	vld [tilespmem:s12+$0x2850];
	_ =	sdelay $0x7  }
0x22: {  	[tilespmem:v2+s2+$0x0] =	vst.idx.add.f32.msk $0xffff, v1  }
0x23: {  	v2 =	vld [tilespmem:s12+$0x2860];
	_ =	sdelay $0x7  }
0x24: {  	[tilespmem:v2+s2+$0x0] =	vst.idx.add.f32.msk $0xffff, v1  }
0x25: {  	v2 =	vld [tilespmem:s12+$0x2870];
	_ =	sdelay $0x2  }
0x26: {  	p0 =	sne.s32 s11, $0x9E00  }
.Ltmp1:
0x27: {  	_ = 	snop;
	(pc) =	sbr.rel @p0 .LBB2_4-.Ltmp1, $2  }
0x28: {  	_ =	sdelay $0x2  }
0x29: {  	s11 =	sadd.s32 $0x200, s11;
	[tilespmem:v2+s2+$0x0] =	vst.idx.add.f32.msk $0xffff, v1  }
0x2a: {  	s10 =	sadd.s32 $0x1, s10  }
0x2b: {  	p0 =	sne.s32 s10, s5  }
.Ltmp2:
0x2c: {  	_ = 	snop;
	(pc) =	sbr.rel @p0 .LBB2_1-.Ltmp2, $4  }
0x2d: {  	[hbm4b:s4+s8] =	stream.strided.scatter [tilespmem:s2], [sflag:$0x1], $0x2800, s9, s8, $0x38;
	[tilespmem:$0x5000] =	vst v63  }
0x2e: {  	_ =	swait.ge [sflag:s7], $0x2800  }
0x2f: {  	[sflag:s7] =	ssyncset.done $0x0  }
0x30: {  	[sflag:s7] =	ssyncadd.s32 $0xFFFFD800  }
0x31: {  	_ =	sfence.sel $0x180000  }
0x32: {  	[bflag:$0x0] =	sbarrier.arrive $0xFFFF  }
0x33: {  	p0 =	sne.s32 s0, $0x0;
	_ =	strace $0x90000047  }
0x34: {  	s0 =	sadd.s32 @!p0 $0x100000, s1;
	[bflag:$0x2] =	sbarrier.arrive $0xFFFF  }
0x35: {  	[sflag:s0] =	ssyncadd.tile.s32 @!p0 $0x1;
	_ =	shalt  }
.Lfunc_end2:
_tile_overlayer_lowered:
.L_overlay_start_2:
0x36: {  	(tag) =	ssettag $0x2  }
0x37: {  	s0 =	rddreg [dreg:$0x0];
	s2 =	stileid.u32  }
0x38: {  	s1 =	rddreg [dreg:$0x1];
	p0 =	sne.s32 s2, $0x0  }
0x39: {  	s3 =	rddreg [dreg:$0x2];
	[bflag:$0x3] =	sbarrier.arrive $0xFFFF;
	s2 =	simm.s32 @!p0 $0x1C01  }
0x3a: {  	[timem:s3], [sflag:s2] =	dma.local @!p0 [hbm:s0], s1  }
0x3b: {  	s0 =	simm.s32 @!p0 $0x1  }
0x3c: {  	_ =	swait.ge @!p0 [sflag:s0], s1  }
0x3d: {  	s1 =	ssub.s32 @!p0 $0x0, s1;
	[sflag:s0] =	ssyncset.done @!p0 $0x0  }
0x3e: {  	[sflag:s0] =	ssyncadd.s32 @!p0 s1  }
0x3f: {  	[bflag:$0x3] =	sbarrier.arrive $0xFFFF  }
0x40: {  	_ =	shalt  }

</sc_bundles>
